<compile_context>
chip_gen: v7x
topology: tpu7x:2x2x1
jax: 0.10.2.dev20260603
libtpu: 0.0.44.dev20260713+nightly
codegen_flags: <defaults>
</compile_context>

<pallas_src>
import functools

import jax
import jax.numpy as jnp
from jax import lax
from jax.experimental import pallas as pl
from jax.experimental.pallas import tpu as pltpu
from jax.experimental.pallas import tpu_sc as plsc

N = 10000
E = 160000
D = 256
C = 40
H = 128
NC = 2
NS = 16
LN = 16

HQ = 128
NQ = D // HQ

ACC_ROWS = 10240
EPT = E // NS
CH = 128
NCHUNK = EPT // CH
TAIL = EPT - NCHUNK * CH
WPT = N // NS
ZPT = ACC_ROWS // NS

@functools.cache
def _mesh():
    return plsc.VectorSubcoreMesh(core_axis_name="c", subcore_axis_name="s",
                                  num_cores=NC, num_subcores=NS)



DCH = 2000
RED = ACC_ROWS // NS


def _deg_body(dst_hbm, out_hbm, dbuf, hist, tmp, accb, staging):
    c = lax.axis_index("c")
    s = lax.axis_index("s")
    ones = jnp.ones((LN,), jnp.float32)
    zeros = jnp.zeros((LN,), jnp.float32)

    def _zh(i, _):
        hist[pl.ds(i * LN, LN)] = zeros
        return 0

    lax.fori_loop(0, ACC_ROWS // LN, _zh, 0)

    def _stage(k, _):
        pltpu.sync_copy(dst_hbm.at[pl.ds(s * EPT + k * DCH, DCH)], dbuf)

        def _hist16(j, _):
            plsc.addupdate_scatter(hist, [dbuf[pl.ds(j * LN, LN)]], ones)
            return 0

        lax.fori_loop(0, DCH // LN, _hist16, 0)
        return 0

    lax.fori_loop(0, EPT // DCH, _stage, 0)
    pltpu.sync_copy(hist, staging.at[pl.ds(s * ACC_ROWS, ACC_ROWS)])
    plsc.subcore_barrier()

    @pl.when(c == 0)
    def _():
        def _zb(i, _):
            accb[pl.ds(i * LN, LN)] = zeros
            return 0

        lax.fori_loop(0, RED // LN, _zb, 0)

        def _red(s2, _):
            pltpu.sync_copy(
                staging.at[pl.ds(s2 * ACC_ROWS + s * RED, RED)], tmp)

            def _add16(i, _):
                accb[pl.ds(i * LN, LN)] = accb[pl.ds(i * LN, LN)] \
                    + tmp[pl.ds(i * LN, LN)]
                return 0

            lax.fori_loop(0, RED // LN, _add16, 0)
            return 0

        lax.fori_loop(0, NS, _red, 0)
        pltpu.sync_copy(accb, out_hbm.at[pl.ds(s * RED, RED)])


@functools.cache
def _deg_kernel():
    return pl.kernel(
        _deg_body,
        out_type=jax.ShapeDtypeStruct((ACC_ROWS,), jnp.float32),
        mesh=_mesh(),
        compiler_params=pltpu.CompilerParams(needs_layout_passes=False),
        scratch_types=[
            pltpu.VMEM((DCH,), jnp.int32),
            pltpu.VMEM((ACC_ROWS,), jnp.float32),
            pltpu.VMEM((RED,), jnp.float32),
            pltpu.VMEM((RED,), jnp.float32),
            pltpu.VMEM_SHARED((NS * ACC_ROWS,), jnp.float32),
        ],
    )


def _deg_call(dst):
    return _deg_kernel()(dst)



def _agg_body(y_hbm, src_hbm, dst_hbm, out_hbm,
              rows0, rows1, rows_t, sbuf0, sbuf1, dbuf0, dbuf1,
              sbuf_t, dbuf_t, acc,
              gsem0, gsem1, ssem0, ssem1, tsem):
    c = lax.axis_index("c")
    s = lax.axis_index("s")
    off = c * N
    rows = (rows0, rows1)
    sbuf = (sbuf0, sbuf1)
    dbuf = (dbuf0, dbuf1)
    gsem = (gsem0, gsem1)
    ssem = (ssem0, ssem1)

    def _zrow(i, _):
        def _z16(j, _):
            rows0[i, pl.ds(j * LN, LN)] = jnp.zeros((LN,), jnp.float32)
            return 0

        lax.fori_loop(0, H // LN, _z16, 0)
        return 0

    lax.fori_loop(0, CH, _zrow, 0)

    def _zero(j, _):
        pltpu.sync_copy(rows0, acc.at[pl.ds(s * ZPT + j * CH, CH)])
        return 0

    lax.fori_loop(0, ZPT // CH, _zero, 0)
    plsc.subcore_barrier()

    def _stage_src(k, p):
        e0 = s * EPT + k * CH
        pltpu.sync_copy(src_hbm.at[pl.ds(e0, CH)], sbuf[p])

        def _add_off(i, _):
            sbuf[p][pl.ds(i * LN, LN)] = sbuf[p][pl.ds(i * LN, LN)] + off
            return 0

        lax.fori_loop(0, CH // LN, _add_off, 0)

    def _stage_dst(k, p):
        e0 = s * EPT + k * CH
        pltpu.sync_copy(dst_hbm.at[pl.ds(e0, CH)], dbuf[p])

    _stage_src(0, 0)
    _stage_dst(0, 0)
    pltpu.async_copy(y_hbm.at[sbuf0], rows0, gsem0)

    def _pipe(kk, _):
        for p in (0, 1):
            q = 1 - p
            k = 2 * kk + p
            pltpu.make_async_copy(y_hbm.at[sbuf[p]], rows[p], gsem[p]).wait()

            @pl.when(k < NCHUNK - 1)
            def _():
                _stage_src(k + 1, q)

            @pl.when(k > 0)
            def _():
                pltpu.make_async_copy(
                    rows[q], acc.at[dbuf[q]], ssem[q]).wait()

            pltpu.async_copy(rows[p], acc.at[dbuf[p]], ssem[p], add=True)

            @pl.when(k < NCHUNK - 1)
            def _():
                _stage_dst(k + 1, q)
                pltpu.async_copy(y_hbm.at[sbuf[q]], rows[q], gsem[q])
        return 0

    lax.fori_loop(0, NCHUNK // 2, _pipe, 0)
    pltpu.make_async_copy(rows1, acc.at[dbuf1], ssem1).wait()

    e0 = s * EPT + NCHUNK * CH
    pltpu.sync_copy(src_hbm.at[pl.ds(e0, TAIL)], sbuf_t)
    pltpu.sync_copy(dst_hbm.at[pl.ds(e0, TAIL)], dbuf_t)

    def _add_off_t(i, _):
        sbuf_t[pl.ds(i * LN, LN)] = sbuf_t[pl.ds(i * LN, LN)] + off
        return 0

    lax.fori_loop(0, TAIL // LN, _add_off_t, 0)
    pltpu.async_copy(y_hbm.at[sbuf_t], rows_t, tsem).wait()
    pltpu.sync_copy(rows_t, acc.at[dbuf_t], add=True)

    plsc.subcore_barrier()
    pltpu.sync_copy(acc.at[pl.ds(s * ZPT, ZPT)],
                    out_hbm.at[pl.ds(c * ACC_ROWS + s * ZPT, ZPT)])


@functools.cache
def _agg_kernel():
    return pl.kernel(
        _agg_body,
        out_type=jax.ShapeDtypeStruct((NC * ACC_ROWS, H), jnp.float32),
        mesh=_mesh(),
        scratch_types=[
            pltpu.VMEM((CH, H), jnp.float32),
            pltpu.VMEM((CH, H), jnp.float32),
            pltpu.VMEM((TAIL, H), jnp.float32),
            pltpu.VMEM((CH,), jnp.int32),
            pltpu.VMEM((CH,), jnp.int32),
            pltpu.VMEM((CH,), jnp.int32),
            pltpu.VMEM((CH,), jnp.int32),
            pltpu.VMEM((TAIL,), jnp.int32),
            pltpu.VMEM((TAIL,), jnp.int32),
            pltpu.VMEM_SHARED((ACC_ROWS, H), jnp.float32),
            pltpu.SemaphoreType.DMA,
            pltpu.SemaphoreType.DMA,
            pltpu.SemaphoreType.DMA,
            pltpu.SemaphoreType.DMA,
            pltpu.SemaphoreType.DMA,
        ],
    )


def _agg_call(y, src2d, dst2d):
    return _agg_kernel()(y, src2d, dst2d)



MB = 1024
NBLK = (N + MB - 1) // MB


def _tc_a_body(x_ref, w_ref, deg_ref, o_ref, dinv_ref):
    deg = deg_ref[...]
    dinv = jnp.where(deg > 0, lax.rsqrt(deg), 0.0)
    y = jnp.dot(x_ref[...], w_ref[...], preferred_element_type=jnp.float32)
    y = y * dinv
    for q in range(NQ):
        o_ref[q] = y[:, q * HQ:(q + 1) * HQ]
    dinv_ref[...] = dinv


def _tc_a(x, w1, deg2):
    return pl.pallas_call(
        _tc_a_body,
        grid=(NBLK,),
        in_specs=[
            pl.BlockSpec((MB, D), lambda i: (i, 0)),
            pl.BlockSpec((D, D), lambda i: (0, 0)),
            pl.BlockSpec((MB, 1), lambda i: (i, 0)),
        ],
        out_specs=[
            pl.BlockSpec((NQ, MB, HQ), lambda i: (0, i, 0)),
            pl.BlockSpec((MB, 1), lambda i: (i, 0)),
        ],
        out_shape=[
            jax.ShapeDtypeStruct((NQ, N, HQ), jnp.float32),
            jax.ShapeDtypeStruct((N, 1), jnp.float32),
        ],
    )(x, w1, deg2)


def _tc_b_body(agg_ref, dinv_ref, b1_ref, a1_ref, w2_ref, rw_ref, rb_ref,
               y2_ref, r_ref):
    dinv = dinv_ref[...]
    pre = jnp.concatenate([agg_ref[q] for q in range(NQ)], axis=1) * dinv \
        + b1_ref[...]
    h = jnp.where(pre >= 0, pre, a1_ref[...] * pre)
    y2 = jnp.dot(h, w2_ref[...], preferred_element_type=jnp.float32) * dinv
    for q in range(NQ):
        y2_ref[q] = y2[:, q * HQ:(q + 1) * HQ]
    r_ref[...] = jnp.dot(h, rw_ref[...], preferred_element_type=jnp.float32) \
        + rb_ref[...]


def _tc_b(agg1, dinv2, b1, a1, w2, rw, rb):
    return pl.pallas_call(
        _tc_b_body,
        grid=(NBLK,),
        in_specs=[
            pl.BlockSpec((NQ, MB, HQ), lambda i: (0, i, 0)),
            pl.BlockSpec((MB, 1), lambda i: (i, 0)),
            pl.BlockSpec((1, D), lambda i: (0, 0)),
            pl.BlockSpec((1, D), lambda i: (0, 0)),
            pl.BlockSpec((D, D), lambda i: (0, 0)),
            pl.BlockSpec((D, D), lambda i: (0, 0)),
            pl.BlockSpec((1, D), lambda i: (0, 0)),
        ],
        out_specs=[
            pl.BlockSpec((NQ, MB, HQ), lambda i: (0, i, 0)),
            pl.BlockSpec((MB, D), lambda i: (i, 0)),
        ],
        out_shape=[
            jax.ShapeDtypeStruct((NQ, N, HQ), jnp.float32),
            jax.ShapeDtypeStruct((N, D), jnp.float32),
        ],
    )(agg1, dinv2, b1, a1, w2, rw, rb)


def _tc_c_body(agg_ref, dinv_ref, b2_ref, a2_ref, r_ref, wc_ref, bc_ref, o_ref):
    dinv = dinv_ref[...]
    pre = jnp.concatenate([agg_ref[q] for q in range(NQ)], axis=1) * dinv \
        + b2_ref[...] + r_ref[...]
    h2 = jnp.where(pre >= 0, pre, a2_ref[...] * pre)
    o_ref[...] = jnp.dot(h2, wc_ref[...], preferred_element_type=jnp.float32) \
        + bc_ref[...]


def _tc_c(agg2, dinv2, b2, a2, r, wc, bc):
    return pl.pallas_call(
        _tc_c_body,
        grid=(NBLK,),
        in_specs=[
            pl.BlockSpec((NQ, MB, HQ), lambda i: (0, i, 0)),
            pl.BlockSpec((MB, 1), lambda i: (i, 0)),
            pl.BlockSpec((1, D), lambda i: (0, 0)),
            pl.BlockSpec((1, D), lambda i: (0, 0)),
            pl.BlockSpec((MB, D), lambda i: (i, 0)),
            pl.BlockSpec((D, C), lambda i: (0, 0)),
            pl.BlockSpec((1, C), lambda i: (0, 0)),
        ],
        out_specs=pl.BlockSpec((MB, C), lambda i: (i, 0)),
        out_shape=jax.ShapeDtypeStruct((N, C), jnp.float32),
    )(agg2, dinv2, b2, a2, r, wc, bc)



def kernel(x, edge_index, W1, b1, a1, W2, b2, a2, resW, resb, Wc, bc):
    src = edge_index[0]
    dst = edge_index[1]
    deg = _deg_call(dst)
    deg2 = deg[:N].reshape(N, 1)
    y1, dinv2 = _tc_a(x, W1, deg2)
    agg1 = _agg_call(y1.reshape(NQ * N, HQ), src,
                     dst).reshape(NQ, ACC_ROWS, HQ)
    y2, r = _tc_b(agg1, dinv2, b1.reshape(1, D), a1.reshape(1, D),
                  W2, resW, resb.reshape(1, D))
    agg2 = _agg_call(y2.reshape(NQ * N, HQ), src,
                     dst).reshape(NQ, ACC_ROWS, HQ)
    return _tc_c(agg2, dinv2, b2.reshape(1, D), a2.reshape(1, D),
                 r, Wc, bc.reshape(1, C))

# --- scband reference (transcript-rebuilt; emitter-appended) ---
"""Pipeline reference for scband-model-72335839199708 (READ-ONLY COPY).

The authoritative reference and input builder live on the scoring server;
editing this copy changes nothing except your own understanding.
"""

import jax, jax.numpy as jnp
import numpy as np

N = 10000
E = 160000
D = 256
C = 40


def gcn_conv(x, W, b, src, dst, n):
    # PyG GCNConv with add_self_loops=False: out = D^{-1/2} A D^{-1/2} (X W) + b
    xw = x @ W
    deg = jnp.zeros((n,), dtype=x.dtype).at[dst].add(1.0)
    dinv = jnp.where(deg > 0, 1.0 / jnp.sqrt(jnp.where(deg > 0, deg, 1.0)), 0.0)
    norm = dinv[src] * dinv[dst]
    msg = xw[src] * norm[:, None]
    out = jnp.zeros_like(xw).at[dst].add(msg)
    return out + b


def prelu(x, a):
    return jnp.where(x >= 0, x, a * x)


def setup_inputs(seed: int = 0) -> dict:
    key = jax.random.key(seed)
    ks = [jax.random.fold_in(key, i) for i in range(16)]
    x = jax.random.normal(ks[0], (N, D), dtype=jnp.float32)
    edge_index = jax.random.randint(ks[1], (2, E), 0, N, dtype=jnp.int32)
    s = 1.0 / np.sqrt(D)
    W1 = jax.random.normal(ks[2], (D, D), dtype=jnp.float32) * s
    b1 = jnp.zeros((D,), dtype=jnp.float32)
    a1 = jnp.full((D,), 0.25, dtype=jnp.float32)
    W2 = jax.random.normal(ks[3], (D, D), dtype=jnp.float32) * s
    b2 = jnp.zeros((D,), dtype=jnp.float32)
    a2 = jnp.full((D,), 0.25, dtype=jnp.float32)
    resW = jax.random.normal(ks[4], (D, D), dtype=jnp.float32) * s
    resb = jnp.zeros((D,), dtype=jnp.float32)
    Wc = jax.random.normal(ks[5], (D, C), dtype=jnp.float32) * s
    bc = jnp.zeros((C,), dtype=jnp.float32)
    return {"x": x, "edge_index": edge_index, "W1": W1, "b1": b1, "a1": a1,
            "W2": W2, "b2": b2, "a2": a2, "resW": resW, "resb": resb,
            "Wc": Wc, "bc": bc}


def reference(x, edge_index, W1, b1, a1, W2, b2, a2, resW, resb, Wc, bc):
    src = edge_index[0]
    dst = edge_index[1]
    n = x.shape[0]
    # layer 0: conv -> PReLU -> dropout(eval no-op)
    h = gcn_conv(x, W1, b1, src, dst, n)
    h = prelu(h, a1)
    # layer 1: conv + residual linear of previous h -> PReLU -> dropout(eval no-op)
    h2 = gcn_conv(h, W2, b2, src, dst, n) + (h @ resW + resb)
    h2 = prelu(h2, a2)
    # classifier
    return h2 @ Wc + bc

if __name__ == "__main__":
    import jax
    _d = setup_inputs()
    print(jax.jit(kernel)(*tuple(_d.values())))

</pallas_src>

<mosaic_0001>
#map = affine_map<(d0, d1) -> (0)>
module attributes {stable_mosaic.version = 14 : i64} {
  func.func @_deg_body(%arg0: i32, %arg1: i32, %arg2: memref<160000xi32, #tpu.memory_space<hbm>>, %arg3: memref<10240xf32, #tpu.memory_space<hbm>>, %arg4: memref<2000xi32, #tpu.memory_space<vmem>>, %arg5: memref<10240xf32, #tpu.memory_space<vmem>>, %arg6: memref<640xf32, #tpu.memory_space<vmem>>, %arg7: memref<640xf32, #tpu.memory_space<vmem>>, %arg8: memref<163840xf32, #tpu.memory_space<vmem_shared>>) attributes {dimension_semantics = [#tpu.dimension_semantics<core_parallel>, #tpu.dimension_semantics<subcore_parallel>], iteration_bounds = array<i64: 2, 16>, scalar_prefetch = 0 : i64, scratch_operands = 5 : i64, tpu.core_type = #tpu.core_type<sc_vector_subcore>, window_params = [{transform_indices = #map}, {transform_indices = #map}]} {
    %broadcast_in_dim3A = arith.constant 1.000000e+00 : f32
    %broadcast_in_dim3A_0 = vector.broadcast %broadcast_in_dim3A : f32 to vector<16xf32>
    %broadcast_in_dim3A_1 = arith.constant 0.000000e+00 : f32
    %broadcast_in_dim3A_2 = vector.broadcast %broadcast_in_dim3A_1 : f32 to vector<16xf32>
    %scan3A = arith.constant 0 : i32
    %scan3A_3 = arith.constant 0 : i32
    %scan3A_4 = arith.constant 640 : i32
    %scan3A_5 = arith.addi %scan3A_3, %scan3A_4 : i32
    %scan3A_6 = arith.constant 1 : i32
    %scan3A_7 = scf.for %scan3A_19 = %scan3A_3 to %scan3A_5 step %scan3A_6 iter_args(%scan3A_20 = %scan3A) -> (i32)  : i32 {
      %mul3A_21 = arith.constant 16 : i32
      %mul3A_22 = arith.muli %scan3A_19, %mul3A_21 : i32
      %swap3A = arith.index_cast %mul3A_22 : i32 to index
      %swap3A_23 = tpu.vector_load %arg5[%swap3A] {strides = array<i32>} : memref<10240xf32, #tpu.memory_space<vmem>>, vector<16xf32>,
      tpu.vector_store %arg5[%swap3A], %broadcast_in_dim3A_2 {strides = array<i32>} : memref<10240xf32, #tpu.memory_space<vmem>>, vector<16xf32>,
      %scan3A_24 = arith.constant 0 : i32
      scf.yield %scan3A_24 : i32
    }
    %scan3A_8 = arith.constant 640 : i32
    %scan3A_9 = arith.constant 0 : i32
    %scan3A_10 = arith.constant 0 : i32
    %scan3A_11 = arith.constant 5 : i32
    %scan3A_12 = arith.addi %scan3A_10, %scan3A_11 : i32
    %scan3A_13 = arith.constant 1 : i32
    %scan3A_14 = scf.for %scan3A_19 = %scan3A_10 to %scan3A_12 step %scan3A_13 iter_args(%scan3A_20 = %scan3A_9) -> (i32)  : i32 {
      %mul3A_21 = arith.constant 10000 : i32
      %mul3A_22 = arith.muli %arg1, %mul3A_21 : i32
      %mul3A_23 = arith.constant 2000 : i32
      %mul3A_24 = arith.muli %scan3A_19, %mul3A_23 : i32
      %add3A = arith.addi %mul3A_22, %mul3A_24 : i32
      "tpu.region"() ({
        %run_scoped3A = tpu.sem_alloc : memref<!tpu.dma_semaphore, #tpu.memory_space<semaphore_mem>>
        %dma_start3A = tpu.memref_slice %arg2[%add3A] : memref<160000xi32, #tpu.memory_space<hbm>> -> memref<2000xi32, #tpu.memory_space<hbm>>
        %dma_start3A_33 = tpu.memref_slice %arg2[%add3A] : memref<160000xi32, #tpu.memory_space<hbm>> -> memref<2000xi32, #tpu.memory_space<hbm>>
        tpu.enqueue_dma source(%dma_start3A_33 : memref<2000xi32, #tpu.memory_space<hbm>>) target(%arg4 : memref<2000xi32, #tpu.memory_space<vmem>>) target_semaphore(%run_scoped3A : memref<!tpu.dma_semaphore, #tpu.memory_space<semaphore_mem>>)
        %dma_wait3A = tpu.memref_slice %arg2[%add3A] : memref<160000xi32, #tpu.memory_space<hbm>> -> memref<2000xi32, #tpu.memory_space<hbm>>
        %dma_wait3A_34 = tpu.memref_slice %arg2[%add3A] : memref<160000xi32, #tpu.memory_space<hbm>> -> memref<2000xi32, #tpu.memory_space<hbm>>
        tpu.wait_dma2 semaphore(%run_scoped3A : memref<!tpu.dma_semaphore, #tpu.memory_space<semaphore_mem>>) src(%dma_wait3A_34 : memref<2000xi32, #tpu.memory_space<hbm>>) dst(%arg4 : memref<2000xi32, #tpu.memory_space<vmem>>)
        tpu.yield
      }) : () -> ()
      %scan3A_25 = arith.constant 0 : i32
      %scan3A_26 = arith.constant 0 : i32
      %scan3A_27 = arith.constant 125 : i32
      %scan3A_28 = arith.addi %scan3A_26, %scan3A_27 : i32
      %scan3A_29 = arith.constant 1 : i32
      %scan3A_30 = scf.for %scan3A_33 = %scan3A_26 to %scan3A_28 step %scan3A_29 iter_args(%scan3A_34 = %scan3A_25) -> (i32)  : i32 {
        %mul3A_35 = arith.constant 16 : i32
        %mul3A_36 = arith.muli %scan3A_33, %mul3A_35 : i32
        %get3A = arith.index_cast %mul3A_36 : i32 to index
        %get3A_37 = tpu.vector_load %arg4[%get3A] {strides = array<i32>} : memref<2000xi32, #tpu.memory_space<vmem>>, vector<16xi32>,
        tpu.vector_store_idx %arg5[%get3A_37], %broadcast_in_dim3A_0 {add = true} : memref<10240xf32, #tpu.memory_space<vmem>>[vector<16xi32>], vector<16xf32>,
        %scan3A_38 = arith.constant 0 : i32
        scf.yield %scan3A_38 : i32
      }
      %scan3A_31 = arith.constant 125 : i32
      %scan3A_32 = arith.constant 0 : i32
      scf.yield %scan3A_32 : i32
    }
    %scan3A_15 = arith.constant 5 : i32
    %mul3A = arith.constant 10240 : i32
    %mul3A_16 = arith.muli %arg1, %mul3A : i32
    "tpu.region"() ({
      %run_scoped3A = tpu.sem_alloc : memref<!tpu.dma_semaphore, #tpu.memory_space<semaphore_mem>>
      %dma_start3A = tpu.memref_slice %arg8[%mul3A_16] : memref<163840xf32, #tpu.memory_space<vmem_shared>> -> memref<10240xf32, #tpu.memory_space<vmem_shared>>
      %dma_start3A_19 = tpu.memref_slice %arg8[%mul3A_16] : memref<163840xf32, #tpu.memory_space<vmem_shared>> -> memref<10240xf32, #tpu.memory_space<vmem_shared>>
      tpu.enqueue_dma source(%arg5 : memref<10240xf32, #tpu.memory_space<vmem>>) target(%dma_start3A_19 : memref<10240xf32, #tpu.memory_space<vmem_shared>>) target_semaphore(%run_scoped3A : memref<!tpu.dma_semaphore, #tpu.memory_space<semaphore_mem>>)
      %dma_wait3A = tpu.memref_slice %arg8[%mul3A_16] : memref<163840xf32, #tpu.memory_space<vmem_shared>> -> memref<10240xf32, #tpu.memory_space<vmem_shared>>
      %dma_wait3A_20 = tpu.memref_slice %arg8[%mul3A_16] : memref<163840xf32, #tpu.memory_space<vmem_shared>> -> memref<10240xf32, #tpu.memory_space<vmem_shared>>
      tpu.wait_dma2 semaphore(%run_scoped3A : memref<!tpu.dma_semaphore, #tpu.memory_space<semaphore_mem>>) src(%arg5 : memref<10240xf32, #tpu.memory_space<vmem>>) dst(%dma_wait3A_20 : memref<10240xf32, #tpu.memory_space<vmem_shared>>)
      tpu.yield
    }) : () -> ()
    %barrier3A = arith.constant 0 : index
    tpu.barrier barrier_id(%barrier3A)
    %eq3A = arith.constant 0 : i32
    %eq3A_17 = arith.cmpi eq, %arg0, %eq3A : i32
    %convert_element_type3A = arith.extui %eq3A_17 : i1 to i32
    %cond3A = arith.constant 0 : i32
    %cond3A_18 = arith.cmpi ne, %convert_element_type3A, %cond3A : i32
    scf.if %cond3A_18 {
      %scan3A_19 = arith.constant 0 : i32
      %scan3A_20 = arith.constant 0 : i32
      %scan3A_21 = arith.constant 40 : i32
      %scan3A_22 = arith.addi %scan3A_20, %scan3A_21 : i32
      %scan3A_23 = arith.constant 1 : i32
      %scan3A_24 = scf.for %scan3A_35 = %scan3A_20 to %scan3A_22 step %scan3A_23 iter_args(%scan3A_36 = %scan3A_19) -> (i32)  : i32 {
        %mul3A_37 = arith.constant 16 : i32
        %mul3A_38 = arith.muli %scan3A_35, %mul3A_37 : i32
        %swap3A = arith.index_cast %mul3A_38 : i32 to index
        %swap3A_39 = tpu.vector_load %arg7[%swap3A] {strides = array<i32>} : memref<640xf32, #tpu.memory_space<vmem>>, vector<16xf32>,
        tpu.vector_store %arg7[%swap3A], %broadcast_in_dim3A_2 {strides = array<i32>} : memref<640xf32, #tpu.memory_space<vmem>>, vector<16xf32>,
        %scan3A_40 = arith.constant 0 : i32
        scf.yield %scan3A_40 : i32
      }
      %scan3A_25 = arith.constant 40 : i32
      %scan3A_26 = arith.constant 0 : i32
      %scan3A_27 = arith.constant 0 : i32
      %scan3A_28 = arith.constant 16 : i32
      %scan3A_29 = arith.addi %scan3A_27, %scan3A_28 : i32
      %scan3A_30 = arith.constant 1 : i32
      %scan3A_31 = scf.for %scan3A_35 = %scan3A_27 to %scan3A_29 step %scan3A_30 iter_args(%scan3A_36 = %scan3A_26) -> (i32)  : i32 {
        %mul3A_37 = arith.constant 10240 : i32
        %mul3A_38 = arith.muli %scan3A_35, %mul3A_37 : i32
        %mul3A_39 = arith.constant 640 : i32
        %mul3A_40 = arith.muli %arg1, %mul3A_39 : i32
        %add3A = arith.addi %mul3A_38, %mul3A_40 : i32
        "tpu.region"() ({
          %run_scoped3A = tpu.sem_alloc : memref<!tpu.dma_semaphore, #tpu.memory_space<semaphore_mem>>
          %dma_start3A = tpu.memref_slice %arg8[%add3A] : memref<163840xf32, #tpu.memory_space<vmem_shared>> -> memref<640xf32, #tpu.memory_space<vmem_shared>>
          %dma_start3A_49 = tpu.memref_slice %arg8[%add3A] : memref<163840xf32, #tpu.memory_space<vmem_shared>> -> memref<640xf32, #tpu.memory_space<vmem_shared>>
          tpu.enqueue_dma source(%dma_start3A_49 : memref<640xf32, #tpu.memory_space<vmem_shared>>) target(%arg6 : memref<640xf32, #tpu.memory_space<vmem>>) target_semaphore(%run_scoped3A : memref<!tpu.dma_semaphore, #tpu.memory_space<semaphore_mem>>)
          %dma_wait3A = tpu.memref_slice %arg8[%add3A] : memref<163840xf32, #tpu.memory_space<vmem_shared>> -> memref<640xf32, #tpu.memory_space<vmem_shared>>
          %dma_wait3A_50 = tpu.memref_slice %arg8[%add3A] : memref<163840xf32, #tpu.memory_space<vmem_shared>> -> memref<640xf32, #tpu.memory_space<vmem_shared>>
          tpu.wait_dma2 semaphore(%run_scoped3A : memref<!tpu.dma_semaphore, #tpu.memory_space<semaphore_mem>>) src(%dma_wait3A_50 : memref<640xf32, #tpu.memory_space<vmem_shared>>) dst(%arg6 : memref<640xf32, #tpu.memory_space<vmem>>)
          tpu.yield
        }) : () -> ()
        %scan3A_41 = arith.constant 0 : i32
        %scan3A_42 = arith.constant 0 : i32
        %scan3A_43 = arith.constant 40 : i32
        %scan3A_44 = arith.addi %scan3A_42, %scan3A_43 : i32
        %scan3A_45 = arith.constant 1 : i32
        %scan3A_46 = scf.for %scan3A_49 = %scan3A_42 to %scan3A_44 step %scan3A_45 iter_args(%scan3A_50 = %scan3A_41) -> (i32)  : i32 {
          %mul3A_51 = arith.constant 16 : i32
          %mul3A_52 = arith.muli %scan3A_49, %mul3A_51 : i32
          %get3A = arith.index_cast %mul3A_52 : i32 to index
          %get3A_53 = tpu.vector_load %arg7[%get3A] {strides = array<i32>} : memref<640xf32, #tpu.memory_space<vmem>>, vector<16xf32>,
          %mul3A_54 = arith.constant 16 : i32
          %mul3A_55 = arith.muli %scan3A_49, %mul3A_54 : i32
          %get3A_56 = arith.index_cast %mul3A_55 : i32 to index
          %get3A_57 = tpu.vector_load %arg6[%get3A_56] {strides = array<i32>} : memref<640xf32, #tpu.memory_space<vmem>>, vector<16xf32>,
          %add3A_58 = arith.addf %get3A_53, %get3A_57 : vector<16xf32>
          %mul3A_59 = arith.constant 16 : i32
          %mul3A_60 = arith.muli %scan3A_49, %mul3A_59 : i32
          %swap3A = arith.index_cast %mul3A_60 : i32 to index
          %swap3A_61 = tpu.vector_load %arg7[%swap3A] {strides = array<i32>} : memref<640xf32, #tpu.memory_space<vmem>>, vector<16xf32>,
          tpu.vector_store %arg7[%swap3A], %add3A_58 {strides = array<i32>} : memref<640xf32, #tpu.memory_space<vmem>>, vector<16xf32>,
          %scan3A_62 = arith.constant 0 : i32
          scf.yield %scan3A_62 : i32
        }
        %scan3A_47 = arith.constant 40 : i32
        %scan3A_48 = arith.constant 0 : i32
        scf.yield %scan3A_48 : i32
      }
      %scan3A_32 = arith.constant 16 : i32
      %mul3A_33 = arith.constant 640 : i32
      %mul3A_34 = arith.muli %arg1, %mul3A_33 : i32
      "tpu.region"() ({
        %run_scoped3A = tpu.sem_alloc : memref<!tpu.dma_semaphore, #tpu.memory_space<semaphore_mem>>
        %dma_start3A = tpu.memref_slice %arg3[%mul3A_34] : memref<10240xf32, #tpu.memory_space<hbm>> -> memref<640xf32, #tpu.memory_space<hbm>>
        %dma_start3A_35 = tpu.memref_slice %arg3[%mul3A_34] : memref<10240xf32, #tpu.memory_space<hbm>> -> memref<640xf32, #tpu.memory_space<hbm>>
        tpu.enqueue_dma source(%arg7 : memref<640xf32, #tpu.memory_space<vmem>>) target(%dma_start3A_35 : memref<640xf32, #tpu.memory_space<hbm>>) target_semaphore(%run_scoped3A : memref<!tpu.dma_semaphore, #tpu.memory_space<semaphore_mem>>)
        %dma_wait3A = tpu.memref_slice %arg3[%mul3A_34] : memref<10240xf32, #tpu.memory_space<hbm>> -> memref<640xf32, #tpu.memory_space<hbm>>
        %dma_wait3A_36 = tpu.memref_slice %arg3[%mul3A_34] : memref<10240xf32, #tpu.memory_space<hbm>> -> memref<640xf32, #tpu.memory_space<hbm>>
        tpu.wait_dma2 semaphore(%run_scoped3A : memref<!tpu.dma_semaphore, #tpu.memory_space<semaphore_mem>>) src(%arg7 : memref<640xf32, #tpu.memory_space<vmem>>) dst(%dma_wait3A_36 : memref<640xf32, #tpu.memory_space<hbm>>)
        tpu.yield
      }) : () -> ()
    } else {
    }
    return
  }
}

#map = affine_map<(d0, d1) -> (0, 0)>
#map1 = affine_map<(d0, d1) -> (0)>
module attributes {stable_mosaic.version = 14 : i64} {
  func.func @_agg_body(%arg0: i32, %arg1: i32, %arg2: memref<20000x128xf32, #tpu.memory_space<hbm>>, %arg3: memref<160000xi32, #tpu.memory_space<hbm>>, %arg4: memref<160000xi32, #tpu.memory_space<hbm>>, %arg5: memref<20480x128xf32, #tpu.memory_space<hbm>>, %arg6: memref<128x128xf32, #tpu.memory_space<vmem>>, %arg7: memref<128x128xf32, #tpu.memory_space<vmem>>, %arg8: memref<16x128xf32, #tpu.memory_space<vmem>>, %arg9: memref<128xi32, #tpu.memory_space<vmem>>, %arg10: memref<128xi32, #tpu.memory_space<vmem>>, %arg11: memref<128xi32, #tpu.memory_space<vmem>>, %arg12: memref<128xi32, #tpu.memory_space<vmem>>, %arg13: memref<16xi32, #tpu.memory_space<vmem>>, %arg14: memref<16xi32, #tpu.memory_space<vmem>>, %arg15: memref<10240x128xf32, #tpu.memory_space<vmem_shared>>, %arg16: memref<!tpu.dma_semaphore, #tpu.memory_space<semaphore_mem>>, %arg17: memref<!tpu.dma_semaphore, #tpu.memory_space<semaphore_mem>>, %arg18: memref<!tpu.dma_semaphore, #tpu.memory_space<semaphore_mem>>, %arg19: memref<!tpu.dma_semaphore, #tpu.memory_space<semaphore_mem>>, %arg20: memref<!tpu.dma_semaphore, #tpu.memory_space<semaphore_mem>>) attributes {dimension_semantics = [#tpu.dimension_semantics<core_parallel>, #tpu.dimension_semantics<subcore_parallel>], iteration_bounds = array<i64: 2, 16>, scalar_prefetch = 0 : i64, scratch_operands = 15 : i64, tpu.core_type = #tpu.core_type<sc_vector_subcore>, window_params = [{transform_indices = #map}, {transform_indices = #map1}, {transform_indices = #map1}, {transform_indices = #map}]} {
    %mul3A = arith.constant 10000 : i32
    %mul3A_0 = arith.muli %arg0, %mul3A : i32
    %scan3A = arith.constant 0 : i32
    %scan3A_1 = arith.constant 0 : i32
    %scan3A_2 = arith.constant 128 : i32
    %scan3A_3 = arith.addi %scan3A_1, %scan3A_2 : i32
    %scan3A_4 = arith.constant 1 : i32
    %scan3A_5 = scf.for %scan3A_72 = %scan3A_1 to %scan3A_3 step %scan3A_4 iter_args(%scan3A_73 = %scan3A) -> (i32)  : i32 {
      %scan3A_74 = arith.constant 0 : i32
      %scan3A_75 = arith.constant 0 : i32
      %scan3A_76 = arith.constant 8 : i32
      %scan3A_77 = arith.addi %scan3A_75, %scan3A_76 : i32
      %scan3A_78 = arith.constant 1 : i32
      %scan3A_79 = scf.for %scan3A_82 = %scan3A_75 to %scan3A_77 step %scan3A_78 iter_args(%scan3A_83 = %scan3A_74) -> (i32)  : i32 {
        %broadcast_in_dim3A = arith.constant 0.000000e+00 : f32
        %broadcast_in_dim3A_84 = vector.broadcast %broadcast_in_dim3A : f32 to vector<16xf32>
        %mul3A_85 = arith.constant 16 : i32
        %mul3A_86 = arith.muli %scan3A_82, %mul3A_85 : i32
        %swap3A_87 = arith.index_cast %scan3A_72 : i32 to index
        %swap3A_88 = arith.index_cast %mul3A_86 : i32 to index
        %swap3A_89 = tpu.vector_load %arg6[%swap3A_87, %swap3A_88] {strides = array<i32>} : memref<128x128xf32, #tpu.memory_space<vmem>>, vector<1x16xf32>,
        %swap3A_90 = vector.shape_cast %swap3A_89 : vector<1x16xf32> to vector<16xf32>
        %swap3A_91 = vector.shape_cast %broadcast_in_dim3A_84 : vector<16xf32> to vector<1x16xf32>
        tpu.vector_store %arg6[%swap3A_87, %swap3A_88], %swap3A_91 {strides = array<i32>} : memref<128x128xf32, #tpu.memory_space<vmem>>, vector<1x16xf32>,
        %scan3A_92 = arith.constant 0 : i32
        scf.yield %scan3A_92 : i32
      }
      %scan3A_80 = arith.constant 8 : i32
      %scan3A_81 = arith.constant 0 : i32
      scf.yield %scan3A_81 : i32
    }
    %scan3A_6 = arith.constant 128 : i32
    %scan3A_7 = arith.constant 0 : i32
    %scan3A_8 = arith.constant 0 : i32
    %scan3A_9 = arith.constant 5 : i32
    %scan3A_10 = arith.addi %scan3A_8, %scan3A_9 : i32
    %scan3A_11 = arith.constant 1 : i32
    %scan3A_12 = scf.for %scan3A_72 = %scan3A_8 to %scan3A_10 step %scan3A_11 iter_args(%scan3A_73 = %scan3A_7) -> (i32)  : i32 {
      %mul3A_74 = arith.constant 640 : i32
      %mul3A_75 = arith.muli %arg1, %mul3A_74 : i32
      %mul3A_76 = arith.constant 128 : i32
      %mul3A_77 = arith.muli %scan3A_72, %mul3A_76 : i32
      %add3A_78 = arith.addi %mul3A_75, %mul3A_77 : i32
      "tpu.region"() ({
        %run_scoped3A = tpu.sem_alloc : memref<!tpu.dma_semaphore, #tpu.memory_space<semaphore_mem>>
        %dma_start3A_80 = arith.constant 0 : i32
        %dma_start3A_81 = tpu.memref_slice %arg15[%add3A_78, %dma_start3A_80] : memref<10240x128xf32, #tpu.memory_space<vmem_shared>> -> memref<128x128xf32, #tpu.memory_space<vmem_shared>>
        %dma_start3A_82 = arith.constant 0 : i32
        %dma_start3A_83 = tpu.memref_slice %arg15[%add3A_78, %dma_start3A_82] : memref<10240x128xf32, #tpu.memory_space<vmem_shared>> -> memref<128x128xf32, #tpu.memory_space<vmem_shared>>
        tpu.enqueue_dma source(%arg6 : memref<128x128xf32, #tpu.memory_space<vmem>>) target(%dma_start3A_83 : memref<128x128xf32, #tpu.memory_space<vmem_shared>>) target_semaphore(%run_scoped3A : memref<!tpu.dma_semaphore, #tpu.memory_space<semaphore_mem>>)
        %dma_wait3A_84 = arith.constant 0 : i32
        %dma_wait3A_85 = tpu.memref_slice %arg15[%add3A_78, %dma_wait3A_84] : memref<10240x128xf32, #tpu.memory_space<vmem_shared>> -> memref<128x128xf32, #tpu.memory_space<vmem_shared>>
        %dma_wait3A_86 = arith.constant 0 : i32
        %dma_wait3A_87 = tpu.memref_slice %arg15[%add3A_78, %dma_wait3A_86] : memref<10240x128xf32, #tpu.memory_space<vmem_shared>> -> memref<128x128xf32, #tpu.memory_space<vmem_shared>>
        tpu.wait_dma2 semaphore(%run_scoped3A : memref<!tpu.dma_semaphore, #tpu.memory_space<semaphore_mem>>) src(%arg6 : memref<128x128xf32, #tpu.memory_space<vmem>>) dst(%dma_wait3A_87 : memref<128x128xf32, #tpu.memory_space<vmem_shared>>)
        tpu.yield
      }) : () -> ()
      %scan3A_79 = arith.constant 0 : i32
      scf.yield %scan3A_79 : i32
    }
    %scan3A_13 = arith.constant 5 : i32
    %barrier3A = arith.constant 0 : index
    tpu.barrier barrier_id(%barrier3A)
    %mul3A_14 = arith.constant 10000 : i32
    %mul3A_15 = arith.muli %arg1, %mul3A_14 : i32
    %add3A = arith.constant 0 : i32
    %add3A_16 = arith.addi %mul3A_15, %add3A : i32
    "tpu.region"() ({
      %run_scoped3A = tpu.sem_alloc : memref<!tpu.dma_semaphore, #tpu.memory_space<semaphore_mem>>
      %dma_start3A_72 = tpu.memref_slice %arg3[%add3A_16] : memref<160000xi32, #tpu.memory_space<hbm>> -> memref<128xi32, #tpu.memory_space<hbm>>
      %dma_start3A_73 = tpu.memref_slice %arg3[%add3A_16] : memref<160000xi32, #tpu.memory_space<hbm>> -> memref<128xi32, #tpu.memory_space<hbm>>
      tpu.enqueue_dma source(%dma_start3A_73 : memref<128xi32, #tpu.memory_space<hbm>>) target(%arg9 : memref<128xi32, #tpu.memory_space<vmem>>) target_semaphore(%run_scoped3A : memref<!tpu.dma_semaphore, #tpu.memory_space<semaphore_mem>>)
      %dma_wait3A_74 = tpu.memref_slice %arg3[%add3A_16] : memref<160000xi32, #tpu.memory_space<hbm>> -> memref<128xi32, #tpu.memory_space<hbm>>
      %dma_wait3A_75 = tpu.memref_slice %arg3[%add3A_16] : memref<160000xi32, #tpu.memory_space<hbm>> -> memref<128xi32, #tpu.memory_space<hbm>>
      tpu.wait_dma2 semaphore(%run_scoped3A : memref<!tpu.dma_semaphore, #tpu.memory_space<semaphore_mem>>) src(%dma_wait3A_75 : memref<128xi32, #tpu.memory_space<hbm>>) dst(%arg9 : memref<128xi32, #tpu.memory_space<vmem>>)
      tpu.yield
    }) : () -> ()
    %scan3A_17 = arith.constant 0 : i32
    %scan3A_18 = arith.constant 0 : i32
    %scan3A_19 = arith.constant 8 : i32
    %scan3A_20 = arith.addi %scan3A_18, %scan3A_19 : i32
    %scan3A_21 = arith.constant 1 : i32
    %scan3A_22 = scf.for %scan3A_72 = %scan3A_18 to %scan3A_20 step %scan3A_21 iter_args(%scan3A_73 = %scan3A_17) -> (i32)  : i32 {
      %mul3A_74 = arith.constant 16 : i32
      %mul3A_75 = arith.muli %scan3A_72, %mul3A_74 : i32
      %get3A_76 = arith.index_cast %mul3A_75 : i32 to index
      %get3A_77 = tpu.vector_load %arg9[%get3A_76] {strides = array<i32>} : memref<128xi32, #tpu.memory_space<vmem>>, vector<16xi32>,
      %get3A_78 = vector.shape_cast %get3A_77 : vector<16xi32> to vector<16xi32>
      %add3A_79 = vector.broadcast %mul3A_0 : i32 to vector<16xi32>
      %add3A_80 = arith.addi %get3A_78, %add3A_79 : vector<16xi32>
      %mul3A_81 = arith.constant 16 : i32
      %mul3A_82 = arith.muli %scan3A_72, %mul3A_81 : i32
      %swap3A_83 = arith.index_cast %mul3A_82 : i32 to index
      %swap3A_84 = tpu.vector_load %arg9[%swap3A_83] {strides = array<i32>} : memref<128xi32, #tpu.memory_space<vmem>>, vector<16xi32>,
      %swap3A_85 = vector.shape_cast %swap3A_84 : vector<16xi32> to vector<16xi32>
      %swap3A_86 = vector.shape_cast %add3A_80 : vector<16xi32> to vector<16xi32>
      tpu.vector_store %arg9[%swap3A_83], %swap3A_86 {strides = array<i32>} : memref<128xi32, #tpu.memory_space<vmem>>, vector<16xi32>,
      %scan3A_87 = arith.constant 0 : i32
      scf.yield %scan3A_87 : i32
    }
    %scan3A_23 = arith.constant 8 : i32
    %mul3A_24 = arith.constant 10000 : i32
    %mul3A_25 = arith.muli %arg1, %mul3A_24 : i32
    %add3A_26 = arith.constant 0 : i32
    %add3A_27 = arith.addi %mul3A_25, %add3A_26 : i32
    "tpu.region"() ({
      %run_scoped3A = tpu.sem_alloc : memref<!tpu.dma_semaphore, #tpu.memory_space<semaphore_mem>>
      %dma_start3A_72 = tpu.memref_slice %arg4[%add3A_27] : memref<160000xi32, #tpu.memory_space<hbm>> -> memref<128xi32, #tpu.memory_space<hbm>>
      %dma_start3A_73 = tpu.memref_slice %arg4[%add3A_27] : memref<160000xi32, #tpu.memory_space<hbm>> -> memref<128xi32, #tpu.memory_space<hbm>>
      tpu.enqueue_dma source(%dma_start3A_73 : memref<128xi32, #tpu.memory_space<hbm>>) target(%arg11 : memref<128xi32, #tpu.memory_space<vmem>>) target_semaphore(%run_scoped3A : memref<!tpu.dma_semaphore, #tpu.memory_space<semaphore_mem>>)
      %dma_wait3A_74 = tpu.memref_slice %arg4[%add3A_27] : memref<160000xi32, #tpu.memory_space<hbm>> -> memref<128xi32, #tpu.memory_space<hbm>>
      %dma_wait3A_75 = tpu.memref_slice %arg4[%add3A_27] : memref<160000xi32, #tpu.memory_space<hbm>> -> memref<128xi32, #tpu.memory_space<hbm>>
      tpu.wait_dma2 semaphore(%run_scoped3A : memref<!tpu.dma_semaphore, #tpu.memory_space<semaphore_mem>>) src(%dma_wait3A_75 : memref<128xi32, #tpu.memory_space<hbm>>) dst(%arg11 : memref<128xi32, #tpu.memory_space<vmem>>)
      tpu.yield
    }) : () -> ()
    %dma_start3A = arith.constant 0 : i32
    %dma_start3A_28 = arith.constant 0 : i32
    %dma_start3A_29 = tpu.memref_slice %arg2[%dma_start3A, %dma_start3A_28] : memref<20000x128xf32, #tpu.memory_space<hbm>> -> memref<20000x128xf32, #tpu.memory_space<hbm>>
    tpu.enqueue_indirect_dma source(%dma_start3A_29 : memref<20000x128xf32, #tpu.memory_space<hbm>>) target(%arg6 : memref<128x128xf32, #tpu.memory_space<vmem>>) offsets(%arg9 : memref<128xi32, #tpu.memory_space<vmem>>) semaphore(%arg16 : memref<!tpu.dma_semaphore, #tpu.memory_space<semaphore_mem>>)
    %scan3A_30 = arith.constant 0 : i32
    %scan3A_31 = arith.constant 0 : i32
    %scan3A_32 = arith.constant 39 : i32
    %scan3A_33 = arith.addi %scan3A_31, %scan3A_32 : i32
    %scan3A_34 = arith.constant 1 : i32
    %scan3A_35 = scf.for %scan3A_72 = %scan3A_31 to %scan3A_33 step %scan3A_34 iter_args(%scan3A_73 = %scan3A_30) -> (i32)  : i32 {
      %mul3A_74 = arith.constant 2 : i32
      %mul3A_75 = arith.muli %mul3A_74, %scan3A_72 : i32
      %add3A_76 = arith.constant 0 : i32
      %add3A_77 = arith.addi %mul3A_75, %add3A_76 : i32
      %dma_wait3A_78 = arith.constant 0 : i32
      %dma_wait3A_79 = arith.constant 0 : i32
      %dma_wait3A_80 = tpu.memref_slice %arg2[%dma_wait3A_78, %dma_wait3A_79] : memref<20000x128xf32, #tpu.memory_space<hbm>> -> memref<20000x128xf32, #tpu.memory_space<hbm>>
      tpu.wait_indirect_dma semaphore(%arg16 : memref<!tpu.dma_semaphore, #tpu.memory_space<semaphore_mem>>) src(%dma_wait3A_80 : memref<20000x128xf32, #tpu.memory_space<hbm>>) dst(%arg6 : memref<128x128xf32, #tpu.memory_space<vmem>>)
      %lt3A = arith.constant 77 : i32
      %lt3A_81 = arith.cmpi slt, %add3A_77, %lt3A : i32
      %convert_element_type3A = arith.extui %lt3A_81 : i1 to i32
      %cond3A = arith.constant 0 : i32
      %cond3A_82 = arith.cmpi ne, %convert_element_type3A, %cond3A : i32
      scf.if %cond3A_82 {
        %add3A_121 = arith.constant 1 : i32
        %add3A_122 = arith.addi %add3A_77, %add3A_121 : i32
        %mul3A_123 = arith.constant 10000 : i32
        %mul3A_124 = arith.muli %arg1, %mul3A_123 : i32
        %mul3A_125 = arith.constant 128 : i32
        %mul3A_126 = arith.muli %add3A_122, %mul3A_125 : i32
        %add3A_127 = arith.addi %mul3A_124, %mul3A_126 : i32
        "tpu.region"() ({
          %run_scoped3A = tpu.sem_alloc : memref<!tpu.dma_semaphore, #tpu.memory_space<semaphore_mem>>
          %dma_start3A_135 = tpu.memref_slice %arg3[%add3A_127] : memref<160000xi32, #tpu.memory_space<hbm>> -> memref<128xi32, #tpu.memory_space<hbm>>
          %dma_start3A_136 = tpu.memref_slice %arg3[%add3A_127] : memref<160000xi32, #tpu.memory_space<hbm>> -> memref<128xi32, #tpu.memory_space<hbm>>
          tpu.enqueue_dma source(%dma_start3A_136 : memref<128xi32, #tpu.memory_space<hbm>>) target(%arg10 : memref<128xi32, #tpu.memory_space<vmem>>) target_semaphore(%run_scoped3A : memref<!tpu.dma_semaphore, #tpu.memory_space<semaphore_mem>>)
          %dma_wait3A_137 = tpu.memref_slice %arg3[%add3A_127] : memref<160000xi32, #tpu.memory_space<hbm>> -> memref<128xi32, #tpu.memory_space<hbm>>
          %dma_wait3A_138 = tpu.memref_slice %arg3[%add3A_127] : memref<160000xi32, #tpu.memory_space<hbm>> -> memref<128xi32, #tpu.memory_space<hbm>>
          tpu.wait_dma2 semaphore(%run_scoped3A : memref<!tpu.dma_semaphore, #tpu.memory_space<semaphore_mem>>) src(%dma_wait3A_138 : memref<128xi32, #tpu.memory_space<hbm>>) dst(%arg10 : memref<128xi32, #tpu.memory_space<vmem>>)
          tpu.yield
        }) : () -> ()
        %scan3A_128 = arith.constant 0 : i32
        %scan3A_129 = arith.constant 0 : i32
        %scan3A_130 = arith.constant 8 : i32
        %scan3A_131 = arith.addi %scan3A_129, %scan3A_130 : i32
        %scan3A_132 = arith.constant 1 : i32
        %scan3A_133 = scf.for %scan3A_135 = %scan3A_129 to %scan3A_131 step %scan3A_132 iter_args(%scan3A_136 = %scan3A_128) -> (i32)  : i32 {
          %mul3A_137 = arith.constant 16 : i32
          %mul3A_138 = arith.muli %scan3A_135, %mul3A_137 : i32
          %get3A_139 = arith.index_cast %mul3A_138 : i32 to index
          %get3A_140 = tpu.vector_load %arg10[%get3A_139] {strides = array<i32>} : memref<128xi32, #tpu.memory_space<vmem>>, vector<16xi32>,
          %get3A_141 = vector.shape_cast %get3A_140 : vector<16xi32> to vector<16xi32>
          %add3A_142 = vector.broadcast %mul3A_0 : i32 to vector<16xi32>
          %add3A_143 = arith.addi %get3A_141, %add3A_142 : vector<16xi32>
          %mul3A_144 = arith.constant 16 : i32
          %mul3A_145 = arith.muli %scan3A_135, %mul3A_144 : i32
          %swap3A_146 = arith.index_cast %mul3A_145 : i32 to index
          %swap3A_147 = tpu.vector_load %arg10[%swap3A_146] {strides = array<i32>} : memref<128xi32, #tpu.memory_space<vmem>>, vector<16xi32>,
          %swap3A_148 = vector.shape_cast %swap3A_147 : vector<16xi32> to vector<16xi32>
          %swap3A_149 = vector.shape_cast %add3A_143 : vector<16xi32> to vector<16xi32>
          tpu.vector_store %arg10[%swap3A_146], %swap3A_149 {strides = array<i32>} : memref<128xi32, #tpu.memory_space<vmem>>, vector<16xi32>,
          %scan3A_150 = arith.constant 0 : i32
          scf.yield %scan3A_150 : i32
        }
        %scan3A_134 = arith.constant 8 : i32
      } else {
      }
      %gt3A = arith.constant 0 : i32
      %gt3A_83 = arith.cmpi sgt, %add3A_77, %gt3A : i32
      %convert_element_type3A_84 = arith.extui %gt3A_83 : i1 to i32
      %cond3A_85 = arith.constant 0 : i32
      %cond3A_86 = arith.cmpi ne, %convert_element_type3A_84, %cond3A_85 : i32
      scf.if %cond3A_86 {
        %dma_wait3A_121 = arith.constant 0 : i32
        %dma_wait3A_122 = arith.constant 0 : i32
        %dma_wait3A_123 = tpu.memref_slice %arg15[%dma_wait3A_121, %dma_wait3A_122] : memref<10240x128xf32, #tpu.memory_space<vmem_shared>> -> memref<10240x128xf32, #tpu.memory_space<vmem_shared>>
        tpu.wait_indirect_dma semaphore(%arg19 : memref<!tpu.dma_semaphore, #tpu.memory_space<semaphore_mem>>) src(%arg7 : memref<128x128xf32, #tpu.memory_space<vmem>>) dst(%dma_wait3A_123 : memref<10240x128xf32, #tpu.memory_space<vmem_shared>>)
      } else {
      }
      %dma_start3A_87 = arith.constant 0 : i32
      %dma_start3A_88 = arith.constant 0 : i32
      %dma_start3A_89 = tpu.memref_slice %arg15[%dma_start3A_87, %dma_start3A_88] : memref<10240x128xf32, #tpu.memory_space<vmem_shared>> -> memref<10240x128xf32, #tpu.memory_space<vmem_shared>>
      tpu.enqueue_indirect_dma source(%arg6 : memref<128x128xf32, #tpu.memory_space<vmem>>) target(%dma_start3A_89 : memref<10240x128xf32, #tpu.memory_space<vmem_shared>>) offsets(%arg11 : memref<128xi32, #tpu.memory_space<vmem>>) semaphore(%arg18 : memref<!tpu.dma_semaphore, #tpu.memory_space<semaphore_mem>>) {add = true}
      %lt3A_90 = arith.constant 77 : i32
      %lt3A_91 = arith.cmpi slt, %add3A_77, %lt3A_90 : i32
      %convert_element_type3A_92 = arith.extui %lt3A_91 : i1 to i32
      %cond3A_93 = arith.constant 0 : i32
      %cond3A_94 = arith.cmpi ne, %convert_element_type3A_92, %cond3A_93 : i32
      scf.if %cond3A_94 {
        %add3A_121 = arith.constant 1 : i32
        %add3A_122 = arith.addi %add3A_77, %add3A_121 : i32
        %mul3A_123 = arith.constant 10000 : i32
        %mul3A_124 = arith.muli %arg1, %mul3A_123 : i32
        %mul3A_125 = arith.constant 128 : i32
        %mul3A_126 = arith.muli %add3A_122, %mul3A_125 : i32
        %add3A_127 = arith.addi %mul3A_124, %mul3A_126 : i32
        "tpu.region"() ({
          %run_scoped3A = tpu.sem_alloc : memref<!tpu.dma_semaphore, #tpu.memory_space<semaphore_mem>>
          %dma_start3A_131 = tpu.memref_slice %arg4[%add3A_127] : memref<160000xi32, #tpu.memory_space<hbm>> -> memref<128xi32, #tpu.memory_space<hbm>>
          %dma_start3A_132 = tpu.memref_slice %arg4[%add3A_127] : memref<160000xi32, #tpu.memory_space<hbm>> -> memref<128xi32, #tpu.memory_space<hbm>>
          tpu.enqueue_dma source(%dma_start3A_132 : memref<128xi32, #tpu.memory_space<hbm>>) target(%arg12 : memref<128xi32, #tpu.memory_space<vmem>>) target_semaphore(%run_scoped3A : memref<!tpu.dma_semaphore, #tpu.memory_space<semaphore_mem>>)
          %dma_wait3A_133 = tpu.memref_slice %arg4[%add3A_127] : memref<160000xi32, #tpu.memory_space<hbm>> -> memref<128xi32, #tpu.memory_space<hbm>>
          %dma_wait3A_134 = tpu.memref_slice %arg4[%add3A_127] : memref<160000xi32, #tpu.memory_space<hbm>> -> memref<128xi32, #tpu.memory_space<hbm>>
          tpu.wait_dma2 semaphore(%run_scoped3A : memref<!tpu.dma_semaphore, #tpu.memory_space<semaphore_mem>>) src(%dma_wait3A_134 : memref<128xi32, #tpu.memory_space<hbm>>) dst(%arg12 : memref<128xi32, #tpu.memory_space<vmem>>)
          tpu.yield
        }) : () -> ()
        %dma_start3A_128 = arith.constant 0 : i32
        %dma_start3A_129 = arith.constant 0 : i32
        %dma_start3A_130 = tpu.memref_slice %arg2[%dma_start3A_128, %dma_start3A_129] : memref<20000x128xf32, #tpu.memory_space<hbm>> -> memref<20000x128xf32, #tpu.memory_space<hbm>>
        tpu.enqueue_indirect_dma source(%dma_start3A_130 : memref<20000x128xf32, #tpu.memory_space<hbm>>) target(%arg7 : memref<128x128xf32, #tpu.memory_space<vmem>>) offsets(%arg10 : memref<128xi32, #tpu.memory_space<vmem>>) semaphore(%arg17 : memref<!tpu.dma_semaphore, #tpu.memory_space<semaphore_mem>>)
      } else {
      }
      %mul3A_95 = arith.constant 2 : i32
      %mul3A_96 = arith.muli %mul3A_95, %scan3A_72 : i32
      %add3A_97 = arith.constant 1 : i32
      %add3A_98 = arith.addi %mul3A_96, %add3A_97 : i32
      %dma_wait3A_99 = arith.constant 0 : i32
      %dma_wait3A_100 = arith.constant 0 : i32
      %dma_wait3A_101 = tpu.memref_slice %arg2[%dma_wait3A_99, %dma_wait3A_100] : memref<20000x128xf32, #tpu.memory_space<hbm>> -> memref<20000x128xf32, #tpu.memory_space<hbm>>
      tpu.wait_indirect_dma semaphore(%arg17 : memref<!tpu.dma_semaphore, #tpu.memory_space<semaphore_mem>>) src(%dma_wait3A_101 : memref<20000x128xf32, #tpu.memory_space<hbm>>) dst(%arg7 : memref<128x128xf32, #tpu.memory_space<vmem>>)
      %lt3A_102 = arith.constant 77 : i32
      %lt3A_103 = arith.cmpi slt, %add3A_98, %lt3A_102 : i32
      %convert_element_type3A_104 = arith.extui %lt3A_103 : i1 to i32
      %cond3A_105 = arith.constant 0 : i32
      %cond3A_106 = arith.cmpi ne, %convert_element_type3A_104, %cond3A_105 : i32
      scf.if %cond3A_106 {
        %add3A_121 = arith.constant 1 : i32
        %add3A_122 = arith.addi %add3A_98, %add3A_121 : i32
        %mul3A_123 = arith.constant 10000 : i32
        %mul3A_124 = arith.muli %arg1, %mul3A_123 : i32
        %mul3A_125 = arith.constant 128 : i32
        %mul3A_126 = arith.muli %add3A_122, %mul3A_125 : i32
        %add3A_127 = arith.addi %mul3A_124, %mul3A_126 : i32
        "tpu.region"() ({
          %run_scoped3A = tpu.sem_alloc : memref<!tpu.dma_semaphore, #tpu.memory_space<semaphore_mem>>
          %dma_start3A_135 = tpu.memref_slice %arg3[%add3A_127] : memref<160000xi32, #tpu.memory_space<hbm>> -> memref<128xi32, #tpu.memory_space<hbm>>
          %dma_start3A_136 = tpu.memref_slice %arg3[%add3A_127] : memref<160000xi32, #tpu.memory_space<hbm>> -> memref<128xi32, #tpu.memory_space<hbm>>
          tpu.enqueue_dma source(%dma_start3A_136 : memref<128xi32, #tpu.memory_space<hbm>>) target(%arg9 : memref<128xi32, #tpu.memory_space<vmem>>) target_semaphore(%run_scoped3A : memref<!tpu.dma_semaphore, #tpu.memory_space<semaphore_mem>>)
          %dma_wait3A_137 = tpu.memref_slice %arg3[%add3A_127] : memref<160000xi32, #tpu.memory_space<hbm>> -> memref<128xi32, #tpu.memory_space<hbm>>
          %dma_wait3A_138 = tpu.memref_slice %arg3[%add3A_127] : memref<160000xi32, #tpu.memory_space<hbm>> -> memref<128xi32, #tpu.memory_space<hbm>>
          tpu.wait_dma2 semaphore(%run_scoped3A : memref<!tpu.dma_semaphore, #tpu.memory_space<semaphore_mem>>) src(%dma_wait3A_138 : memref<128xi32, #tpu.memory_space<hbm>>) dst(%arg9 : memref<128xi32, #tpu.memory_space<vmem>>)
          tpu.yield
        }) : () -> ()
        %scan3A_128 = arith.constant 0 : i32
        %scan3A_129 = arith.constant 0 : i32
        %scan3A_130 = arith.constant 8 : i32
        %scan3A_131 = arith.addi %scan3A_129, %scan3A_130 : i32
        %scan3A_132 = arith.constant 1 : i32
        %scan3A_133 = scf.for %scan3A_135 = %scan3A_129 to %scan3A_131 step %scan3A_132 iter_args(%scan3A_136 = %scan3A_128) -> (i32)  : i32 {
          %mul3A_137 = arith.constant 16 : i32
          %mul3A_138 = arith.muli %scan3A_135, %mul3A_137 : i32
          %get3A_139 = arith.index_cast %mul3A_138 : i32 to index
          %get3A_140 = tpu.vector_load %arg9[%get3A_139] {strides = array<i32>} : memref<128xi32, #tpu.memory_space<vmem>>, vector<16xi32>,
          %get3A_141 = vector.shape_cast %get3A_140 : vector<16xi32> to vector<16xi32>
          %add3A_142 = vector.broadcast %mul3A_0 : i32 to vector<16xi32>
          %add3A_143 = arith.addi %get3A_141, %add3A_142 : vector<16xi32>
          %mul3A_144 = arith.constant 16 : i32
          %mul3A_145 = arith.muli %scan3A_135, %mul3A_144 : i32
          %swap3A_146 = arith.index_cast %mul3A_145 : i32 to index
          %swap3A_147 = tpu.vector_load %arg9[%swap3A_146] {strides = array<i32>} : memref<128xi32, #tpu.memory_space<vmem>>, vector<16xi32>,
          %swap3A_148 = vector.shape_cast %swap3A_147 : vector<16xi32> to vector<16xi32>
          %swap3A_149 = vector.shape_cast %add3A_143 : vector<16xi32> to vector<16xi32>
          tpu.vector_store %arg9[%swap3A_146], %swap3A_149 {strides = array<i32>} : memref<128xi32, #tpu.memory_space<vmem>>, vector<16xi32>,
          %scan3A_150 = arith.constant 0 : i32
          scf.yield %scan3A_150 : i32
        }
        %scan3A_134 = arith.constant 8 : i32
      } else {
      }
      %gt3A_107 = arith.constant 0 : i32
      %gt3A_108 = arith.cmpi sgt, %add3A_98, %gt3A_107 : i32
      %convert_element_type3A_109 = arith.extui %gt3A_108 : i1 to i32
      %cond3A_110 = arith.constant 0 : i32
      %cond3A_111 = arith.cmpi ne, %convert_element_type3A_109, %cond3A_110 : i32
      scf.if %cond3A_111 {
        %dma_wait3A_121 = arith.constant 0 : i32
        %dma_wait3A_122 = arith.constant 0 : i32
        %dma_wait3A_123 = tpu.memref_slice %arg15[%dma_wait3A_121, %dma_wait3A_122] : memref<10240x128xf32, #tpu.memory_space<vmem_shared>> -> memref<10240x128xf32, #tpu.memory_space<vmem_shared>>
        tpu.wait_indirect_dma semaphore(%arg18 : memref<!tpu.dma_semaphore, #tpu.memory_space<semaphore_mem>>) src(%arg6 : memref<128x128xf32, #tpu.memory_space<vmem>>) dst(%dma_wait3A_123 : memref<10240x128xf32, #tpu.memory_space<vmem_shared>>)
      } else {
      }
      %dma_start3A_112 = arith.constant 0 : i32
      %dma_start3A_113 = arith.constant 0 : i32
      %dma_start3A_114 = tpu.memref_slice %arg15[%dma_start3A_112, %dma_start3A_113] : memref<10240x128xf32, #tpu.memory_space<vmem_shared>> -> memref<10240x128xf32, #tpu.memory_space<vmem_shared>>
      tpu.enqueue_indirect_dma source(%arg7 : memref<128x128xf32, #tpu.memory_space<vmem>>) target(%dma_start3A_114 : memref<10240x128xf32, #tpu.memory_space<vmem_shared>>) offsets(%arg12 : memref<128xi32, #tpu.memory_space<vmem>>) semaphore(%arg19 : memref<!tpu.dma_semaphore, #tpu.memory_space<semaphore_mem>>) {add = true}
      %lt3A_115 = arith.constant 77 : i32
      %lt3A_116 = arith.cmpi slt, %add3A_98, %lt3A_115 : i32
      %convert_element_type3A_117 = arith.extui %lt3A_116 : i1 to i32
      %cond3A_118 = arith.constant 0 : i32
      %cond3A_119 = arith.cmpi ne, %convert_element_type3A_117, %cond3A_118 : i32
      scf.if %cond3A_119 {
        %add3A_121 = arith.constant 1 : i32
        %add3A_122 = arith.addi %add3A_98, %add3A_121 : i32
        %mul3A_123 = arith.constant 10000 : i32
        %mul3A_124 = arith.muli %arg1, %mul3A_123 : i32
        %mul3A_125 = arith.constant 128 : i32
        %mul3A_126 = arith.muli %add3A_122, %mul3A_125 : i32
        %add3A_127 = arith.addi %mul3A_124, %mul3A_126 : i32
        "tpu.region"() ({
          %run_scoped3A = tpu.sem_alloc : memref<!tpu.dma_semaphore, #tpu.memory_space<semaphore_mem>>
          %dma_start3A_131 = tpu.memref_slice %arg4[%add3A_127] : memref<160000xi32, #tpu.memory_space<hbm>> -> memref<128xi32, #tpu.memory_space<hbm>>
          %dma_start3A_132 = tpu.memref_slice %arg4[%add3A_127] : memref<160000xi32, #tpu.memory_space<hbm>> -> memref<128xi32, #tpu.memory_space<hbm>>
          tpu.enqueue_dma source(%dma_start3A_132 : memref<128xi32, #tpu.memory_space<hbm>>) target(%arg11 : memref<128xi32, #tpu.memory_space<vmem>>) target_semaphore(%run_scoped3A : memref<!tpu.dma_semaphore, #tpu.memory_space<semaphore_mem>>)
          %dma_wait3A_133 = tpu.memref_slice %arg4[%add3A_127] : memref<160000xi32, #tpu.memory_space<hbm>> -> memref<128xi32, #tpu.memory_space<hbm>>
          %dma_wait3A_134 = tpu.memref_slice %arg4[%add3A_127] : memref<160000xi32, #tpu.memory_space<hbm>> -> memref<128xi32, #tpu.memory_space<hbm>>
          tpu.wait_dma2 semaphore(%run_scoped3A : memref<!tpu.dma_semaphore, #tpu.memory_space<semaphore_mem>>) src(%dma_wait3A_134 : memref<128xi32, #tpu.memory_space<hbm>>) dst(%arg11 : memref<128xi32, #tpu.memory_space<vmem>>)
          tpu.yield
        }) : () -> ()
        %dma_start3A_128 = arith.constant 0 : i32
        %dma_start3A_129 = arith.constant 0 : i32
        %dma_start3A_130 = tpu.memref_slice %arg2[%dma_start3A_128, %dma_start3A_129] : memref<20000x128xf32, #tpu.memory_space<hbm>> -> memref<20000x128xf32, #tpu.memory_space<hbm>>
        tpu.enqueue_indirect_dma source(%dma_start3A_130 : memref<20000x128xf32, #tpu.memory_space<hbm>>) target(%arg6 : memref<128x128xf32, #tpu.memory_space<vmem>>) offsets(%arg9 : memref<128xi32, #tpu.memory_space<vmem>>) semaphore(%arg16 : memref<!tpu.dma_semaphore, #tpu.memory_space<semaphore_mem>>)
      } else {
      }
      %scan3A_120 = arith.constant 0 : i32
      scf.yield %scan3A_120 : i32
    }
    %scan3A_36 = arith.constant 39 : i32
    %dma_wait3A = arith.constant 0 : i32
    %dma_wait3A_37 = arith.constant 0 : i32
    %dma_wait3A_38 = tpu.memref_slice %arg15[%dma_wait3A, %dma_wait3A_37] : memref<10240x128xf32, #tpu.memory_space<vmem_shared>> -> memref<10240x128xf32, #tpu.memory_space<vmem_shared>>
    tpu.wait_indirect_dma semaphore(%arg19 : memref<!tpu.dma_semaphore, #tpu.memory_space<semaphore_mem>>) src(%arg7 : memref<128x128xf32, #tpu.memory_space<vmem>>) dst(%dma_wait3A_38 : memref<10240x128xf32, #tpu.memory_space<vmem_shared>>)
    %mul3A_39 = arith.constant 10000 : i32
    %mul3A_40 = arith.muli %arg1, %mul3A_39 : i32
    %add3A_41 = arith.constant 9984 : i32
    %add3A_42 = arith.addi %mul3A_40, %add3A_41 : i32
    "tpu.region"() ({
      %run_scoped3A = tpu.sem_alloc : memref<!tpu.dma_semaphore, #tpu.memory_space<semaphore_mem>>
      %dma_start3A_72 = tpu.memref_slice %arg3[%add3A_42] : memref<160000xi32, #tpu.memory_space<hbm>> -> memref<16xi32, #tpu.memory_space<hbm>>
      %dma_start3A_73 = tpu.memref_slice %arg3[%add3A_42] : memref<160000xi32, #tpu.memory_space<hbm>> -> memref<16xi32, #tpu.memory_space<hbm>>
      tpu.enqueue_dma source(%dma_start3A_73 : memref<16xi32, #tpu.memory_space<hbm>>) target(%arg13 : memref<16xi32, #tpu.memory_space<vmem>>) target_semaphore(%run_scoped3A : memref<!tpu.dma_semaphore, #tpu.memory_space<semaphore_mem>>)
      %dma_wait3A_74 = tpu.memref_slice %arg3[%add3A_42] : memref<160000xi32, #tpu.memory_space<hbm>> -> memref<16xi32, #tpu.memory_space<hbm>>
      %dma_wait3A_75 = tpu.memref_slice %arg3[%add3A_42] : memref<160000xi32, #tpu.memory_space<hbm>> -> memref<16xi32, #tpu.memory_space<hbm>>
      tpu.wait_dma2 semaphore(%run_scoped3A : memref<!tpu.dma_semaphore, #tpu.memory_space<semaphore_mem>>) src(%dma_wait3A_75 : memref<16xi32, #tpu.memory_space<hbm>>) dst(%arg13 : memref<16xi32, #tpu.memory_space<vmem>>)
      tpu.yield
    }) : () -> ()
    "tpu.region"() ({
      %run_scoped3A = tpu.sem_alloc : memref<!tpu.dma_semaphore, #tpu.memory_space<semaphore_mem>>
      %dma_start3A_72 = tpu.memref_slice %arg4[%add3A_42] : memref<160000xi32, #tpu.memory_space<hbm>> -> memref<16xi32, #tpu.memory_space<hbm>>
      %dma_start3A_73 = tpu.memref_slice %arg4[%add3A_42] : memref<160000xi32, #tpu.memory_space<hbm>> -> memref<16xi32, #tpu.memory_space<hbm>>
      tpu.enqueue_dma source(%dma_start3A_73 : memref<16xi32, #tpu.memory_space<hbm>>) target(%arg14 : memref<16xi32, #tpu.memory_space<vmem>>) target_semaphore(%run_scoped3A : memref<!tpu.dma_semaphore, #tpu.memory_space<semaphore_mem>>)
      %dma_wait3A_74 = tpu.memref_slice %arg4[%add3A_42] : memref<160000xi32, #tpu.memory_space<hbm>> -> memref<16xi32, #tpu.memory_space<hbm>>
      %dma_wait3A_75 = tpu.memref_slice %arg4[%add3A_42] : memref<160000xi32, #tpu.memory_space<hbm>> -> memref<16xi32, #tpu.memory_space<hbm>>
      tpu.wait_dma2 semaphore(%run_scoped3A : memref<!tpu.dma_semaphore, #tpu.memory_space<semaphore_mem>>) src(%dma_wait3A_75 : memref<16xi32, #tpu.memory_space<hbm>>) dst(%arg14 : memref<16xi32, #tpu.memory_space<vmem>>)
      tpu.yield
    }) : () -> ()
    %scan3A_43 = arith.constant 0 : i32
    %scan3A_44 = arith.constant 0 : i32
    %mul3A_45 = arith.constant 16 : i32
    %mul3A_46 = arith.muli %scan3A_44, %mul3A_45 : i32
    %get3A = arith.index_cast %mul3A_46 : i32 to index
    %get3A_47 = tpu.vector_load %arg13[%get3A] {strides = array<i32>} : memref<16xi32, #tpu.memory_space<vmem>>, vector<16xi32>,
    %get3A_48 = vector.shape_cast %get3A_47 : vector<16xi32> to vector<16xi32>
    %add3A_49 = vector.broadcast %mul3A_0 : i32 to vector<16xi32>
    %add3A_50 = arith.addi %get3A_48, %add3A_49 : vector<16xi32>
    %mul3A_51 = arith.constant 16 : i32
    %mul3A_52 = arith.muli %scan3A_44, %mul3A_51 : i32
    %swap3A = arith.index_cast %mul3A_52 : i32 to index
    %swap3A_53 = tpu.vector_load %arg13[%swap3A] {strides = array<i32>} : memref<16xi32, #tpu.memory_space<vmem>>, vector<16xi32>,
    %swap3A_54 = vector.shape_cast %swap3A_53 : vector<16xi32> to vector<16xi32>
    %swap3A_55 = vector.shape_cast %add3A_50 : vector<16xi32> to vector<16xi32>
    tpu.vector_store %arg13[%swap3A], %swap3A_55 {strides = array<i32>} : memref<16xi32, #tpu.memory_space<vmem>>, vector<16xi32>,
    %scan3A_56 = arith.constant 0 : i32
    %scan3A_57 = arith.constant 1 : i32
    %dma_start3A_58 = arith.constant 0 : i32
    %dma_start3A_59 = arith.constant 0 : i32
    %dma_start3A_60 = tpu.memref_slice %arg2[%dma_start3A_58, %dma_start3A_59] : memref<20000x128xf32, #tpu.memory_space<hbm>> -> memref<20000x128xf32, #tpu.memory_space<hbm>>
    tpu.enqueue_indirect_dma source(%dma_start3A_60 : memref<20000x128xf32, #tpu.memory_space<hbm>>) target(%arg8 : memref<16x128xf32, #tpu.memory_space<vmem>>) offsets(%arg13 : memref<16xi32, #tpu.memory_space<vmem>>) semaphore(%arg20 : memref<!tpu.dma_semaphore, #tpu.memory_space<semaphore_mem>>)
    %dma_wait3A_61 = arith.constant 0 : i32
    %dma_wait3A_62 = arith.constant 0 : i32
    %dma_wait3A_63 = tpu.memref_slice %arg2[%dma_wait3A_61, %dma_wait3A_62] : memref<20000x128xf32, #tpu.memory_space<hbm>> -> memref<20000x128xf32, #tpu.memory_space<hbm>>
    tpu.wait_indirect_dma semaphore(%arg20 : memref<!tpu.dma_semaphore, #tpu.memory_space<semaphore_mem>>) src(%dma_wait3A_63 : memref<20000x128xf32, #tpu.memory_space<hbm>>) dst(%arg8 : memref<16x128xf32, #tpu.memory_space<vmem>>)
    "tpu.region"() ({
      %run_scoped3A = tpu.sem_alloc : memref<!tpu.dma_semaphore, #tpu.memory_space<semaphore_mem>>
      %dma_start3A_72 = arith.constant 0 : i32
      %dma_start3A_73 = arith.constant 0 : i32
      %dma_start3A_74 = tpu.memref_slice %arg15[%dma_start3A_72, %dma_start3A_73] : memref<10240x128xf32, #tpu.memory_space<vmem_shared>> -> memref<10240x128xf32, #tpu.memory_space<vmem_shared>>
      tpu.enqueue_indirect_dma source(%arg8 : memref<16x128xf32, #tpu.memory_space<vmem>>) target(%dma_start3A_74 : memref<10240x128xf32, #tpu.memory_space<vmem_shared>>) offsets(%arg14 : memref<16xi32, #tpu.memory_space<vmem>>) semaphore(%run_scoped3A : memref<!tpu.dma_semaphore, #tpu.memory_space<semaphore_mem>>) {add = true}
      %dma_wait3A_75 = arith.constant 0 : i32
      %dma_wait3A_76 = arith.constant 0 : i32
      %dma_wait3A_77 = tpu.memref_slice %arg15[%dma_wait3A_75, %dma_wait3A_76] : memref<10240x128xf32, #tpu.memory_space<vmem_shared>> -> memref<10240x128xf32, #tpu.memory_space<vmem_shared>>
      tpu.wait_indirect_dma semaphore(%run_scoped3A : memref<!tpu.dma_semaphore, #tpu.memory_space<semaphore_mem>>) src(%arg8 : memref<16x128xf32, #tpu.memory_space<vmem>>) dst(%dma_wait3A_77 : memref<10240x128xf32, #tpu.memory_space<vmem_shared>>)
      tpu.yield
    }) : () -> ()
    %barrier3A_64 = arith.constant 0 : index
    tpu.barrier barrier_id(%barrier3A_64)
    %mul3A_65 = arith.constant 640 : i32
    %mul3A_66 = arith.muli %arg1, %mul3A_65 : i32
    %mul3A_67 = arith.constant 10240 : i32
    %mul3A_68 = arith.muli %arg0, %mul3A_67 : i32
    %mul3A_69 = arith.constant 640 : i32
    %mul3A_70 = arith.muli %arg1, %mul3A_69 : i32
    %add3A_71 = arith.addi %mul3A_68, %mul3A_70 : i32
    "tpu.region"() ({
      %run_scoped3A = tpu.sem_alloc : memref<!tpu.dma_semaphore, #tpu.memory_space<semaphore_mem>>
      %dma_start3A_72 = arith.constant 0 : i32
      %dma_start3A_73 = tpu.memref_slice %arg5[%add3A_71, %dma_start3A_72] : memref<20480x128xf32, #tpu.memory_space<hbm>> -> memref<640x128xf32, #tpu.memory_space<hbm>>
      %dma_start3A_74 = arith.constant 0 : i32
      %dma_start3A_75 = tpu.memref_slice %arg15[%mul3A_66, %dma_start3A_74] : memref<10240x128xf32, #tpu.memory_space<vmem_shared>> -> memref<640x128xf32, #tpu.memory_space<vmem_shared>>
      tpu.enqueue_dma source(%dma_start3A_75 : memref<640x128xf32, #tpu.memory_space<vmem_shared>>) target(%dma_start3A_73 : memref<640x128xf32, #tpu.memory_space<hbm>>) target_semaphore(%run_scoped3A : memref<!tpu.dma_semaphore, #tpu.memory_space<semaphore_mem>>)
      %dma_wait3A_76 = arith.constant 0 : i32
      %dma_wait3A_77 = tpu.memref_slice %arg5[%add3A_71, %dma_wait3A_76] : memref<20480x128xf32, #tpu.memory_space<hbm>> -> memref<640x128xf32, #tpu.memory_space<hbm>>
      %dma_wait3A_78 = arith.constant 0 : i32
      %dma_wait3A_79 = tpu.memref_slice %arg15[%mul3A_66, %dma_wait3A_78] : memref<10240x128xf32, #tpu.memory_space<vmem_shared>> -> memref<640x128xf32, #tpu.memory_space<vmem_shared>>
      tpu.wait_dma2 semaphore(%run_scoped3A : memref<!tpu.dma_semaphore, #tpu.memory_space<semaphore_mem>>) src(%dma_wait3A_79 : memref<640x128xf32, #tpu.memory_space<vmem_shared>>) dst(%dma_wait3A_77 : memref<640x128xf32, #tpu.memory_space<hbm>>)
      tpu.yield
    }) : () -> ()
    return
  }
}

#map = affine_map<(d0, d1) -> (0, 0)>
#map1 = affine_map<(d0, d1) -> (0)>
module attributes {stable_mosaic.version = 14 : i64} {
  func.func @_agg_body(%arg0: i32, %arg1: i32, %arg2: memref<20000x128xf32, #tpu.memory_space<hbm>>, %arg3: memref<160000xi32, #tpu.memory_space<hbm>>, %arg4: memref<160000xi32, #tpu.memory_space<hbm>>, %arg5: memref<20480x128xf32, #tpu.memory_space<hbm>>, %arg6: memref<128x128xf32, #tpu.memory_space<vmem>>, %arg7: memref<128x128xf32, #tpu.memory_space<vmem>>, %arg8: memref<16x128xf32, #tpu.memory_space<vmem>>, %arg9: memref<128xi32, #tpu.memory_space<vmem>>, %arg10: memref<128xi32, #tpu.memory_space<vmem>>, %arg11: memref<128xi32, #tpu.memory_space<vmem>>, %arg12: memref<128xi32, #tpu.memory_space<vmem>>, %arg13: memref<16xi32, #tpu.memory_space<vmem>>, %arg14: memref<16xi32, #tpu.memory_space<vmem>>, %arg15: memref<10240x128xf32, #tpu.memory_space<vmem_shared>>, %arg16: memref<!tpu.dma_semaphore, #tpu.memory_space<semaphore_mem>>, %arg17: memref<!tpu.dma_semaphore, #tpu.memory_space<semaphore_mem>>, %arg18: memref<!tpu.dma_semaphore, #tpu.memory_space<semaphore_mem>>, %arg19: memref<!tpu.dma_semaphore, #tpu.memory_space<semaphore_mem>>, %arg20: memref<!tpu.dma_semaphore, #tpu.memory_space<semaphore_mem>>) attributes {dimension_semantics = [#tpu.dimension_semantics<core_parallel>, #tpu.dimension_semantics<subcore_parallel>], iteration_bounds = array<i64: 2, 16>, scalar_prefetch = 0 : i64, scratch_operands = 15 : i64, tpu.core_type = #tpu.core_type<sc_vector_subcore>, window_params = [{transform_indices = #map}, {transform_indices = #map1}, {transform_indices = #map1}, {transform_indices = #map}]} {
    %mul3A = arith.constant 10000 : i32
    %mul3A_0 = arith.muli %arg0, %mul3A : i32
    %scan3A = arith.constant 0 : i32
    %scan3A_1 = arith.constant 0 : i32
    %scan3A_2 = arith.constant 128 : i32
    %scan3A_3 = arith.addi %scan3A_1, %scan3A_2 : i32
    %scan3A_4 = arith.constant 1 : i32
    %scan3A_5 = scf.for %scan3A_72 = %scan3A_1 to %scan3A_3 step %scan3A_4 iter_args(%scan3A_73 = %scan3A) -> (i32)  : i32 {
      %scan3A_74 = arith.constant 0 : i32
      %scan3A_75 = arith.constant 0 : i32
      %scan3A_76 = arith.constant 8 : i32
      %scan3A_77 = arith.addi %scan3A_75, %scan3A_76 : i32
      %scan3A_78 = arith.constant 1 : i32
      %scan3A_79 = scf.for %scan3A_82 = %scan3A_75 to %scan3A_77 step %scan3A_78 iter_args(%scan3A_83 = %scan3A_74) -> (i32)  : i32 {
        %broadcast_in_dim3A = arith.constant 0.000000e+00 : f32
        %broadcast_in_dim3A_84 = vector.broadcast %broadcast_in_dim3A : f32 to vector<16xf32>
        %mul3A_85 = arith.constant 16 : i32
        %mul3A_86 = arith.muli %scan3A_82, %mul3A_85 : i32
        %swap3A_87 = arith.index_cast %scan3A_72 : i32 to index
        %swap3A_88 = arith.index_cast %mul3A_86 : i32 to index
        %swap3A_89 = tpu.vector_load %arg6[%swap3A_87, %swap3A_88] {strides = array<i32>} : memref<128x128xf32, #tpu.memory_space<vmem>>, vector<1x16xf32>,
        %swap3A_90 = vector.shape_cast %swap3A_89 : vector<1x16xf32> to vector<16xf32>
        %swap3A_91 = vector.shape_cast %broadcast_in_dim3A_84 : vector<16xf32> to vector<1x16xf32>
        tpu.vector_store %arg6[%swap3A_87, %swap3A_88], %swap3A_91 {strides = array<i32>} : memref<128x128xf32, #tpu.memory_space<vmem>>, vector<1x16xf32>,
        %scan3A_92 = arith.constant 0 : i32
        scf.yield %scan3A_92 : i32
      }
      %scan3A_80 = arith.constant 8 : i32
      %scan3A_81 = arith.constant 0 : i32
      scf.yield %scan3A_81 : i32
    }
    %scan3A_6 = arith.constant 128 : i32
    %scan3A_7 = arith.constant 0 : i32
    %scan3A_8 = arith.constant 0 : i32
    %scan3A_9 = arith.constant 5 : i32
    %scan3A_10 = arith.addi %scan3A_8, %scan3A_9 : i32
    %scan3A_11 = arith.constant 1 : i32
    %scan3A_12 = scf.for %scan3A_72 = %scan3A_8 to %scan3A_10 step %scan3A_11 iter_args(%scan3A_73 = %scan3A_7) -> (i32)  : i32 {
      %mul3A_74 = arith.constant 640 : i32
      %mul3A_75 = arith.muli %arg1, %mul3A_74 : i32
      %mul3A_76 = arith.constant 128 : i32
      %mul3A_77 = arith.muli %scan3A_72, %mul3A_76 : i32
      %add3A_78 = arith.addi %mul3A_75, %mul3A_77 : i32
      "tpu.region"() ({
        %run_scoped3A = tpu.sem_alloc : memref<!tpu.dma_semaphore, #tpu.memory_space<semaphore_mem>>
        %dma_start3A_80 = arith.constant 0 : i32
        %dma_start3A_81 = tpu.memref_slice %arg15[%add3A_78, %dma_start3A_80] : memref<10240x128xf32, #tpu.memory_space<vmem_shared>> -> memref<128x128xf32, #tpu.memory_space<vmem_shared>>
        %dma_start3A_82 = arith.constant 0 : i32
        %dma_start3A_83 = tpu.memref_slice %arg15[%add3A_78, %dma_start3A_82] : memref<10240x128xf32, #tpu.memory_space<vmem_shared>> -> memref<128x128xf32, #tpu.memory_space<vmem_shared>>
        tpu.enqueue_dma source(%arg6 : memref<128x128xf32, #tpu.memory_space<vmem>>) target(%dma_start3A_83 : memref<128x128xf32, #tpu.memory_space<vmem_shared>>) target_semaphore(%run_scoped3A : memref<!tpu.dma_semaphore, #tpu.memory_space<semaphore_mem>>)
        %dma_wait3A_84 = arith.constant 0 : i32
        %dma_wait3A_85 = tpu.memref_slice %arg15[%add3A_78, %dma_wait3A_84] : memref<10240x128xf32, #tpu.memory_space<vmem_shared>> -> memref<128x128xf32, #tpu.memory_space<vmem_shared>>
        %dma_wait3A_86 = arith.constant 0 : i32
        %dma_wait3A_87 = tpu.memref_slice %arg15[%add3A_78, %dma_wait3A_86] : memref<10240x128xf32, #tpu.memory_space<vmem_shared>> -> memref<128x128xf32, #tpu.memory_space<vmem_shared>>
        tpu.wait_dma2 semaphore(%run_scoped3A : memref<!tpu.dma_semaphore, #tpu.memory_space<semaphore_mem>>) src(%arg6 : memref<128x128xf32, #tpu.memory_space<vmem>>) dst(%dma_wait3A_87 : memref<128x128xf32, #tpu.memory_space<vmem_shared>>)
        tpu.yield
      }) : () -> ()
      %scan3A_79 = arith.constant 0 : i32
      scf.yield %scan3A_79 : i32
    }
    %scan3A_13 = arith.constant 5 : i32
    %barrier3A = arith.constant 0 : index
    tpu.barrier barrier_id(%barrier3A)
    %mul3A_14 = arith.constant 10000 : i32
    %mul3A_15 = arith.muli %arg1, %mul3A_14 : i32
    %add3A = arith.constant 0 : i32
    %add3A_16 = arith.addi %mul3A_15, %add3A : i32
    "tpu.region"() ({
      %run_scoped3A = tpu.sem_alloc : memref<!tpu.dma_semaphore, #tpu.memory_space<semaphore_mem>>
      %dma_start3A_72 = tpu.memref_slice %arg3[%add3A_16] : memref<160000xi32, #tpu.memory_space<hbm>> -> memref<128xi32, #tpu.memory_space<hbm>>
      %dma_start3A_73 = tpu.memref_slice %arg3[%add3A_16] : memref<160000xi32, #tpu.memory_space<hbm>> -> memref<128xi32, #tpu.memory_space<hbm>>
      tpu.enqueue_dma source(%dma_start3A_73 : memref<128xi32, #tpu.memory_space<hbm>>) target(%arg9 : memref<128xi32, #tpu.memory_space<vmem>>) target_semaphore(%run_scoped3A : memref<!tpu.dma_semaphore, #tpu.memory_space<semaphore_mem>>)
      %dma_wait3A_74 = tpu.memref_slice %arg3[%add3A_16] : memref<160000xi32, #tpu.memory_space<hbm>> -> memref<128xi32, #tpu.memory_space<hbm>>
      %dma_wait3A_75 = tpu.memref_slice %arg3[%add3A_16] : memref<160000xi32, #tpu.memory_space<hbm>> -> memref<128xi32, #tpu.memory_space<hbm>>
      tpu.wait_dma2 semaphore(%run_scoped3A : memref<!tpu.dma_semaphore, #tpu.memory_space<semaphore_mem>>) src(%dma_wait3A_75 : memref<128xi32, #tpu.memory_space<hbm>>) dst(%arg9 : memref<128xi32, #tpu.memory_space<vmem>>)
      tpu.yield
    }) : () -> ()
    %scan3A_17 = arith.constant 0 : i32
    %scan3A_18 = arith.constant 0 : i32
    %scan3A_19 = arith.constant 8 : i32
    %scan3A_20 = arith.addi %scan3A_18, %scan3A_19 : i32
    %scan3A_21 = arith.constant 1 : i32
    %scan3A_22 = scf.for %scan3A_72 = %scan3A_18 to %scan3A_20 step %scan3A_21 iter_args(%scan3A_73 = %scan3A_17) -> (i32)  : i32 {
      %mul3A_74 = arith.constant 16 : i32
      %mul3A_75 = arith.muli %scan3A_72, %mul3A_74 : i32
      %get3A_76 = arith.index_cast %mul3A_75 : i32 to index
      %get3A_77 = tpu.vector_load %arg9[%get3A_76] {strides = array<i32>} : memref<128xi32, #tpu.memory_space<vmem>>, vector<16xi32>,
      %get3A_78 = vector.shape_cast %get3A_77 : vector<16xi32> to vector<16xi32>
      %add3A_79 = vector.broadcast %mul3A_0 : i32 to vector<16xi32>
      %add3A_80 = arith.addi %get3A_78, %add3A_79 : vector<16xi32>
      %mul3A_81 = arith.constant 16 : i32
      %mul3A_82 = arith.muli %scan3A_72, %mul3A_81 : i32
      %swap3A_83 = arith.index_cast %mul3A_82 : i32 to index
      %swap3A_84 = tpu.vector_load %arg9[%swap3A_83] {strides = array<i32>} : memref<128xi32, #tpu.memory_space<vmem>>, vector<16xi32>,
      %swap3A_85 = vector.shape_cast %swap3A_84 : vector<16xi32> to vector<16xi32>
      %swap3A_86 = vector.shape_cast %add3A_80 : vector<16xi32> to vector<16xi32>
      tpu.vector_store %arg9[%swap3A_83], %swap3A_86 {strides = array<i32>} : memref<128xi32, #tpu.memory_space<vmem>>, vector<16xi32>,
      %scan3A_87 = arith.constant 0 : i32
      scf.yield %scan3A_87 : i32
    }
    %scan3A_23 = arith.constant 8 : i32
    %mul3A_24 = arith.constant 10000 : i32
    %mul3A_25 = arith.muli %arg1, %mul3A_24 : i32
    %add3A_26 = arith.constant 0 : i32
    %add3A_27 = arith.addi %mul3A_25, %add3A_26 : i32
    "tpu.region"() ({
      %run_scoped3A = tpu.sem_alloc : memref<!tpu.dma_semaphore, #tpu.memory_space<semaphore_mem>>
      %dma_start3A_72 = tpu.memref_slice %arg4[%add3A_27] : memref<160000xi32, #tpu.memory_space<hbm>> -> memref<128xi32, #tpu.memory_space<hbm>>
      %dma_start3A_73 = tpu.memref_slice %arg4[%add3A_27] : memref<160000xi32, #tpu.memory_space<hbm>> -> memref<128xi32, #tpu.memory_space<hbm>>
      tpu.enqueue_dma source(%dma_start3A_73 : memref<128xi32, #tpu.memory_space<hbm>>) target(%arg11 : memref<128xi32, #tpu.memory_space<vmem>>) target_semaphore(%run_scoped3A : memref<!tpu.dma_semaphore, #tpu.memory_space<semaphore_mem>>)
      %dma_wait3A_74 = tpu.memref_slice %arg4[%add3A_27] : memref<160000xi32, #tpu.memory_space<hbm>> -> memref<128xi32, #tpu.memory_space<hbm>>
      %dma_wait3A_75 = tpu.memref_slice %arg4[%add3A_27] : memref<160000xi32, #tpu.memory_space<hbm>> -> memref<128xi32, #tpu.memory_space<hbm>>
      tpu.wait_dma2 semaphore(%run_scoped3A : memref<!tpu.dma_semaphore, #tpu.memory_space<semaphore_mem>>) src(%dma_wait3A_75 : memref<128xi32, #tpu.memory_space<hbm>>) dst(%arg11 : memref<128xi32, #tpu.memory_space<vmem>>)
      tpu.yield
    }) : () -> ()
    %dma_start3A = arith.constant 0 : i32
    %dma_start3A_28 = arith.constant 0 : i32
    %dma_start3A_29 = tpu.memref_slice %arg2[%dma_start3A, %dma_start3A_28] : memref<20000x128xf32, #tpu.memory_space<hbm>> -> memref<20000x128xf32, #tpu.memory_space<hbm>>
    tpu.enqueue_indirect_dma source(%dma_start3A_29 : memref<20000x128xf32, #tpu.memory_space<hbm>>) target(%arg6 : memref<128x128xf32, #tpu.memory_space<vmem>>) offsets(%arg9 : memref<128xi32, #tpu.memory_space<vmem>>) semaphore(%arg16 : memref<!tpu.dma_semaphore, #tpu.memory_space<semaphore_mem>>)
    %scan3A_30 = arith.constant 0 : i32
    %scan3A_31 = arith.constant 0 : i32
    %scan3A_32 = arith.constant 39 : i32
    %scan3A_33 = arith.addi %scan3A_31, %scan3A_32 : i32
    %scan3A_34 = arith.constant 1 : i32
    %scan3A_35 = scf.for %scan3A_72 = %scan3A_31 to %scan3A_33 step %scan3A_34 iter_args(%scan3A_73 = %scan3A_30) -> (i32)  : i32 {
      %mul3A_74 = arith.constant 2 : i32
      %mul3A_75 = arith.muli %mul3A_74, %scan3A_72 : i32
      %add3A_76 = arith.constant 0 : i32
      %add3A_77 = arith.addi %mul3A_75, %add3A_76 : i32
      %dma_wait3A_78 = arith.constant 0 : i32
      %dma_wait3A_79 = arith.constant 0 : i32
      %dma_wait3A_80 = tpu.memref_slice %arg2[%dma_wait3A_78, %dma_wait3A_79] : memref<20000x128xf32, #tpu.memory_space<hbm>> -> memref<20000x128xf32, #tpu.memory_space<hbm>>
      tpu.wait_indirect_dma semaphore(%arg16 : memref<!tpu.dma_semaphore, #tpu.memory_space<semaphore_mem>>) src(%dma_wait3A_80 : memref<20000x128xf32, #tpu.memory_space<hbm>>) dst(%arg6 : memref<128x128xf32, #tpu.memory_space<vmem>>)
      %lt3A = arith.constant 77 : i32
      %lt3A_81 = arith.cmpi slt, %add3A_77, %lt3A : i32
      %convert_element_type3A = arith.extui %lt3A_81 : i1 to i32
      %cond3A = arith.constant 0 : i32
      %cond3A_82 = arith.cmpi ne, %convert_element_type3A, %cond3A : i32
      scf.if %cond3A_82 {
        %add3A_121 = arith.constant 1 : i32
        %add3A_122 = arith.addi %add3A_77, %add3A_121 : i32
        %mul3A_123 = arith.constant 10000 : i32
        %mul3A_124 = arith.muli %arg1, %mul3A_123 : i32
        %mul3A_125 = arith.constant 128 : i32
        %mul3A_126 = arith.muli %add3A_122, %mul3A_125 : i32
        %add3A_127 = arith.addi %mul3A_124, %mul3A_126 : i32
        "tpu.region"() ({
          %run_scoped3A = tpu.sem_alloc : memref<!tpu.dma_semaphore, #tpu.memory_space<semaphore_mem>>
          %dma_start3A_135 = tpu.memref_slice %arg3[%add3A_127] : memref<160000xi32, #tpu.memory_space<hbm>> -> memref<128xi32, #tpu.memory_space<hbm>>
          %dma_start3A_136 = tpu.memref_slice %arg3[%add3A_127] : memref<160000xi32, #tpu.memory_space<hbm>> -> memref<128xi32, #tpu.memory_space<hbm>>
          tpu.enqueue_dma source(%dma_start3A_136 : memref<128xi32, #tpu.memory_space<hbm>>) target(%arg10 : memref<128xi32, #tpu.memory_space<vmem>>) target_semaphore(%run_scoped3A : memref<!tpu.dma_semaphore, #tpu.memory_space<semaphore_mem>>)
          %dma_wait3A_137 = tpu.memref_slice %arg3[%add3A_127] : memref<160000xi32, #tpu.memory_space<hbm>> -> memref<128xi32, #tpu.memory_space<hbm>>
          %dma_wait3A_138 = tpu.memref_slice %arg3[%add3A_127] : memref<160000xi32, #tpu.memory_space<hbm>> -> memref<128xi32, #tpu.memory_space<hbm>>
          tpu.wait_dma2 semaphore(%run_scoped3A : memref<!tpu.dma_semaphore, #tpu.memory_space<semaphore_mem>>) src(%dma_wait3A_138 : memref<128xi32, #tpu.memory_space<hbm>>) dst(%arg10 : memref<128xi32, #tpu.memory_space<vmem>>)
          tpu.yield
        }) : () -> ()
        %scan3A_128 = arith.constant 0 : i32
        %scan3A_129 = arith.constant 0 : i32
        %scan3A_130 = arith.constant 8 : i32
        %scan3A_131 = arith.addi %scan3A_129, %scan3A_130 : i32
        %scan3A_132 = arith.constant 1 : i32
        %scan3A_133 = scf.for %scan3A_135 = %scan3A_129 to %scan3A_131 step %scan3A_132 iter_args(%scan3A_136 = %scan3A_128) -> (i32)  : i32 {
          %mul3A_137 = arith.constant 16 : i32
          %mul3A_138 = arith.muli %scan3A_135, %mul3A_137 : i32
          %get3A_139 = arith.index_cast %mul3A_138 : i32 to index
          %get3A_140 = tpu.vector_load %arg10[%get3A_139] {strides = array<i32>} : memref<128xi32, #tpu.memory_space<vmem>>, vector<16xi32>,
          %get3A_141 = vector.shape_cast %get3A_140 : vector<16xi32> to vector<16xi32>
          %add3A_142 = vector.broadcast %mul3A_0 : i32 to vector<16xi32>
          %add3A_143 = arith.addi %get3A_141, %add3A_142 : vector<16xi32>
          %mul3A_144 = arith.constant 16 : i32
          %mul3A_145 = arith.muli %scan3A_135, %mul3A_144 : i32
          %swap3A_146 = arith.index_cast %mul3A_145 : i32 to index
          %swap3A_147 = tpu.vector_load %arg10[%swap3A_146] {strides = array<i32>} : memref<128xi32, #tpu.memory_space<vmem>>, vector<16xi32>,
          %swap3A_148 = vector.shape_cast %swap3A_147 : vector<16xi32> to vector<16xi32>
          %swap3A_149 = vector.shape_cast %add3A_143 : vector<16xi32> to vector<16xi32>
          tpu.vector_store %arg10[%swap3A_146], %swap3A_149 {strides = array<i32>} : memref<128xi32, #tpu.memory_space<vmem>>, vector<16xi32>,
          %scan3A_150 = arith.constant 0 : i32
          scf.yield %scan3A_150 : i32
        }
        %scan3A_134 = arith.constant 8 : i32
      } else {
      }
      %gt3A = arith.constant 0 : i32
      %gt3A_83 = arith.cmpi sgt, %add3A_77, %gt3A : i32
      %convert_element_type3A_84 = arith.extui %gt3A_83 : i1 to i32
      %cond3A_85 = arith.constant 0 : i32
      %cond3A_86 = arith.cmpi ne, %convert_element_type3A_84, %cond3A_85 : i32
      scf.if %cond3A_86 {
        %dma_wait3A_121 = arith.constant 0 : i32
        %dma_wait3A_122 = arith.constant 0 : i32
        %dma_wait3A_123 = tpu.memref_slice %arg15[%dma_wait3A_121, %dma_wait3A_122] : memref<10240x128xf32, #tpu.memory_space<vmem_shared>> -> memref<10240x128xf32, #tpu.memory_space<vmem_shared>>
        tpu.wait_indirect_dma semaphore(%arg19 : memref<!tpu.dma_semaphore, #tpu.memory_space<semaphore_mem>>) src(%arg7 : memref<128x128xf32, #tpu.memory_space<vmem>>) dst(%dma_wait3A_123 : memref<10240x128xf32, #tpu.memory_space<vmem_shared>>)
      } else {
      }
      %dma_start3A_87 = arith.constant 0 : i32
      %dma_start3A_88 = arith.constant 0 : i32
      %dma_start3A_89 = tpu.memref_slice %arg15[%dma_start3A_87, %dma_start3A_88] : memref<10240x128xf32, #tpu.memory_space<vmem_shared>> -> memref<10240x128xf32, #tpu.memory_space<vmem_shared>>
      tpu.enqueue_indirect_dma source(%arg6 : memref<128x128xf32, #tpu.memory_space<vmem>>) target(%dma_start3A_89 : memref<10240x128xf32, #tpu.memory_space<vmem_shared>>) offsets(%arg11 : memref<128xi32, #tpu.memory_space<vmem>>) semaphore(%arg18 : memref<!tpu.dma_semaphore, #tpu.memory_space<semaphore_mem>>) {add = true}
      %lt3A_90 = arith.constant 77 : i32
      %lt3A_91 = arith.cmpi slt, %add3A_77, %lt3A_90 : i32
      %convert_element_type3A_92 = arith.extui %lt3A_91 : i1 to i32
      %cond3A_93 = arith.constant 0 : i32
      %cond3A_94 = arith.cmpi ne, %convert_element_type3A_92, %cond3A_93 : i32
      scf.if %cond3A_94 {
        %add3A_121 = arith.constant 1 : i32
        %add3A_122 = arith.addi %add3A_77, %add3A_121 : i32
        %mul3A_123 = arith.constant 10000 : i32
        %mul3A_124 = arith.muli %arg1, %mul3A_123 : i32
        %mul3A_125 = arith.constant 128 : i32
        %mul3A_126 = arith.muli %add3A_122, %mul3A_125 : i32
        %add3A_127 = arith.addi %mul3A_124, %mul3A_126 : i32
        "tpu.region"() ({
          %run_scoped3A = tpu.sem_alloc : memref<!tpu.dma_semaphore, #tpu.memory_space<semaphore_mem>>
          %dma_start3A_131 = tpu.memref_slice %arg4[%add3A_127] : memref<160000xi32, #tpu.memory_space<hbm>> -> memref<128xi32, #tpu.memory_space<hbm>>
          %dma_start3A_132 = tpu.memref_slice %arg4[%add3A_127] : memref<160000xi32, #tpu.memory_space<hbm>> -> memref<128xi32, #tpu.memory_space<hbm>>
          tpu.enqueue_dma source(%dma_start3A_132 : memref<128xi32, #tpu.memory_space<hbm>>) target(%arg12 : memref<128xi32, #tpu.memory_space<vmem>>) target_semaphore(%run_scoped3A : memref<!tpu.dma_semaphore, #tpu.memory_space<semaphore_mem>>)
          %dma_wait3A_133 = tpu.memref_slice %arg4[%add3A_127] : memref<160000xi32, #tpu.memory_space<hbm>> -> memref<128xi32, #tpu.memory_space<hbm>>
          %dma_wait3A_134 = tpu.memref_slice %arg4[%add3A_127] : memref<160000xi32, #tpu.memory_space<hbm>> -> memref<128xi32, #tpu.memory_space<hbm>>
          tpu.wait_dma2 semaphore(%run_scoped3A : memref<!tpu.dma_semaphore, #tpu.memory_space<semaphore_mem>>) src(%dma_wait3A_134 : memref<128xi32, #tpu.memory_space<hbm>>) dst(%arg12 : memref<128xi32, #tpu.memory_space<vmem>>)
          tpu.yield
        }) : () -> ()
        %dma_start3A_128 = arith.constant 0 : i32
        %dma_start3A_129 = arith.constant 0 : i32
        %dma_start3A_130 = tpu.memref_slice %arg2[%dma_start3A_128, %dma_start3A_129] : memref<20000x128xf32, #tpu.memory_space<hbm>> -> memref<20000x128xf32, #tpu.memory_space<hbm>>
        tpu.enqueue_indirect_dma source(%dma_start3A_130 : memref<20000x128xf32, #tpu.memory_space<hbm>>) target(%arg7 : memref<128x128xf32, #tpu.memory_space<vmem>>) offsets(%arg10 : memref<128xi32, #tpu.memory_space<vmem>>) semaphore(%arg17 : memref<!tpu.dma_semaphore, #tpu.memory_space<semaphore_mem>>)
      } else {
      }
      %mul3A_95 = arith.constant 2 : i32
      %mul3A_96 = arith.muli %mul3A_95, %scan3A_72 : i32
      %add3A_97 = arith.constant 1 : i32
      %add3A_98 = arith.addi %mul3A_96, %add3A_97 : i32
      %dma_wait3A_99 = arith.constant 0 : i32
      %dma_wait3A_100 = arith.constant 0 : i32
      %dma_wait3A_101 = tpu.memref_slice %arg2[%dma_wait3A_99, %dma_wait3A_100] : memref<20000x128xf32, #tpu.memory_space<hbm>> -> memref<20000x128xf32, #tpu.memory_space<hbm>>
      tpu.wait_indirect_dma semaphore(%arg17 : memref<!tpu.dma_semaphore, #tpu.memory_space<semaphore_mem>>) src(%dma_wait3A_101 : memref<20000x128xf32, #tpu.memory_space<hbm>>) dst(%arg7 : memref<128x128xf32, #tpu.memory_space<vmem>>)
      %lt3A_102 = arith.constant 77 : i32
      %lt3A_103 = arith.cmpi slt, %add3A_98, %lt3A_102 : i32
      %convert_element_type3A_104 = arith.extui %lt3A_103 : i1 to i32
      %cond3A_105 = arith.constant 0 : i32
      %cond3A_106 = arith.cmpi ne, %convert_element_type3A_104, %cond3A_105 : i32
      scf.if %cond3A_106 {
        %add3A_121 = arith.constant 1 : i32
        %add3A_122 = arith.addi %add3A_98, %add3A_121 : i32
        %mul3A_123 = arith.constant 10000 : i32
        %mul3A_124 = arith.muli %arg1, %mul3A_123 : i32
        %mul3A_125 = arith.constant 128 : i32
        %mul3A_126 = arith.muli %add3A_122, %mul3A_125 : i32
        %add3A_127 = arith.addi %mul3A_124, %mul3A_126 : i32
        "tpu.region"() ({
          %run_scoped3A = tpu.sem_alloc : memref<!tpu.dma_semaphore, #tpu.memory_space<semaphore_mem>>
          %dma_start3A_135 = tpu.memref_slice %arg3[%add3A_127] : memref<160000xi32, #tpu.memory_space<hbm>> -> memref<128xi32, #tpu.memory_space<hbm>>
          %dma_start3A_136 = tpu.memref_slice %arg3[%add3A_127] : memref<160000xi32, #tpu.memory_space<hbm>> -> memref<128xi32, #tpu.memory_space<hbm>>
          tpu.enqueue_dma source(%dma_start3A_136 : memref<128xi32, #tpu.memory_space<hbm>>) target(%arg9 : memref<128xi32, #tpu.memory_space<vmem>>) target_semaphore(%run_scoped3A : memref<!tpu.dma_semaphore, #tpu.memory_space<semaphore_mem>>)
          %dma_wait3A_137 = tpu.memref_slice %arg3[%add3A_127] : memref<160000xi32, #tpu.memory_space<hbm>> -> memref<128xi32, #tpu.memory_space<hbm>>
          %dma_wait3A_138 = tpu.memref_slice %arg3[%add3A_127] : memref<160000xi32, #tpu.memory_space<hbm>> -> memref<128xi32, #tpu.memory_space<hbm>>
          tpu.wait_dma2 semaphore(%run_scoped3A : memref<!tpu.dma_semaphore, #tpu.memory_space<semaphore_mem>>) src(%dma_wait3A_138 : memref<128xi32, #tpu.memory_space<hbm>>) dst(%arg9 : memref<128xi32, #tpu.memory_space<vmem>>)
          tpu.yield
        }) : () -> ()
        %scan3A_128 = arith.constant 0 : i32
        %scan3A_129 = arith.constant 0 : i32
        %scan3A_130 = arith.constant 8 : i32
        %scan3A_131 = arith.addi %scan3A_129, %scan3A_130 : i32
        %scan3A_132 = arith.constant 1 : i32
        %scan3A_133 = scf.for %scan3A_135 = %scan3A_129 to %scan3A_131 step %scan3A_132 iter_args(%scan3A_136 = %scan3A_128) -> (i32)  : i32 {
          %mul3A_137 = arith.constant 16 : i32
          %mul3A_138 = arith.muli %scan3A_135, %mul3A_137 : i32
          %get3A_139 = arith.index_cast %mul3A_138 : i32 to index
          %get3A_140 = tpu.vector_load %arg9[%get3A_139] {strides = array<i32>} : memref<128xi32, #tpu.memory_space<vmem>>, vector<16xi32>,
          %get3A_141 = vector.shape_cast %get3A_140 : vector<16xi32> to vector<16xi32>
          %add3A_142 = vector.broadcast %mul3A_0 : i32 to vector<16xi32>
          %add3A_143 = arith.addi %get3A_141, %add3A_142 : vector<16xi32>
          %mul3A_144 = arith.constant 16 : i32
          %mul3A_145 = arith.muli %scan3A_135, %mul3A_144 : i32
          %swap3A_146 = arith.index_cast %mul3A_145 : i32 to index
          %swap3A_147 = tpu.vector_load %arg9[%swap3A_146] {strides = array<i32>} : memref<128xi32, #tpu.memory_space<vmem>>, vector<16xi32>,
          %swap3A_148 = vector.shape_cast %swap3A_147 : vector<16xi32> to vector<16xi32>
          %swap3A_149 = vector.shape_cast %add3A_143 : vector<16xi32> to vector<16xi32>
          tpu.vector_store %arg9[%swap3A_146], %swap3A_149 {strides = array<i32>} : memref<128xi32, #tpu.memory_space<vmem>>, vector<16xi32>,
          %scan3A_150 = arith.constant 0 : i32
          scf.yield %scan3A_150 : i32
        }
        %scan3A_134 = arith.constant 8 : i32
      } else {
      }
      %gt3A_107 = arith.constant 0 : i32
      %gt3A_108 = arith.cmpi sgt, %add3A_98, %gt3A_107 : i32
      %convert_element_type3A_109 = arith.extui %gt3A_108 : i1 to i32
      %cond3A_110 = arith.constant 0 : i32
      %cond3A_111 = arith.cmpi ne, %convert_element_type3A_109, %cond3A_110 : i32
      scf.if %cond3A_111 {
        %dma_wait3A_121 = arith.constant 0 : i32
        %dma_wait3A_122 = arith.constant 0 : i32
        %dma_wait3A_123 = tpu.memref_slice %arg15[%dma_wait3A_121, %dma_wait3A_122] : memref<10240x128xf32, #tpu.memory_space<vmem_shared>> -> memref<10240x128xf32, #tpu.memory_space<vmem_shared>>
        tpu.wait_indirect_dma semaphore(%arg18 : memref<!tpu.dma_semaphore, #tpu.memory_space<semaphore_mem>>) src(%arg6 : memref<128x128xf32, #tpu.memory_space<vmem>>) dst(%dma_wait3A_123 : memref<10240x128xf32, #tpu.memory_space<vmem_shared>>)
      } else {
      }
      %dma_start3A_112 = arith.constant 0 : i32
      %dma_start3A_113 = arith.constant 0 : i32
      %dma_start3A_114 = tpu.memref_slice %arg15[%dma_start3A_112, %dma_start3A_113] : memref<10240x128xf32, #tpu.memory_space<vmem_shared>> -> memref<10240x128xf32, #tpu.memory_space<vmem_shared>>
      tpu.enqueue_indirect_dma source(%arg7 : memref<128x128xf32, #tpu.memory_space<vmem>>) target(%dma_start3A_114 : memref<10240x128xf32, #tpu.memory_space<vmem_shared>>) offsets(%arg12 : memref<128xi32, #tpu.memory_space<vmem>>) semaphore(%arg19 : memref<!tpu.dma_semaphore, #tpu.memory_space<semaphore_mem>>) {add = true}
      %lt3A_115 = arith.constant 77 : i32
      %lt3A_116 = arith.cmpi slt, %add3A_98, %lt3A_115 : i32
      %convert_element_type3A_117 = arith.extui %lt3A_116 : i1 to i32
      %cond3A_118 = arith.constant 0 : i32
      %cond3A_119 = arith.cmpi ne, %convert_element_type3A_117, %cond3A_118 : i32
      scf.if %cond3A_119 {
        %add3A_121 = arith.constant 1 : i32
        %add3A_122 = arith.addi %add3A_98, %add3A_121 : i32
        %mul3A_123 = arith.constant 10000 : i32
        %mul3A_124 = arith.muli %arg1, %mul3A_123 : i32
        %mul3A_125 = arith.constant 128 : i32
        %mul3A_126 = arith.muli %add3A_122, %mul3A_125 : i32
        %add3A_127 = arith.addi %mul3A_124, %mul3A_126 : i32
        "tpu.region"() ({
          %run_scoped3A = tpu.sem_alloc : memref<!tpu.dma_semaphore, #tpu.memory_space<semaphore_mem>>
          %dma_start3A_131 = tpu.memref_slice %arg4[%add3A_127] : memref<160000xi32, #tpu.memory_space<hbm>> -> memref<128xi32, #tpu.memory_space<hbm>>
          %dma_start3A_132 = tpu.memref_slice %arg4[%add3A_127] : memref<160000xi32, #tpu.memory_space<hbm>> -> memref<128xi32, #tpu.memory_space<hbm>>
          tpu.enqueue_dma source(%dma_start3A_132 : memref<128xi32, #tpu.memory_space<hbm>>) target(%arg11 : memref<128xi32, #tpu.memory_space<vmem>>) target_semaphore(%run_scoped3A : memref<!tpu.dma_semaphore, #tpu.memory_space<semaphore_mem>>)
          %dma_wait3A_133 = tpu.memref_slice %arg4[%add3A_127] : memref<160000xi32, #tpu.memory_space<hbm>> -> memref<128xi32, #tpu.memory_space<hbm>>
          %dma_wait3A_134 = tpu.memref_slice %arg4[%add3A_127] : memref<160000xi32, #tpu.memory_space<hbm>> -> memref<128xi32, #tpu.memory_space<hbm>>
          tpu.wait_dma2 semaphore(%run_scoped3A : memref<!tpu.dma_semaphore, #tpu.memory_space<semaphore_mem>>) src(%dma_wait3A_134 : memref<128xi32, #tpu.memory_space<hbm>>) dst(%arg11 : memref<128xi32, #tpu.memory_space<vmem>>)
          tpu.yield
        }) : () -> ()
        %dma_start3A_128 = arith.constant 0 : i32
        %dma_start3A_129 = arith.constant 0 : i32
        %dma_start3A_130 = tpu.memref_slice %arg2[%dma_start3A_128, %dma_start3A_129] : memref<20000x128xf32, #tpu.memory_space<hbm>> -> memref<20000x128xf32, #tpu.memory_space<hbm>>
        tpu.enqueue_indirect_dma source(%dma_start3A_130 : memref<20000x128xf32, #tpu.memory_space<hbm>>) target(%arg6 : memref<128x128xf32, #tpu.memory_space<vmem>>) offsets(%arg9 : memref<128xi32, #tpu.memory_space<vmem>>) semaphore(%arg16 : memref<!tpu.dma_semaphore, #tpu.memory_space<semaphore_mem>>)
      } else {
      }
      %scan3A_120 = arith.constant 0 : i32
      scf.yield %scan3A_120 : i32
    }
    %scan3A_36 = arith.constant 39 : i32
    %dma_wait3A = arith.constant 0 : i32
    %dma_wait3A_37 = arith.constant 0 : i32
    %dma_wait3A_38 = tpu.memref_slice %arg15[%dma_wait3A, %dma_wait3A_37] : memref<10240x128xf32, #tpu.memory_space<vmem_shared>> -> memref<10240x128xf32, #tpu.memory_space<vmem_shared>>
    tpu.wait_indirect_dma semaphore(%arg19 : memref<!tpu.dma_semaphore, #tpu.memory_space<semaphore_mem>>) src(%arg7 : memref<128x128xf32, #tpu.memory_space<vmem>>) dst(%dma_wait3A_38 : memref<10240x128xf32, #tpu.memory_space<vmem_shared>>)
    %mul3A_39 = arith.constant 10000 : i32
    %mul3A_40 = arith.muli %arg1, %mul3A_39 : i32
    %add3A_41 = arith.constant 9984 : i32
    %add3A_42 = arith.addi %mul3A_40, %add3A_41 : i32
    "tpu.region"() ({
      %run_scoped3A = tpu.sem_alloc : memref<!tpu.dma_semaphore, #tpu.memory_space<semaphore_mem>>
      %dma_start3A_72 = tpu.memref_slice %arg3[%add3A_42] : memref<160000xi32, #tpu.memory_space<hbm>> -> memref<16xi32, #tpu.memory_space<hbm>>
      %dma_start3A_73 = tpu.memref_slice %arg3[%add3A_42] : memref<160000xi32, #tpu.memory_space<hbm>> -> memref<16xi32, #tpu.memory_space<hbm>>
      tpu.enqueue_dma source(%dma_start3A_73 : memref<16xi32, #tpu.memory_space<hbm>>) target(%arg13 : memref<16xi32, #tpu.memory_space<vmem>>) target_semaphore(%run_scoped3A : memref<!tpu.dma_semaphore, #tpu.memory_space<semaphore_mem>>)
      %dma_wait3A_74 = tpu.memref_slice %arg3[%add3A_42] : memref<160000xi32, #tpu.memory_space<hbm>> -> memref<16xi32, #tpu.memory_space<hbm>>
      %dma_wait3A_75 = tpu.memref_slice %arg3[%add3A_42] : memref<160000xi32, #tpu.memory_space<hbm>> -> memref<16xi32, #tpu.memory_space<hbm>>
      tpu.wait_dma2 semaphore(%run_scoped3A : memref<!tpu.dma_semaphore, #tpu.memory_space<semaphore_mem>>) src(%dma_wait3A_75 : memref<16xi32, #tpu.memory_space<hbm>>) dst(%arg13 : memref<16xi32, #tpu.memory_space<vmem>>)
      tpu.yield
    }) : () -> ()
    "tpu.region"() ({
      %run_scoped3A = tpu.sem_alloc : memref<!tpu.dma_semaphore, #tpu.memory_space<semaphore_mem>>
      %dma_start3A_72 = tpu.memref_slice %arg4[%add3A_42] : memref<160000xi32, #tpu.memory_space<hbm>> -> memref<16xi32, #tpu.memory_space<hbm>>
      %dma_start3A_73 = tpu.memref_slice %arg4[%add3A_42] : memref<160000xi32, #tpu.memory_space<hbm>> -> memref<16xi32, #tpu.memory_space<hbm>>
      tpu.enqueue_dma source(%dma_start3A_73 : memref<16xi32, #tpu.memory_space<hbm>>) target(%arg14 : memref<16xi32, #tpu.memory_space<vmem>>) target_semaphore(%run_scoped3A : memref<!tpu.dma_semaphore, #tpu.memory_space<semaphore_mem>>)
      %dma_wait3A_74 = tpu.memref_slice %arg4[%add3A_42] : memref<160000xi32, #tpu.memory_space<hbm>> -> memref<16xi32, #tpu.memory_space<hbm>>
      %dma_wait3A_75 = tpu.memref_slice %arg4[%add3A_42] : memref<160000xi32, #tpu.memory_space<hbm>> -> memref<16xi32, #tpu.memory_space<hbm>>
      tpu.wait_dma2 semaphore(%run_scoped3A : memref<!tpu.dma_semaphore, #tpu.memory_space<semaphore_mem>>) src(%dma_wait3A_75 : memref<16xi32, #tpu.memory_space<hbm>>) dst(%arg14 : memref<16xi32, #tpu.memory_space<vmem>>)
      tpu.yield
    }) : () -> ()
    %scan3A_43 = arith.constant 0 : i32
    %scan3A_44 = arith.constant 0 : i32
    %mul3A_45 = arith.constant 16 : i32
    %mul3A_46 = arith.muli %scan3A_44, %mul3A_45 : i32
    %get3A = arith.index_cast %mul3A_46 : i32 to index
    %get3A_47 = tpu.vector_load %arg13[%get3A] {strides = array<i32>} : memref<16xi32, #tpu.memory_space<vmem>>, vector<16xi32>,
    %get3A_48 = vector.shape_cast %get3A_47 : vector<16xi32> to vector<16xi32>
    %add3A_49 = vector.broadcast %mul3A_0 : i32 to vector<16xi32>
    %add3A_50 = arith.addi %get3A_48, %add3A_49 : vector<16xi32>
    %mul3A_51 = arith.constant 16 : i32
    %mul3A_52 = arith.muli %scan3A_44, %mul3A_51 : i32
    %swap3A = arith.index_cast %mul3A_52 : i32 to index
    %swap3A_53 = tpu.vector_load %arg13[%swap3A] {strides = array<i32>} : memref<16xi32, #tpu.memory_space<vmem>>, vector<16xi32>,
    %swap3A_54 = vector.shape_cast %swap3A_53 : vector<16xi32> to vector<16xi32>
    %swap3A_55 = vector.shape_cast %add3A_50 : vector<16xi32> to vector<16xi32>
    tpu.vector_store %arg13[%swap3A], %swap3A_55 {strides = array<i32>} : memref<16xi32, #tpu.memory_space<vmem>>, vector<16xi32>,
    %scan3A_56 = arith.constant 0 : i32
    %scan3A_57 = arith.constant 1 : i32
    %dma_start3A_58 = arith.constant 0 : i32
    %dma_start3A_59 = arith.constant 0 : i32
    %dma_start3A_60 = tpu.memref_slice %arg2[%dma_start3A_58, %dma_start3A_59] : memref<20000x128xf32, #tpu.memory_space<hbm>> -> memref<20000x128xf32, #tpu.memory_space<hbm>>
    tpu.enqueue_indirect_dma source(%dma_start3A_60 : memref<20000x128xf32, #tpu.memory_space<hbm>>) target(%arg8 : memref<16x128xf32, #tpu.memory_space<vmem>>) offsets(%arg13 : memref<16xi32, #tpu.memory_space<vmem>>) semaphore(%arg20 : memref<!tpu.dma_semaphore, #tpu.memory_space<semaphore_mem>>)
    %dma_wait3A_61 = arith.constant 0 : i32
    %dma_wait3A_62 = arith.constant 0 : i32
    %dma_wait3A_63 = tpu.memref_slice %arg2[%dma_wait3A_61, %dma_wait3A_62] : memref<20000x128xf32, #tpu.memory_space<hbm>> -> memref<20000x128xf32, #tpu.memory_space<hbm>>
    tpu.wait_indirect_dma semaphore(%arg20 : memref<!tpu.dma_semaphore, #tpu.memory_space<semaphore_mem>>) src(%dma_wait3A_63 : memref<20000x128xf32, #tpu.memory_space<hbm>>) dst(%arg8 : memref<16x128xf32, #tpu.memory_space<vmem>>)
    "tpu.region"() ({
      %run_scoped3A = tpu.sem_alloc : memref<!tpu.dma_semaphore, #tpu.memory_space<semaphore_mem>>
      %dma_start3A_72 = arith.constant 0 : i32
      %dma_start3A_73 = arith.constant 0 : i32
      %dma_start3A_74 = tpu.memref_slice %arg15[%dma_start3A_72, %dma_start3A_73] : memref<10240x128xf32, #tpu.memory_space<vmem_shared>> -> memref<10240x128xf32, #tpu.memory_space<vmem_shared>>
      tpu.enqueue_indirect_dma source(%arg8 : memref<16x128xf32, #tpu.memory_space<vmem>>) target(%dma_start3A_74 : memref<10240x128xf32, #tpu.memory_space<vmem_shared>>) offsets(%arg14 : memref<16xi32, #tpu.memory_space<vmem>>) semaphore(%run_scoped3A : memref<!tpu.dma_semaphore, #tpu.memory_space<semaphore_mem>>) {add = true}
      %dma_wait3A_75 = arith.constant 0 : i32
      %dma_wait3A_76 = arith.constant 0 : i32
      %dma_wait3A_77 = tpu.memref_slice %arg15[%dma_wait3A_75, %dma_wait3A_76] : memref<10240x128xf32, #tpu.memory_space<vmem_shared>> -> memref<10240x128xf32, #tpu.memory_space<vmem_shared>>
      tpu.wait_indirect_dma semaphore(%run_scoped3A : memref<!tpu.dma_semaphore, #tpu.memory_space<semaphore_mem>>) src(%arg8 : memref<16x128xf32, #tpu.memory_space<vmem>>) dst(%dma_wait3A_77 : memref<10240x128xf32, #tpu.memory_space<vmem_shared>>)
      tpu.yield
    }) : () -> ()
    %barrier3A_64 = arith.constant 0 : index
    tpu.barrier barrier_id(%barrier3A_64)
    %mul3A_65 = arith.constant 640 : i32
    %mul3A_66 = arith.muli %arg1, %mul3A_65 : i32
    %mul3A_67 = arith.constant 10240 : i32
    %mul3A_68 = arith.muli %arg0, %mul3A_67 : i32
    %mul3A_69 = arith.constant 640 : i32
    %mul3A_70 = arith.muli %arg1, %mul3A_69 : i32
    %add3A_71 = arith.addi %mul3A_68, %mul3A_70 : i32
    "tpu.region"() ({
      %run_scoped3A = tpu.sem_alloc : memref<!tpu.dma_semaphore, #tpu.memory_space<semaphore_mem>>
      %dma_start3A_72 = arith.constant 0 : i32
      %dma_start3A_73 = tpu.memref_slice %arg5[%add3A_71, %dma_start3A_72] : memref<20480x128xf32, #tpu.memory_space<hbm>> -> memref<640x128xf32, #tpu.memory_space<hbm>>
      %dma_start3A_74 = arith.constant 0 : i32
      %dma_start3A_75 = tpu.memref_slice %arg15[%mul3A_66, %dma_start3A_74] : memref<10240x128xf32, #tpu.memory_space<vmem_shared>> -> memref<640x128xf32, #tpu.memory_space<vmem_shared>>
      tpu.enqueue_dma source(%dma_start3A_75 : memref<640x128xf32, #tpu.memory_space<vmem_shared>>) target(%dma_start3A_73 : memref<640x128xf32, #tpu.memory_space<hbm>>) target_semaphore(%run_scoped3A : memref<!tpu.dma_semaphore, #tpu.memory_space<semaphore_mem>>)
      %dma_wait3A_76 = arith.constant 0 : i32
      %dma_wait3A_77 = tpu.memref_slice %arg5[%add3A_71, %dma_wait3A_76] : memref<20480x128xf32, #tpu.memory_space<hbm>> -> memref<640x128xf32, #tpu.memory_space<hbm>>
      %dma_wait3A_78 = arith.constant 0 : i32
      %dma_wait3A_79 = tpu.memref_slice %arg15[%mul3A_66, %dma_wait3A_78] : memref<10240x128xf32, #tpu.memory_space<vmem_shared>> -> memref<640x128xf32, #tpu.memory_space<vmem_shared>>
      tpu.wait_dma2 semaphore(%run_scoped3A : memref<!tpu.dma_semaphore, #tpu.memory_space<semaphore_mem>>) src(%dma_wait3A_79 : memref<640x128xf32, #tpu.memory_space<vmem_shared>>) dst(%dma_wait3A_77 : memref<640x128xf32, #tpu.memory_space<hbm>>)
      tpu.yield
    }) : () -> ()
    return
  }
}

module attributes {stable_mosaic.version = 14 : i64} {
  func.func @_tc_a_body(%arg0: i32, %arg1: memref<1024x256xf32, #tpu.memory_space<vmem>>, %arg2: memref<256x256xf32, #tpu.memory_space<vmem>>, %arg3: memref<1024x1xf32, #tpu.memory_space<vmem>>, %arg4: memref<2x1024x128xf32, #tpu.memory_space<vmem>>, %arg5: memref<1024x1xf32, #tpu.memory_space<vmem>>) attributes {dimension_semantics = [#tpu.dimension_semantics<arbitrary>], iteration_bounds = array<i64: 10>, scalar_prefetch = 0 : i64, scratch_operands = 0 : i64, tpu.core_type = #tpu.core_type<tc>, window_params = [{transform_indices = @transform_0, window_bounds = array<i64: 1024, 256>}, {pipeline_mode = #tpu.pipeline_mode<synchronous>, transform_indices = @transform_1, window_bounds = array<i64: 256, 256>}, {transform_indices = @transform_2, window_bounds = array<i64: 1024, 1>}, {transform_indices = @transform_3, window_bounds = array<i64: 2, 1024, 128>}, {transform_indices = @transform_4, window_bounds = array<i64: 1024, 1>}]} {
    %get3A = arith.constant 0 : index
    %get3A_0 = arith.constant 0 : index
    %get3A_1 = vector.load %arg3[%get3A, %get3A_0] : memref<1024x1xf32, #tpu.memory_space<vmem>>, vector<1024x1xf32>
    %gt3A = arith.constant 0.000000e+00 : f32
    %gt3A_2 = vector.broadcast %gt3A : f32 to vector<1024x1xf32>
    %gt3A_3 = arith.cmpf ogt, %get3A_1, %gt3A_2 : vector<1024x1xf32>
    %rsqrt3A = math.rsqrt %get3A_1 : vector<1024x1xf32>
    %jit3A = arith.constant 0.000000e+00 : f32
    %broadcast_in_dim3A = vector.broadcast %jit3A : f32 to vector<1024x1xf32>
    %select_n3A = arith.select %gt3A_3, %rsqrt3A, %broadcast_in_dim3A : vector<1024x1xi1>, vector<1024x1xf32>
    %get3A_4 = arith.constant 0 : index
    %get3A_5 = arith.constant 0 : index
    %get3A_6 = vector.load %arg1[%get3A_4, %get3A_5] : memref<1024x256xf32, #tpu.memory_space<vmem>>, vector<1024x256xf32>
    %get3A_7 = arith.constant 0 : index
    %get3A_8 = arith.constant 0 : index
    %get3A_9 = vector.load %arg2[%get3A_7, %get3A_8] : memref<256x256xf32, #tpu.memory_space<vmem>>, vector<256x256xf32>
    %dot_general3A = arith.constant dense<0.000000e+00> : vector<1024x256xf32>
    %dot_general3A_10 = tpu.matmul %get3A_6, %get3A_9, %dot_general3A {dimension_numbers = #tpu.dot_dimension_numbers<[1], [0], [0], [1], [0, 0, 1, 1], [], []>, transpose_lhs_hint = false} : vector<1024x256xf32>, vector<256x256xf32>, vector<1024x256xf32> -> vector<1024x256xf32>
    %mul3A = vector.broadcast %select_n3A : vector<1024x1xf32> to vector<1024x256xf32>
    %mul3A_11 = arith.mulf %dot_general3A_10, %mul3A : vector<1024x256xf32>
    %slice3A = vector.extract_strided_slice %mul3A_11 {offsets = [0, 0], sizes = [1024, 128], strides = [1, 1]} : vector<1024x256xf32> to vector<1024x128xf32>
    %swap3A = arith.constant 0 : index
    %swap3A_12 = arith.constant 0 : index
    %swap3A_13 = arith.constant 0 : index
    %swap3A_14 = vector.load %arg4[%swap3A, %swap3A_12, %swap3A_13] : memref<2x1024x128xf32, #tpu.memory_space<vmem>>, vector<1x1024x128xf32>
    %swap3A_15 = vector.shape_cast %swap3A_14 : vector<1x1024x128xf32> to vector<1024x128xf32>
    %swap3A_16 = vector.shape_cast %slice3A : vector<1024x128xf32> to vector<1x1024x128xf32>
    tpu.vector_store %arg4[%swap3A, %swap3A_12, %swap3A_13], %swap3A_16 {strides = array<i32>} : memref<2x1024x128xf32, #tpu.memory_space<vmem>>, vector<1x1024x128xf32>,
    %slice3A_17 = vector.extract_strided_slice %mul3A_11 {offsets = [0, 128], sizes = [1024, 128], strides = [1, 1]} : vector<1024x256xf32> to vector<1024x128xf32>
    %swap3A_18 = arith.constant 1 : index
    %swap3A_19 = arith.constant 0 : index
    %swap3A_20 = arith.constant 0 : index
    %swap3A_21 = vector.load %arg4[%swap3A_18, %swap3A_19, %swap3A_20] : memref<2x1024x128xf32, #tpu.memory_space<vmem>>, vector<1x1024x128xf32>
    %swap3A_22 = vector.shape_cast %swap3A_21 : vector<1x1024x128xf32> to vector<1024x128xf32>
    %swap3A_23 = vector.shape_cast %slice3A_17 : vector<1024x128xf32> to vector<1x1024x128xf32>
    tpu.vector_store %arg4[%swap3A_18, %swap3A_19, %swap3A_20], %swap3A_23 {strides = array<i32>} : memref<2x1024x128xf32, #tpu.memory_space<vmem>>, vector<1x1024x128xf32>,
    %swap3A_24 = arith.constant 0 : index
    %swap3A_25 = arith.constant 0 : index
    %swap3A_26 = vector.load %arg5[%swap3A_24, %swap3A_25] : memref<1024x1xf32, #tpu.memory_space<vmem>>, vector<1024x1xf32>
    tpu.vector_store %arg5[%swap3A_24, %swap3A_25], %select_n3A {strides = array<i32>} : memref<1024x1xf32, #tpu.memory_space<vmem>>, vector<1024x1xf32>,
    return
  }
  func.func @transform_0(%arg0: i32) -> (i32, i32) {
    %c0_i32 = arith.constant 0 : i32
    %c0_i32_0 = arith.constant 0 : i32
    return %arg0, %c0_i32 : i32, i32
  }
  func.func @transform_1(%arg0: i32) -> (i32, i32) {
    %c0_i32 = arith.constant 0 : i32
    %c0_i32_0 = arith.constant 0 : i32
    %c0_i32_1 = arith.constant 0 : i32
    return %c0_i32, %c0_i32_0 : i32, i32
  }
  func.func @transform_2(%arg0: i32) -> (i32, i32) {
    %c0_i32 = arith.constant 0 : i32
    %c0_i32_0 = arith.constant 0 : i32
    return %arg0, %c0_i32 : i32, i32
  }
  func.func @transform_3(%arg0: i32) -> (i32, i32, i32) {
    %c0_i32 = arith.constant 0 : i32
    %c0_i32_0 = arith.constant 0 : i32
    %c0_i32_1 = arith.constant 0 : i32
    return %c0_i32, %arg0, %c0_i32_0 : i32, i32, i32
  }
  func.func @transform_4(%arg0: i32) -> (i32, i32) {
    %c0_i32 = arith.constant 0 : i32
    %c0_i32_0 = arith.constant 0 : i32
    return %arg0, %c0_i32 : i32, i32
  }
}

module attributes {stable_mosaic.version = 14 : i64} {
  func.func @_tc_b_body(%arg0: i32, %arg1: memref<2x1024x128xf32, #tpu.memory_space<vmem>>, %arg2: memref<1024x1xf32, #tpu.memory_space<vmem>>, %arg3: memref<1x256xf32, #tpu.memory_space<vmem>>, %arg4: memref<1x256xf32, #tpu.memory_space<vmem>>, %arg5: memref<256x256xf32, #tpu.memory_space<vmem>>, %arg6: memref<256x256xf32, #tpu.memory_space<vmem>>, %arg7: memref<1x256xf32, #tpu.memory_space<vmem>>, %arg8: memref<2x1024x128xf32, #tpu.memory_space<vmem>>, %arg9: memref<1024x256xf32, #tpu.memory_space<vmem>>) attributes {dimension_semantics = [#tpu.dimension_semantics<arbitrary>], iteration_bounds = array<i64: 10>, scalar_prefetch = 0 : i64, scratch_operands = 0 : i64, tpu.core_type = #tpu.core_type<tc>, window_params = [{transform_indices = @transform_0, window_bounds = array<i64: 2, 1024, 128>}, {transform_indices = @transform_1, window_bounds = array<i64: 1024, 1>}, {pipeline_mode = #tpu.pipeline_mode<synchronous>, transform_indices = @transform_2, window_bounds = array<i64: 1, 256>}, {pipeline_mode = #tpu.pipeline_mode<synchronous>, transform_indices = @transform_3, window_bounds = array<i64: 1, 256>}, {pipeline_mode = #tpu.pipeline_mode<synchronous>, transform_indices = @transform_4, window_bounds = array<i64: 256, 256>}, {pipeline_mode = #tpu.pipeline_mode<synchronous>, transform_indices = @transform_5, window_bounds = array<i64: 256, 256>}, {pipeline_mode = #tpu.pipeline_mode<synchronous>, transform_indices = @transform_6, window_bounds = array<i64: 1, 256>}, {transform_indices = @transform_7, window_bounds = array<i64: 2, 1024, 128>}, {transform_indices = @transform_8, window_bounds = array<i64: 1024, 256>}]} {
    %get3A = arith.constant 0 : index
    %get3A_0 = arith.constant 0 : index
    %get3A_1 = vector.load %arg2[%get3A, %get3A_0] : memref<1024x1xf32, #tpu.memory_space<vmem>>, vector<1024x1xf32>
    %get3A_2 = arith.constant 0 : index
    %get3A_3 = arith.constant 0 : index
    %get3A_4 = arith.constant 0 : index
    %get3A_5 = vector.load %arg1[%get3A_2, %get3A_3, %get3A_4] : memref<2x1024x128xf32, #tpu.memory_space<vmem>>, vector<1x1024x128xf32>
    %get3A_6 = vector.shape_cast %get3A_5 : vector<1x1024x128xf32> to vector<1024x128xf32>
    %get3A_7 = arith.constant 1 : index
    %get3A_8 = arith.constant 0 : index
    %get3A_9 = arith.constant 0 : index
    %get3A_10 = vector.load %arg1[%get3A_7, %get3A_8, %get3A_9] : memref<2x1024x128xf32, #tpu.memory_space<vmem>>, vector<1x1024x128xf32>
    %get3A_11 = vector.shape_cast %get3A_10 : vector<1x1024x128xf32> to vector<1024x128xf32>
    %concatenate3A = tpu.concatenate %get3A_6, %get3A_11 in 1 : vector<1024x128xf32>, vector<1024x128xf32> -> vector<1024x256xf32>
    %mul3A = vector.broadcast %get3A_1 : vector<1024x1xf32> to vector<1024x256xf32>
    %mul3A_12 = arith.mulf %concatenate3A, %mul3A : vector<1024x256xf32>
    %get3A_13 = arith.constant 0 : index
    %get3A_14 = arith.constant 0 : index
    %get3A_15 = vector.load %arg3[%get3A_13, %get3A_14] : memref<1x256xf32, #tpu.memory_space<vmem>>, vector<1x256xf32>
    %add3A = vector.broadcast %get3A_15 : vector<1x256xf32> to vector<1024x256xf32>
    %add3A_16 = arith.addf %mul3A_12, %add3A : vector<1024x256xf32>
    %ge3A = arith.constant 0.000000e+00 : f32
    %ge3A_17 = vector.broadcast %ge3A : f32 to vector<1024x256xf32>
    %ge3A_18 = arith.cmpf oge, %add3A_16, %ge3A_17 : vector<1024x256xf32>
    %get3A_19 = arith.constant 0 : index
    %get3A_20 = arith.constant 0 : index
    %get3A_21 = vector.load %arg4[%get3A_19, %get3A_20] : memref<1x256xf32, #tpu.memory_space<vmem>>, vector<1x256xf32>
    %mul3A_22 = vector.broadcast %get3A_21 : vector<1x256xf32> to vector<1024x256xf32>
    %mul3A_23 = arith.mulf %mul3A_22, %add3A_16 : vector<1024x256xf32>
    %select_n3A = arith.select %ge3A_18, %add3A_16, %mul3A_23 : vector<1024x256xi1>, vector<1024x256xf32>
    %get3A_24 = arith.constant 0 : index
    %get3A_25 = arith.constant 0 : index
    %get3A_26 = vector.load %arg5[%get3A_24, %get3A_25] : memref<256x256xf32, #tpu.memory_space<vmem>>, vector<256x256xf32>
    %dot_general3A = arith.constant dense<0.000000e+00> : vector<1024x256xf32>
    %dot_general3A_27 = tpu.matmul %select_n3A, %get3A_26, %dot_general3A {dimension_numbers = #tpu.dot_dimension_numbers<[1], [0], [0], [1], [0, 0, 1, 1], [], []>, transpose_lhs_hint = false} : vector<1024x256xf32>, vector<256x256xf32>, vector<1024x256xf32> -> vector<1024x256xf32>
    %mul3A_28 = vector.broadcast %get3A_1 : vector<1024x1xf32> to vector<1024x256xf32>
    %mul3A_29 = arith.mulf %dot_general3A_27, %mul3A_28 : vector<1024x256xf32>
    %slice3A = vector.extract_strided_slice %mul3A_29 {offsets = [0, 0], sizes = [1024, 128], strides = [1, 1]} : vector<1024x256xf32> to vector<1024x128xf32>
    %swap3A = arith.constant 0 : index
    %swap3A_30 = arith.constant 0 : index
    %swap3A_31 = arith.constant 0 : index
    %swap3A_32 = vector.load %arg8[%swap3A, %swap3A_30, %swap3A_31] : memref<2x1024x128xf32, #tpu.memory_space<vmem>>, vector<1x1024x128xf32>
    %swap3A_33 = vector.shape_cast %swap3A_32 : vector<1x1024x128xf32> to vector<1024x128xf32>
    %swap3A_34 = vector.shape_cast %slice3A : vector<1024x128xf32> to vector<1x1024x128xf32>
    tpu.vector_store %arg8[%swap3A, %swap3A_30, %swap3A_31], %swap3A_34 {strides = array<i32>} : memref<2x1024x128xf32, #tpu.memory_space<vmem>>, vector<1x1024x128xf32>,
    %slice3A_35 = vector.extract_strided_slice %mul3A_29 {offsets = [0, 128], sizes = [1024, 128], strides = [1, 1]} : vector<1024x256xf32> to vector<1024x128xf32>
    %swap3A_36 = arith.constant 1 : index
    %swap3A_37 = arith.constant 0 : index
    %swap3A_38 = arith.constant 0 : index
    %swap3A_39 = vector.load %arg8[%swap3A_36, %swap3A_37, %swap3A_38] : memref<2x1024x128xf32, #tpu.memory_space<vmem>>, vector<1x1024x128xf32>
    %swap3A_40 = vector.shape_cast %swap3A_39 : vector<1x1024x128xf32> to vector<1024x128xf32>
    %swap3A_41 = vector.shape_cast %slice3A_35 : vector<1024x128xf32> to vector<1x1024x128xf32>
    tpu.vector_store %arg8[%swap3A_36, %swap3A_37, %swap3A_38], %swap3A_41 {strides = array<i32>} : memref<2x1024x128xf32, #tpu.memory_space<vmem>>, vector<1x1024x128xf32>,
    %get3A_42 = arith.constant 0 : index
    %get3A_43 = arith.constant 0 : index
    %get3A_44 = vector.load %arg6[%get3A_42, %get3A_43] : memref<256x256xf32, #tpu.memory_space<vmem>>, vector<256x256xf32>
    %dot_general3A_45 = arith.constant dense<0.000000e+00> : vector<1024x256xf32>
    %dot_general3A_46 = tpu.matmul %select_n3A, %get3A_44, %dot_general3A_45 {dimension_numbers = #tpu.dot_dimension_numbers<[1], [0], [0], [1], [0, 0, 1, 1], [], []>, transpose_lhs_hint = false} : vector<1024x256xf32>, vector<256x256xf32>, vector<1024x256xf32> -> vector<1024x256xf32>
    %get3A_47 = arith.constant 0 : index
    %get3A_48 = arith.constant 0 : index
    %get3A_49 = vector.load %arg7[%get3A_47, %get3A_48] : memref<1x256xf32, #tpu.memory_space<vmem>>, vector<1x256xf32>
    %add3A_50 = vector.broadcast %get3A_49 : vector<1x256xf32> to vector<1024x256xf32>
    %add3A_51 = arith.addf %dot_general3A_46, %add3A_50 : vector<1024x256xf32>
    %swap3A_52 = arith.constant 0 : index
    %swap3A_53 = arith.constant 0 : index
    %swap3A_54 = vector.load %arg9[%swap3A_52, %swap3A_53] : memref<1024x256xf32, #tpu.memory_space<vmem>>, vector<1024x256xf32>
    tpu.vector_store %arg9[%swap3A_52, %swap3A_53], %add3A_51 {strides = array<i32>} : memref<1024x256xf32, #tpu.memory_space<vmem>>, vector<1024x256xf32>,
    return
  }
  func.func @transform_0(%arg0: i32) -> (i32, i32, i32) {
    %c0_i32 = arith.constant 0 : i32
    %c0_i32_0 = arith.constant 0 : i32
    %c0_i32_1 = arith.constant 0 : i32
    return %c0_i32, %arg0, %c0_i32_0 : i32, i32, i32
  }
  func.func @transform_1(%arg0: i32) -> (i32, i32) {
    %c0_i32 = arith.constant 0 : i32
    %c0_i32_0 = arith.constant 0 : i32
    return %arg0, %c0_i32 : i32, i32
  }
  func.func @transform_2(%arg0: i32) -> (i32, i32) {
    %c0_i32 = arith.constant 0 : i32
    %c0_i32_0 = arith.constant 0 : i32
    %c0_i32_1 = arith.constant 0 : i32
    return %c0_i32, %c0_i32_0 : i32, i32
  }
  func.func @transform_3(%arg0: i32) -> (i32, i32) {
    %c0_i32 = arith.constant 0 : i32
    %c0_i32_0 = arith.constant 0 : i32
    %c0_i32_1 = arith.constant 0 : i32
    return %c0_i32, %c0_i32_0 : i32, i32
  }
  func.func @transform_4(%arg0: i32) -> (i32, i32) {
    %c0_i32 = arith.constant 0 : i32
    %c0_i32_0 = arith.constant 0 : i32
    %c0_i32_1 = arith.constant 0 : i32
    return %c0_i32, %c0_i32_0 : i32, i32
  }
  func.func @transform_5(%arg0: i32) -> (i32, i32) {
    %c0_i32 = arith.constant 0 : i32
    %c0_i32_0 = arith.constant 0 : i32
    %c0_i32_1 = arith.constant 0 : i32
    return %c0_i32, %c0_i32_0 : i32, i32
  }
  func.func @transform_6(%arg0: i32) -> (i32, i32) {
    %c0_i32 = arith.constant 0 : i32
    %c0_i32_0 = arith.constant 0 : i32
    %c0_i32_1 = arith.constant 0 : i32
    return %c0_i32, %c0_i32_0 : i32, i32
  }
  func.func @transform_7(%arg0: i32) -> (i32, i32, i32) {
    %c0_i32 = arith.constant 0 : i32
    %c0_i32_0 = arith.constant 0 : i32
    %c0_i32_1 = arith.constant 0 : i32
    return %c0_i32, %arg0, %c0_i32_0 : i32, i32, i32
  }
  func.func @transform_8(%arg0: i32) -> (i32, i32) {
    %c0_i32 = arith.constant 0 : i32
    %c0_i32_0 = arith.constant 0 : i32
    return %arg0, %c0_i32 : i32, i32
  }
}

module attributes {stable_mosaic.version = 14 : i64} {
  func.func @_tc_c_body(%arg0: i32, %arg1: memref<2x1024x128xf32, #tpu.memory_space<vmem>>, %arg2: memref<1024x1xf32, #tpu.memory_space<vmem>>, %arg3: memref<1x256xf32, #tpu.memory_space<vmem>>, %arg4: memref<1x256xf32, #tpu.memory_space<vmem>>, %arg5: memref<1024x256xf32, #tpu.memory_space<vmem>>, %arg6: memref<256x40xf32, #tpu.memory_space<vmem>>, %arg7: memref<1x40xf32, #tpu.memory_space<vmem>>, %arg8: memref<1024x40xf32, #tpu.memory_space<vmem>>) attributes {dimension_semantics = [#tpu.dimension_semantics<arbitrary>], iteration_bounds = array<i64: 10>, scalar_prefetch = 0 : i64, scratch_operands = 0 : i64, tpu.core_type = #tpu.core_type<tc>, window_params = [{transform_indices = @transform_0, window_bounds = array<i64: 2, 1024, 128>}, {transform_indices = @transform_1, window_bounds = array<i64: 1024, 1>}, {pipeline_mode = #tpu.pipeline_mode<synchronous>, transform_indices = @transform_2, window_bounds = array<i64: 1, 256>}, {pipeline_mode = #tpu.pipeline_mode<synchronous>, transform_indices = @transform_3, window_bounds = array<i64: 1, 256>}, {transform_indices = @transform_4, window_bounds = array<i64: 1024, 256>}, {pipeline_mode = #tpu.pipeline_mode<synchronous>, transform_indices = @transform_5, window_bounds = array<i64: 256, 40>}, {pipeline_mode = #tpu.pipeline_mode<synchronous>, transform_indices = @transform_6, window_bounds = array<i64: 1, 40>}, {transform_indices = @transform_7, window_bounds = array<i64: 1024, 40>}]} {
    %get3A = arith.constant 0 : index
    %get3A_0 = arith.constant 0 : index
    %get3A_1 = vector.load %arg2[%get3A, %get3A_0] : memref<1024x1xf32, #tpu.memory_space<vmem>>, vector<1024x1xf32>
    %get3A_2 = arith.constant 0 : index
    %get3A_3 = arith.constant 0 : index
    %get3A_4 = arith.constant 0 : index
    %get3A_5 = vector.load %arg1[%get3A_2, %get3A_3, %get3A_4] : memref<2x1024x128xf32, #tpu.memory_space<vmem>>, vector<1x1024x128xf32>
    %get3A_6 = vector.shape_cast %get3A_5 : vector<1x1024x128xf32> to vector<1024x128xf32>
    %get3A_7 = arith.constant 1 : index
    %get3A_8 = arith.constant 0 : index
    %get3A_9 = arith.constant 0 : index
    %get3A_10 = vector.load %arg1[%get3A_7, %get3A_8, %get3A_9] : memref<2x1024x128xf32, #tpu.memory_space<vmem>>, vector<1x1024x128xf32>
    %get3A_11 = vector.shape_cast %get3A_10 : vector<1x1024x128xf32> to vector<1024x128xf32>
    %concatenate3A = tpu.concatenate %get3A_6, %get3A_11 in 1 : vector<1024x128xf32>, vector<1024x128xf32> -> vector<1024x256xf32>
    %mul3A = vector.broadcast %get3A_1 : vector<1024x1xf32> to vector<1024x256xf32>
    %mul3A_12 = arith.mulf %concatenate3A, %mul3A : vector<1024x256xf32>
    %get3A_13 = arith.constant 0 : index
    %get3A_14 = arith.constant 0 : index
    %get3A_15 = vector.load %arg3[%get3A_13, %get3A_14] : memref<1x256xf32, #tpu.memory_space<vmem>>, vector<1x256xf32>
    %add3A = vector.broadcast %get3A_15 : vector<1x256xf32> to vector<1024x256xf32>
    %add3A_16 = arith.addf %mul3A_12, %add3A : vector<1024x256xf32>
    %get3A_17 = arith.constant 0 : index
    %get3A_18 = arith.constant 0 : index
    %get3A_19 = vector.load %arg5[%get3A_17, %get3A_18] : memref<1024x256xf32, #tpu.memory_space<vmem>>, vector<1024x256xf32>
    %add3A_20 = arith.addf %add3A_16, %get3A_19 : vector<1024x256xf32>
    %ge3A = arith.constant 0.000000e+00 : f32
    %ge3A_21 = vector.broadcast %ge3A : f32 to vector<1024x256xf32>
    %ge3A_22 = arith.cmpf oge, %add3A_20, %ge3A_21 : vector<1024x256xf32>
    %get3A_23 = arith.constant 0 : index
    %get3A_24 = arith.constant 0 : index
    %get3A_25 = vector.load %arg4[%get3A_23, %get3A_24] : memref<1x256xf32, #tpu.memory_space<vmem>>, vector<1x256xf32>
    %mul3A_26 = vector.broadcast %get3A_25 : vector<1x256xf32> to vector<1024x256xf32>
    %mul3A_27 = arith.mulf %mul3A_26, %add3A_20 : vector<1024x256xf32>
    %select_n3A = arith.select %ge3A_22, %add3A_20, %mul3A_27 : vector<1024x256xi1>, vector<1024x256xf32>
    %get3A_28 = arith.constant 0 : index
    %get3A_29 = arith.constant 0 : index
    %get3A_30 = vector.load %arg6[%get3A_28, %get3A_29] : memref<256x40xf32, #tpu.memory_space<vmem>>, vector<256x40xf32>
    %dot_general3A = arith.constant dense<0.000000e+00> : vector<1024x40xf32>
    %dot_general3A_31 = tpu.matmul %select_n3A, %get3A_30, %dot_general3A {dimension_numbers = #tpu.dot_dimension_numbers<[1], [0], [0], [1], [0, 0, 1, 1], [], []>, transpose_lhs_hint = false} : vector<1024x256xf32>, vector<256x40xf32>, vector<1024x40xf32> -> vector<1024x40xf32>
    %get3A_32 = arith.constant 0 : index
    %get3A_33 = arith.constant 0 : index
    %get3A_34 = vector.load %arg7[%get3A_32, %get3A_33] : memref<1x40xf32, #tpu.memory_space<vmem>>, vector<1x40xf32>
    %add3A_35 = vector.broadcast %get3A_34 : vector<1x40xf32> to vector<1024x40xf32>
    %add3A_36 = arith.addf %dot_general3A_31, %add3A_35 : vector<1024x40xf32>
    %swap3A = arith.constant 0 : index
    %swap3A_37 = arith.constant 0 : index
    %swap3A_38 = vector.load %arg8[%swap3A, %swap3A_37] : memref<1024x40xf32, #tpu.memory_space<vmem>>, vector<1024x40xf32>
    tpu.vector_store %arg8[%swap3A, %swap3A_37], %add3A_36 {strides = array<i32>} : memref<1024x40xf32, #tpu.memory_space<vmem>>, vector<1024x40xf32>,
    return
  }
  func.func @transform_0(%arg0: i32) -> (i32, i32, i32) {
    %c0_i32 = arith.constant 0 : i32
    %c0_i32_0 = arith.constant 0 : i32
    %c0_i32_1 = arith.constant 0 : i32
    return %c0_i32, %arg0, %c0_i32_0 : i32, i32, i32
  }
  func.func @transform_1(%arg0: i32) -> (i32, i32) {
    %c0_i32 = arith.constant 0 : i32
    %c0_i32_0 = arith.constant 0 : i32
    return %arg0, %c0_i32 : i32, i32
  }
  func.func @transform_2(%arg0: i32) -> (i32, i32) {
    %c0_i32 = arith.constant 0 : i32
    %c0_i32_0 = arith.constant 0 : i32
    %c0_i32_1 = arith.constant 0 : i32
    return %c0_i32, %c0_i32_0 : i32, i32
  }
  func.func @transform_3(%arg0: i32) -> (i32, i32) {
    %c0_i32 = arith.constant 0 : i32
    %c0_i32_0 = arith.constant 0 : i32
    %c0_i32_1 = arith.constant 0 : i32
    return %c0_i32, %c0_i32_0 : i32, i32
  }
  func.func @transform_4(%arg0: i32) -> (i32, i32) {
    %c0_i32 = arith.constant 0 : i32
    %c0_i32_0 = arith.constant 0 : i32
    return %arg0, %c0_i32 : i32, i32
  }
  func.func @transform_5(%arg0: i32) -> (i32, i32) {
    %c0_i32 = arith.constant 0 : i32
    %c0_i32_0 = arith.constant 0 : i32
    %c0_i32_1 = arith.constant 0 : i32
    return %c0_i32, %c0_i32_0 : i32, i32
  }
  func.func @transform_6(%arg0: i32) -> (i32, i32) {
    %c0_i32 = arith.constant 0 : i32
    %c0_i32_0 = arith.constant 0 : i32
    %c0_i32_1 = arith.constant 0 : i32
    return %c0_i32, %c0_i32_0 : i32, i32
  }
  func.func @transform_7(%arg0: i32) -> (i32, i32) {
    %c0_i32 = arith.constant 0 : i32
    %c0_i32_0 = arith.constant 0 : i32
    return %arg0, %c0_i32 : i32, i32
  }
}

</mosaic_0001>

<sc_bundles>
// kernel: kernel.11.cloned.1.call-start
scs
__scs_entry_jumppad:
0x0: {  	(pc) =	sbr.rel $0x88, $3  }
0x1: {  	(tag) =	ssettag $0x0;
	lr =	simm.s32 $0x1  }
0x2: {  	[smem:$0x3F95] =	sst lr;
	_ =	strace $0xD0000000  }
0x3: {  	_ = 	snop  }
0x4: {  	_ = 	snop  }
0x5: {  	_ = 	snop  }
0x6: {  	_ = 	snop  }
0x7: {  	_ = 	snop  }
__scs_overlays_trampoline_lowered:
0x8: {  	[smem:$0x3FA4] =	sst s0  }
0x9: {  	[smem:$0x3FA5] =	sst s1  }
0xa: {  	[smem:$0x3FA6] =	sst s2  }
0xb: {  	[smem:$0x3FA7] =	sst s3  }
0xc: {  	[smem:$0x3FA8] =	sst s4  }
0xd: {  	[smem:$0x3FA9] =	sst s5  }
0xe: {  	[smem:$0x3FAA] =	sst s6  }
0xf: {  	[smem:$0x3FAB] =	sst s7  }
0x10: {  	[smem:$0x3FAC] =	sst s8  }
0x11: {  	[smem:$0x3FAD] =	sst s9;
	s0 =	simm.s32 @!p0 $0x0  }
0x12: {  	s1 =	sld [smem:$0x3F93];
	s0 =	simm.s32 @p0 $0x1  }
0x13: {  	[smem:$0x3FAE] =	sst s0;
	s0 =	simm.s32 @!p1 $0x0  }
0x14: {  	s2 =	sld [smem:$0x3F92];
	s0 =	simm.s32 @p1 $0x1  }
0x15: {  	[smem:$0x3FAF] =	sst s0;
	s0 =	simm.s32 @!p2 $0x0  }
0x16: {  	s3 =	sld [smem:$0x3FDB];
	s0 =	simm.s32 @p2 $0x1  }
0x17: {  	s4 =	simm.s32 $0x1BF5;
	[smem:$0x3FB1] =	sst s0  }
0x18: {  	s0 =	sld [smem:$0x3F94];
	_ =	swait.ge [sflag:s4], $0x0  }
0x19: {  	s7 =	sld [smem:$0x3F95]  }
0x1a: {  	s8 =	sadd.s32 $0xFFFFE003, lr  }
0x1b: {  	s9 =	sadd.s32 $0xFFFFFEF7, lr;
	s5 =	simm.s32 $0xFFFFFFFF;
	p2 =	slt.u32 s8, $0xFFFFF086  }
0x1c: {  	p1 =	slt.u32 s9, $0xF7A;
	s5 =	simm.s32 @!p2 $0x0  }
0x1d: {  	s5 =	simm.s32 @p1 $0x1;
	p0 =	seq.s32 s7, s2  }
0x1e: {  	s7 =	smul.u32 @!p0 $0xF7A, s2;
	p2 =	seq.s32 @!p0 s5, $0x0  }
0x1f: {  	s9 =	smul.u32 $0xF7A, s1;
	s8 =	simm.s32 @!p0 $0x1BF5;
	p2 =	por !p2, p0  }
0x20: {  	[sflag:s8] =	ssyncset.s32 @!p0 $0xFFFFF086;
	s6 =	sadd.s32 @!p0 s3, s7;
	s7 =	simm.s32 @!p0 $0x108  }
0x21: {  	s3 =	sadd.s32 s3, s9;
	s6 =	sadd.s32 @!p0 $0x88, s6;
	s7 =	simm.s32 @p2 $0x1082  }
0x22: {  	[simem:s7], [sflag:s8] =	dma.local @!p0 [hbm:s6], $0xF7A  }
0x23: {  	s9 =	sor.u32 $0xD0000000, s2;
	s6 =	simm.s32 $0x108;
	_ =	swait.ge @!p0 [sflag:s8], $0x0  }
0x24: {  	s3 =	sadd.s32 $0x88, s3;
	s6 =	simm.s32 @!p1 $0x1082;
	[sflag:s4] =	ssyncset.s32 $0xFFFFF086  }
0x25: {  	[simem:s6], [sflag:s4] =	dma.local [hbm:s3], $0xF7A  }
0x26: {  	[smem:$0x3F95] =	sst s1;
	(tag) =	ssettag s2;
	_ =	strace s9  }
0x27: {  	s1 =	sld [smem:$0x3FA5]  }
0x28: {  	s2 =	sld [smem:$0x3FA6]  }
0x29: {  	s4 =	sld [smem:$0x3FA8]  }
0x2a: {  	p0 =	seq.s32 s5, $0x0;
	s5 =	sld [smem:$0x3FA9]  }
0x2b: {  	s6 =	sld [smem:$0x3FAA]  }
0x2c: {  	s7 =	sld [smem:$0x3FAB]  }
0x2d: {  	s3 =	simm.s32 $0x108;
	s8 =	sld [smem:$0x3FAC]  }
0x2e: {  	s3 =	simm.s32 @!p0 $0x1082;
	s9 =	sld [smem:$0x3FAD]  }
0x2f: {  	lr =	sadd.s32 s0, s3;
	s0 =	sld [smem:$0x3FA4]  }
0x30: {  	s3 =	sld [smem:$0x3FA7]  }
0x31: {  	[smem:$0x3FB0] =	sst s10  }
0x32: {  	s10 =	sld [smem:$0x3FAE];
	_ =	sdelay $0x3  }
0x33: {  	p0 =	seq.s32 s10, $0x1;
	s10 =	sld [smem:$0x3FB0];
	_ =	sdelay $0x3  }
0x34: {  	[smem:$0x3FB0] =	sst s10  }
0x35: {  	s10 =	sld [smem:$0x3FAF];
	_ =	sdelay $0x3  }
0x36: {  	p1 =	seq.s32 s10, $0x1;
	s10 =	sld [smem:$0x3FB0];
	_ =	sdelay $0x3  }
0x37: {  	[smem:$0x3FB0] =	sst s10  }
0x38: {  	s10 =	sld [smem:$0x3FB1]  }
0x39: {  	_ = 	snop;
	(pc) =	sbr.ind lr, $3  }
0x3a: {  	_ = 	snop  }
0x3b: {  	_ = 	snop  }
0x3c: {  	p2 =	seq.s32 s10, $0x1;
	s10 =	sld [smem:$0x3FB0]  }
0x3d: {  	_ =	shalt  }
0x3e: {  	_ =	shalt  }
0x3f: {  	_ =	shalt  }
0x40: {  	_ =	shalt  }
0x41: {  	_ =	shalt  }
0x42: {  	_ =	shalt  }
0x43: {  	_ =	shalt  }
0x44: {  	_ =	shalt  }
0x45: {  	_ =	shalt  }
0x46: {  	_ =	shalt  }
0x47: {  	_ =	shalt  }
0x48: {  	_ =	shalt  }
0x49: {  	_ =	shalt  }
0x4a: {  	_ =	shalt  }
0x4b: {  	_ =	shalt  }
0x4c: {  	_ =	shalt  }
0x4d: {  	_ =	shalt  }
0x4e: {  	_ =	shalt  }
0x4f: {  	_ =	shalt  }
0x50: {  	_ =	shalt  }
0x51: {  	_ =	shalt  }
0x52: {  	_ =	shalt  }
0x53: {  	_ =	shalt  }
0x54: {  	_ =	shalt  }
0x55: {  	_ =	shalt  }
0x56: {  	_ =	shalt  }
0x57: {  	_ =	shalt  }
0x58: {  	_ =	shalt  }
0x59: {  	_ =	shalt  }
0x5a: {  	_ =	shalt  }
0x5b: {  	_ =	shalt  }
0x5c: {  	_ =	shalt  }
0x5d: {  	_ =	shalt  }
0x5e: {  	_ =	shalt  }
0x5f: {  	_ =	shalt  }
0x60: {  	_ =	shalt  }
0x61: {  	_ =	shalt  }
0x62: {  	_ =	shalt  }
0x63: {  	_ =	shalt  }
0x64: {  	_ =	shalt  }
0x65: {  	_ =	shalt  }
0x66: {  	_ =	shalt  }
0x67: {  	_ =	shalt  }
0x68: {  	_ =	shalt  }
0x69: {  	_ =	shalt  }
0x6a: {  	_ =	shalt  }
0x6b: {  	_ =	shalt  }
0x6c: {  	_ =	shalt  }
0x6d: {  	_ =	shalt  }
0x6e: {  	_ =	shalt  }
0x6f: {  	_ =	shalt  }
0x70: {  	_ =	shalt  }
0x71: {  	_ =	shalt  }
0x72: {  	_ =	shalt  }
0x73: {  	_ =	shalt  }
0x74: {  	_ =	shalt  }
0x75: {  	_ =	shalt  }
0x76: {  	_ =	shalt  }
0x77: {  	_ =	shalt  }
0x78: {  	_ =	shalt  }
0x79: {  	_ =	shalt  }
0x7a: {  	_ =	shalt  }
0x7b: {  	_ =	shalt  }
0x7c: {  	_ =	shalt  }
0x7d: {  	_ =	shalt  }
0x7e: {  	_ =	shalt  }
0x7f: {  	_ =	shalt  }
0x80: {  	_ =	shalt  }
0x81: {  	_ =	shalt  }
0x82: {  	_ =	shalt  }
0x83: {  	_ =	shalt  }
0x84: {  	_ =	shalt  }
0x85: {  	_ =	shalt  }
0x86: {  	_ =	shalt  }
0x87: {  	_ =	shalt  }
.Lfunc_end0:
.L_simem_size_0:
called_computation.1_lowered:
.L_overlay_start_0:
0x88: {  	s2 =	sld [smem:$0x3FD9]  }
0x89: {  	s3 =	sld [smem:$0x3FFE];
	_ =	sdelay $0x1  }
0x8a: {  	s1 =	srdreg.scid  }
0x8b: {  	s0 =	sand.u32 $0x1, s1  }
0x8c: {  	s17 =	sshll.u32 s0, $0xA;
	s2 =	sadd.s32 s3, s2  }
0x8d: {  	s2 =	sadd.s32 s2, s17  }
0x8e: {  	[smem:$0x3FBC] =	sst s2  }
0x8f: {  	_ = 	snop  }
0x90: {  	s2 =	sld [smem:$0x3FD0];
	(tm) =	ssettm $0x1  }
0x91: {  	s18 =	sld [smem:$0x3FFB];
	_ =	sdelay $0x3  }
0x92: {  	_ =	strace s18  }
0x93: {  	s3 =	sld [smem:$0x3FFC];
	_ =	sdelay $0x3  }
0x94: {  	_ =	strace s3  }
0x95: {  	s3 =	sld [smem:$0x3FFD];
	_ =	sdelay $0x3  }
0x96: {  	_ =	strace s3  }
0x97: {  	_ =	strace $0x8FFFFFFF  }
0x98: {  	s19 =	sld [smem:$0x3FDB];
	_ =	sdelay $0x1  }
0x99: {  	s4 =	simm.s32 $_scs_section_size  }
0x9a: {  	s5 =	simm.s32 $_size__tile_overlayer_lowered;
	s6 =	simm.s32 $_tile_overlayer_lowered  }
0x9b: {  	s22 =	simm.s32 $0x1BFF;
	s21 =	sshll.u32 s6, $0x1;
	s3 =	sadd.s32 s4, s19  }
0x9c: {  	s7 =	simm.s32 $0x0;
	s20 =	sshll.u32 s5, $0x1;
	s5 =	sadd.s32 s21, s3  }
0x9d: {  	[timem:s7], [sflag:s22] =	dma.local [hbm:s5], s20  }
0x9e: {  	_ =	swait.ge [sflag:s22], s20  }
0x9f: {  	s4 =	ssub.s32 $0x0, s20;
	[sflag:s22] =	ssyncset.done $0x0  }
0xa0: {  	[sflag:s22] =	ssyncadd.s32 s4;
	_ =	sdelay $0x1  }
0xa1: {  	s23 =	simm.s32 $0x1B8B  }
0xa2: {  	_ =	swait.ge [sflag:s23], $0x1  }
0xa3: {  	[sflag:s23] =	ssyncset.done $0x0  }
0xa4: {  	s25 =	simm.s32 $0x1B8E;
	s24 =	sld [smem:$0x3FFE];
	[sflag:s23] =	ssyncadd.s32 $0xFFFFFFFF  }
0xa5: {  	s26 =	simm.s32 $execute0_lowered;
	[smem:$0x3FD2] =	sst s25  }
0xa6: {  	s5 =	sshll.u32 s26, $0x1;
	_ =	strace $0x80000049;
	[dreg:$0x1] =	wrdreg $0xFFFFFFFF  }
0xa7: {  	s28 =	simm.s32 $_size_execute0_lowered;
	s3 =	sadd.s32 s3, s5;
	[dreg:$0x0] =	wrdreg $0x0  }
0xa8: {  	s5 =	sshll.u32 s28, $0x1;
	[dreg:$0x2] =	wrdreg s3  }
0xa9: {  	[dreg:$0x3] =	wrdreg s5  }
0xaa: {  	[dreg:$0x4] =	wrdreg $0xC0  }
0xab: {  	_ =	task [dreg:s7], $0x5FFFF  }
0xac: {  	[dreg:$0x1] =	wrdreg $0xFFFFFFFF  }
0xad: {  	[dreg:$0x0] =	wrdreg $0x60  }
0xae: {  	[dreg:$0x2] =	wrdreg s24  }
0xaf: {  	[dreg:$0x3] =	wrdreg s2  }
0xb0: {  	[dreg:$0x4] =	wrdreg $0x8B000  }
0xb1: {  	[dreg:$0x5] =	wrdreg $0x9  }
0xb2: {  	_ =	task.clear_ibuf [dreg:s7], $0x6FFFF;
	_ =	strace $0x90000049  }
0xb3: {  	s29 =	simm.s32 $0x9;
	_ =	strace $0x8000004B  }
0xb4: {  	_ =	swait.ge [sflag:s29], $0x1  }
0xb5: {  	[sflag:s29] =	ssyncadd.s32 $0xFFFFFFFF  }
0xb6: {  	_ =	strace $0x9000004B  }
0xb7: {  	_ =	sfence  }
0xb8: {  	s30 =	sld [smem:$0x0];
	_ =	sdelay $0x2  }
0xb9: {  	s31 =	sshll.u32 s1, $0xD;
	s1 =	sshrl.u32 s1, $0x2  }
0xba: {  	s3 =	sand.u32 $0x4000, s31;
	s1 =	sadd.s32 s1, s30  }
0xbb: {  	s0 =	sor.u32 s3, s0;
	s1 =	sshll.u32 s1, $0x11  }
0xbc: {  	s0 =	sor.u32 s1, s0  }
0xbd: {  	s0 =	sadd.s32 $0x8F2B, s0  }
0xbe: {  	[sflag:s0] =	ssyncadd.remote.s32 $0x1  }
0xbf: {  	_ =	sfence.sel $0xFFFF  }
0xc0: {  	[dreg:$0x0] =	wrdreg $0xFFFFFFFF;
	(pc) =	sbr.abs _section_cstart, $3  }
0xc1: {  	[dreg:$0x1] =	wrdreg $0xFFFFFFFF  }
0xc2: {  	_ =	task.clear_ibuf [dreg:s7], $0x2FFFF;
	_ =	strace $0x9FFFFFFF  }
0xc3: {  	(tm) =	ssettm $0x7FFFFFFF  }
tec
execute0_lowered:
.L_overlay_start_1:
0x0: {  	(tag) =	ssettag $0x1  }
0x1: {  	s0 =	rddreg [dreg:$0x0]  }
0x2: {  	s2 =	rddreg [dreg:$0x1]  }
0x3: {  	s1 =	rddreg [dreg:$0x2]  }
0x4: {  	s3 =	simm.s32 $0x0;
	s4 =	srdreg.scid;
	s12 =	stileid.u32  }
0x5: {  	s25 =	simm.s32 $0x8980;
	s28 =	simm.s32 $0x8A80;
	s7 =	smul.u32 $0x2800, s12  }
0x6: {  	s29 =	simm.s32 $0x10;
	s30 =	simm.s32 $0x8000;
	s9 =	smul.u32 $0x50000, s12  }
0x7: {  	s31 =	simm.s32 $0x5;
	[smem:$0x7FF] =	sst s3;
	s10 =	smul.u32 $0x2710, s12  }
0x8: {  	s5 =	sand.u32 $0x1, s4;
	s4 =	sadd.s32 $0x7200, s0;
	s22 =	smul.u32 $0x4E2, s12  }
0x9: {  	s11 =	sadd.s32 $0x2200, s0;
	s6 =	smul.u32 $0x28000, s5;
	_ =	strace $0x8000004A  }
0xa: {  	s8 =	ssub.s32 $0x2, s5;
	s13 =	smul.u32 $0x2710, s5;
	[dreg:$0x4] =	wrdreg s25  }
0xb: {  	s25 =	simm.s32 $0x4;
	s26 =	sshrl.u32 s8, $0x1;
	s15 =	sshrl.u32 s9, $0x2  }
0xc: {  	s16 =	sshrl.u32 s10, $0x3;
	s6 =	sadd.s32 s7, s6;
	s7 =	ssub.s32 s8, s26  }
0xd: {  	s5 =	sadd.s32 s15, s1;
	s17 =	sadd.s32 s2, s16;
	s18 =	sadd.s32 $0x4E0, s16  }
0xe: {  	s8 =	sadd.s32 s11, s16;
	s16 =	sadd.s32 s22, s11;
	[dreg:$0x6] =	wrdreg s17  }
0xf: {  	s26 =	simm.s32 $0x4000;
	s0 =	sadd.s32 s6, s0;
	[dreg:$0x7] =	wrdreg s8  }
0x10: {  	s19 =	sadd.s32 s2, s18;
	s20 =	sadd.s32 s11, s18;
	[dreg:$0x5] =	wrdreg s26  }
0x11: {  	s21 =	smax.u32 s7, $0x1;
	s23 =	sadd.s32 $0x4000, s5;
	[dreg:$0x8] =	wrdreg s19  }
0x12: {  	s24 =	sadd.s32 $0x8000, s5;
	s14 =	sadd.s32 $0xC000, s5;
	[dreg:$0x9] =	wrdreg s20  }
0x13: {  	s15 =	sadd.s32 $0x10000, s5;
	s17 =	sadd.s32 s22, s2;
	[dreg:$0xb] =	wrdreg s21  }
0x14: {  	s18 =	simm.s32 $0x6;
	s22 =	simm.s32 $0x1;
	[dreg:$0xc] =	wrdreg s23  }
0x15: {  	s26 =	simm.s32 $0x8A00;
	s0 =	sadd.s32 $0x55400, s0;
	[dreg:$0xd] =	wrdreg s24  }
0x16: {  	s20 =	simm.s32 $0x8900;
	s21 =	simm.s32 $0x80;
	s23 =	simm.s32 $0x8880  }
0x17: {  	v1 =	vimm.f32 $0.0e+00;
	v0 =	vmov s13;
	s24 =	simm.s32 $0x2;
	[dreg:$0xa] =	wrdreg s0;
	s0 =	simm.s32 $0x0  }
.LBB2_1:
0x18: {  	s2 =	simm.s32 $0x0;
	s6 =	simm.s32 $0x200  }
.LBB2_2:
0x19: {  	p0 =	sne.s32 s6, $0xFE00;
	[tilespmem:s2+$0x70] =	vst v1  }
0x1a: {  	[tilespmem:s2+$0x0] =	vst v1  }
0x1b: {  	[tilespmem:s2+$0x10] =	vst v1  }
.Ltmp0:
0x1c: {  	[tilespmem:s2+$0x20] =	vst v1;
	(pc) =	sbr.rel @p0 .LBB2_2-.Ltmp0, $4  }
0x1d: {  	[tilespmem:s2+$0x30] =	vst v1  }
0x1e: {  	[tilespmem:s2+$0x40] =	vst v1  }
0x1f: {  	[tilespmem:s2+$0x50] =	vst v1  }
0x20: {  	[tilespmem:s2+$0x60] =	vst v1;
	s2 =	sshra.s32 s6, $0x2;
	s6 =	sadd.s32 $0x200, s6  }
0x21: {  	[tilespmem:s2+$0x70] =	vst v1  }
0x22: {  	[tilespmem:s2+$0x0] =	vst v1  }
0x23: {  	[tilespmem:s2+$0x10] =	vst v1  }
0x24: {  	[tilespmem:s2+$0x20] =	vst v1  }
0x25: {  	[tilespmem:s2+$0x30] =	vst v1  }
0x26: {  	[tilespmem:s2+$0x40] =	vst v1  }
0x27: {  	[tilespmem:s2+$0x50] =	vst v1  }
0x28: {  	[tilespmem:s2+$0x60] =	vst v1;
	s19 =	simm.s32 $0x0  }
0x29: {  	[spmem:s5] =	stream.linear.scatter [tilespmem:s19], [sflag:$0x6], $0x4000, $0x38;
	[tilespmem:$0x1CB00] =	vst v63  }
0x2a: {  	_ =	swait.ge [sflag:s18], $0x4000  }
0x2b: {  	[sflag:s18] =	ssyncset.done $0x0  }
0x2c: {  	s6 =	rddreg [dreg:$0xc];
	[sflag:s18] =	ssyncadd.s32 $0xFFFFC000  }
0x2d: {  	[spmem:s6] =	stream.linear.scatter [tilespmem:s19], [sflag:$0x6], $0x4000, $0x38;
	[tilespmem:$0x1CB00] =	vst v63  }
0x2e: {  	_ =	swait.ge [sflag:s18], $0x4000  }
0x2f: {  	[sflag:s18] =	ssyncset.done $0x0  }
0x30: {  	s8 =	rddreg [dreg:$0xd];
	[sflag:s18] =	ssyncadd.s32 $0xFFFFC000  }
0x31: {  	[spmem:s8] =	stream.linear.scatter [tilespmem:s19], [sflag:$0x6], $0x4000, $0x38;
	[tilespmem:$0x1CB00] =	vst v63  }
0x32: {  	_ =	swait.ge [sflag:s18], $0x4000  }
0x33: {  	[sflag:s18] =	ssyncset.done $0x0  }
0x34: {  	[sflag:s18] =	ssyncadd.s32 $0xFFFFC000  }
0x35: {  	[spmem:s14] =	stream.linear.scatter [tilespmem:s19], [sflag:$0x6], $0x4000, $0x38;
	[tilespmem:$0x1CB00] =	vst v63  }
0x36: {  	_ =	swait.ge [sflag:s18], $0x4000  }
0x37: {  	[sflag:s18] =	ssyncset.done $0x0  }
0x38: {  	[sflag:s18] =	ssyncadd.s32 $0xFFFFC000  }
0x39: {  	[spmem:s15] =	stream.linear.scatter [tilespmem:s19], [sflag:$0x6], $0x4000, $0x38;
	[tilespmem:$0x1CB00] =	vst v63  }
0x3a: {  	_ =	swait.ge [sflag:s18], $0x4000  }
0x3b: {  	[sflag:s18] =	ssyncset.done $0x0  }
0x3c: {  	[sflag:s18] =	ssyncadd.s32 $0xFFFFC000  }
0x3d: {  	[bflag:$0x0] =	sbarrier.arrive $0xFFFF  }
0x3e: {  	s7 =	simm.s32 $0x8800;
	s9 =	rddreg [dreg:$0x6]  }
0x3f: {  	[tilespmem:s7], [sflag:$0x6] =	stream.linear.gather [hbm4b:s9+s19], $0x80, $0x38;
	[tilespmem:$0x1CB00] =	vst v63  }
0x40: {  	_ =	swait.ge [sflag:s18], $0x80  }
0x41: {  	[sflag:s18] =	ssyncset.done $0x0  }
0x42: {  	[sflag:s18] =	ssyncadd.s32 $0xFFFFFF80  }
0x43: {  	v2 =	vld [tilespmem:$0x8800]  }
0x44: {  	v3 =	vld [tilespmem:$0x8810]  }
0x45: {  	v4 =	vld [tilespmem:$0x8820]  }
0x46: {  	v5 =	vld [tilespmem:$0x8830]  }
0x47: {  	v6 =	vld [tilespmem:$0x8840]  }
0x48: {  	v7 =	vld [tilespmem:$0x8850];
	v2 =	vadd.s32 v0, v2  }
0x49: {  	[tilespmem:$0x8800] =	vst v2;
	v2 =	vadd.s32 v0, v3;
	v3 =	vld [tilespmem:$0x8860]  }
0x4a: {  	v57 =	vld [tilespmem:$0x8870];
	[tilespmem:$0x8810] =	vst v2;
	v2 =	vadd.s32 v0, v4  }
0x4b: {  	[tilespmem:$0x8820] =	vst v2;
	v2 =	vadd.s32 v0, v5  }
0x4c: {  	[tilespmem:$0x8830] =	vst v2;
	v2 =	vadd.s32 v0, v6  }
0x4d: {  	[tilespmem:$0x8840] =	vst v2;
	v2 =	vadd.s32 v0, v7  }
0x4e: {  	[tilespmem:$0x8850] =	vst v2;
	v2 =	vadd.s32 v0, v3  }
0x4f: {  	[tilespmem:$0x8860] =	vst v2;
	v2 =	vadd.s32 v0, v57  }
0x50: {  	s10 =	rddreg [dreg:$0x7];
	[tilespmem:$0x8870] =	vst v2  }
0x51: {  	[tilespmem:s20], [sflag:$0x6] =	stream.linear.gather [hbm4b:s10+s19], $0x80, $0x38;
	[tilespmem:$0x1CB00] =	vst v63  }
0x52: {  	_ =	swait.ge [sflag:s18], $0x80  }
0x53: {  	[sflag:s18] =	ssyncset.done $0x0  }
0x54: {  	[sflag:s18] =	ssyncadd.s32 $0xFFFFFF80  }
0x55: {  	[tilespmem:s19], [sflag:$0x1] =	stream.indirect.gather [hbm4b:s4+s21], $0x80, s7, s21, $0xb8;
	[tilespmem:$0x1CB00] =	vst v63  }
0x56: {  	_ =	swait.ge [sflag:s22], $0x4000  }
0x57: {  	s11 =	sadd.s32 $0x0, s17;
	[sflag:s22] =	ssyncset.done $0x0  }
0x58: {  	s2 =	sadd.s32 $0x10, s11;
	[sflag:s22] =	ssyncadd.s32 $0xFFFFC000  }
0x59: {  	[tilespmem:s23], [sflag:$0x6] =	stream.linear.gather [hbm4b:s2+s3], $0x80, $0x38;
	[tilespmem:$0x1CB00] =	vst v63  }
0x5a: {  	_ =	swait.ge [sflag:s18], $0x80  }
0x5b: {  	[sflag:s18] =	ssyncset.done $0x0  }
0x5c: {  	[sflag:s18] =	ssyncadd.s32 $0xFFFFFF80  }
0x5d: {  	v2 =	vld [tilespmem:$0x88B0]  }
0x5e: {  	v3 =	vld [tilespmem:$0x88A0]  }
0x5f: {  	v59 =	vld [tilespmem:$0x88E0]  }
0x60: {  	v61 =	vld [tilespmem:$0x8880]  }
0x61: {  	v58 =	vld [tilespmem:$0x88F0]  }
0x62: {  	v60 =	vld [tilespmem:$0x88D0];
	v2 =	vadd.s32 v0, v2  }
0x63: {  	v8 =	vld [tilespmem:$0x8890];
	v3 =	vadd.s32 v0, v3;
	[tilespmem:$0x88B0] =	vst v2  }
0x64: {  	v62 =	vadd.s32 v0, v59;
	[tilespmem:$0x88A0] =	vst v3;
	v2 =	vld [tilespmem:$0x88C0]  }
0x65: {  	v63 =	vadd.s32 v0, v61;
	[tilespmem:$0x88E0] =	vst v62  }
0x66: {  	v3 =	vadd.s32 v0, v58;
	[tilespmem:$0x8880] =	vst v63  }
0x67: {  	[tilespmem:$0x88F0] =	vst v3;
	v3 =	vadd.s32 v0, v60  }
0x68: {  	[tilespmem:$0x88D0] =	vst v3;
	v3 =	vadd.s32 v0, v8  }
0x69: {  	p0 =	por $0x1, $0x1;
	[tilespmem:$0x8890] =	vst v3;
	v2 =	vadd.s32 v0, v2  }
0x6a: {  	s2 =	simm.s32 @!p0 $0x4;
	[tilespmem:$0x88C0] =	vst v2  }
0x6b: {  	_ =	swait.ge @!p0 [sflag:s2], $0x4000  }
0x6c: {  	[sflag:s2] =	ssyncset.done @!p0 $0x0  }
0x6d: {  	s12 =	sadd.s32 $0x0, s16;
	[sflag:s2] =	ssyncadd.s32 @!p0 $0xFFFFC000  }
0x6e: {  	[spmem:s1] =	stream.indirect.scatter.add.f32 [tilespmem:s3], [sflag:$0x3], $0x80, s20, s21, $0xb8;
	[tilespmem:$0x1CB00] =	vst v63  }
0x6f: {  	s13 =	rddreg [dreg:$0x4];
	s2 =	sadd.s32 $0x10, s12  }
0x70: {  	[tilespmem:s13], [sflag:$0x6] =	stream.linear.gather [hbm4b:s2+s3], $0x80, $0x38;
	[tilespmem:$0x1CB00] =	vst v63  }
0x71: {  	_ =	swait.ge [sflag:s18], $0x80  }
0x72: {  	[sflag:s18] =	ssyncset.done $0x0  }
0x73: {  	s19 =	rddreg [dreg:$0x5];
	[sflag:s18] =	ssyncadd.s32 $0xFFFFFF80  }
0x74: {  	[tilespmem:s19], [sflag:$0x2] =	stream.indirect.gather [hbm4b:s4+s21], $0x80, s23, s21, $0xb8;
	[tilespmem:$0x1CB00] =	vst v63  }
0x75: {  	p1 =	por $0x0, $0x0;
	_ =	swait.ge [sflag:s24], $0x4000  }
0x76: {  	s11 =	simm.s32 @p1 $0x4000;
	s6 =	simm.s32 $0x1;
	[sflag:s24] =	ssyncset.done $0x0  }
0x77: {  	s8 =	sadd.s32 @!p1 $0x0, s16;
	s10 =	simm.s32 @p1 $0x3;
	[sflag:s24] =	ssyncadd.s32 $0xFFFFC000  }
0x78: {  	s9 =	simm.s32 @p1 $0x8980;
	s7 =	sadd.s32 @!p1 $0x0, s17;
	_ =	swait.ge @p1 [sflag:s10], $0x4000  }
0x79: {  	s2 =	simm.s32 $0x20;
	s19 =	sadd.s32 @!p1 $0x20, s7;
	[sflag:s10] =	ssyncset.done @p1 $0x0  }
.LBB2_4:
0x7a: {  	[sflag:s10] =	ssyncadd.s32 @p1 $0xFFFFC000;
	s10 =	simm.s32 @p1 $0x80  }
0x7b: {  	[spmem:s1] =	stream.indirect.scatter.add.f32 @p1 [tilespmem:s11], [sflag:$0x4], $0x80, s9, s10, $0xb8;
	[tilespmem:$0x1CB00] =	vst v63  }
0x7c: {  	s9 =	simm.s32 @!p1 $0x0;
	s10 =	simm.s32 @!p1 $0x8800;
	s11 =	simm.s32 @!p1 $0x6  }
0x7d: {  	[tilespmem:s10], [sflag:$0x6] =	stream.linear.gather @!p1 [hbm4b:s19+s9], $0x80, $0x38;
	[tilespmem:$0x1CB00] =	vst v63  }
0x7e: {  	_ =	swait.ge @!p1 [sflag:s11], $0x80  }
0x7f: {  	[sflag:s11] =	ssyncset.done @!p1 $0x0  }
0x80: {  	[sflag:s11] =	ssyncadd.s32 @!p1 $0xFFFFFF80  }
0x81: {  	v2 =	vld @!p1 [tilespmem:$0x8850]  }
0x82: {  	v3 =	vld @!p1 [tilespmem:$0x8800]  }
0x83: {  	v4 =	vld @!p1 [tilespmem:$0x8810]  }
0x84: {  	v5 =	vld @!p1 [tilespmem:$0x8820]  }
0x85: {  	v6 =	vld @!p1 [tilespmem:$0x8830]  }
0x86: {  	v7 =	vld @!p1 [tilespmem:$0x8840];
	v2 =	vadd.s32 @!p1 v0, v2  }
0x87: {  	v3 =	vadd.s32 @!p1 v0, v3;
	[tilespmem:$0x8850] =	vst @!p1 v2;
	v2 =	vld @!p1 [tilespmem:$0x8870]  }
0x88: {  	[tilespmem:$0x8800] =	vst @!p1 v3;
	v3 =	vadd.s32 @!p1 v0, v4;
	v4 =	vld @!p1 [tilespmem:$0x8860]  }
0x89: {  	[tilespmem:$0x8810] =	vst @!p1 v3;
	v3 =	vadd.s32 @!p1 v0, v5  }
0x8a: {  	[tilespmem:$0x8820] =	vst @!p1 v3;
	v3 =	vadd.s32 @!p1 v0, v6  }
0x8b: {  	[tilespmem:$0x8830] =	vst @!p1 v3;
	v3 =	vadd.s32 @!p1 v0, v7  }
0x8c: {  	[tilespmem:$0x8840] =	vst @!p1 v3;
	v2 =	vadd.s32 @!p1 v0, v2  }
0x8d: {  	[tilespmem:$0x8870] =	vst @!p1 v2;
	v2 =	vadd.s32 @!p1 v0, v4  }
0x8e: {  	s19 =	simm.s32 @!p1 $0x3;
	[tilespmem:$0x8860] =	vst @!p1 v2  }
0x8f: {  	_ =	swait.ge @!p1 [sflag:s19], $0x4000  }
0x90: {  	s12 =	simm.s32 @!p1 $0x4000;
	[sflag:s19] =	ssyncset.done @!p1 $0x0  }
0x91: {  	s13 =	simm.s32 @!p1 $0x8980;
	[sflag:s19] =	ssyncadd.s32 @!p1 $0xFFFFC000;
	s19 =	simm.s32 @!p1 $0x80  }
0x92: {  	[spmem:s1] =	stream.indirect.scatter.add.f32 @!p1 [tilespmem:s12], [sflag:$0x4], $0x80, s13, s19, $0xb8;
	[tilespmem:$0x1CB00] =	vst v63  }
0x93: {  	s8 =	sadd.s32 @!p1 $0x20, s8;
	s12 =	simm.s32 @!p1 $0x8900  }
0x94: {  	[tilespmem:s12], [sflag:$0x6] =	stream.linear.gather @!p1 [hbm4b:s8+s9], $0x80, $0x38;
	[tilespmem:$0x1CB00] =	vst v63  }
0x95: {  	_ =	swait.ge @!p1 [sflag:s11], $0x80  }
0x96: {  	[sflag:s11] =	ssyncset.done @!p1 $0x0  }
0x97: {  	[sflag:s11] =	ssyncadd.s32 @!p1 $0xFFFFFF80  }
0x98: {  	[tilespmem:s9], [sflag:$0x1] =	stream.indirect.gather @!p1 [hbm4b:s4+s19], $0x80, s10, s19, $0xb8;
	[tilespmem:$0x1CB00] =	vst v63  }
0x99: {  	s7 =	smov.u32 s2;
	_ =	swait.ge [sflag:s22], $0x4000  }
0x9a: {  	s11 =	sadd.s32 s7, s17;
	[sflag:s22] =	ssyncset.done $0x0  }
0x9b: {  	s8 =	sadd.s32 $0x10, s11;
	[sflag:s22] =	ssyncadd.s32 $0xFFFFC000  }
0x9c: {  	[tilespmem:s23], [sflag:$0x6] =	stream.linear.gather [hbm4b:s8+s3], $0x80, $0x38;
	[tilespmem:$0x1CB00] =	vst v63  }
0x9d: {  	_ =	swait.ge [sflag:s18], $0x80  }
0x9e: {  	[sflag:s18] =	ssyncset.done $0x0  }
0x9f: {  	[sflag:s18] =	ssyncadd.s32 $0xFFFFFF80  }
0xa0: {  	v2 =	vld [tilespmem:$0x88B0]  }
0xa1: {  	v3 =	vld [tilespmem:$0x88A0]  }
0xa2: {  	v59 =	vld [tilespmem:$0x88E0]  }
0xa3: {  	v61 =	vld [tilespmem:$0x8880]  }
0xa4: {  	v58 =	vld [tilespmem:$0x88F0]  }
0xa5: {  	v60 =	vld [tilespmem:$0x88D0];
	v2 =	vadd.s32 v0, v2  }
0xa6: {  	v8 =	vld [tilespmem:$0x8890];
	v3 =	vadd.s32 v0, v3;
	[tilespmem:$0x88B0] =	vst v2  }
0xa7: {  	v62 =	vadd.s32 v0, v59;
	[tilespmem:$0x88A0] =	vst v3;
	v2 =	vld [tilespmem:$0x88C0]  }
0xa8: {  	v63 =	vadd.s32 v0, v61;
	[tilespmem:$0x88E0] =	vst v62  }
0xa9: {  	v3 =	vadd.s32 v0, v58;
	[tilespmem:$0x8880] =	vst v63  }
0xaa: {  	[tilespmem:$0x88F0] =	vst v3;
	v3 =	vadd.s32 v0, v60  }
0xab: {  	[tilespmem:$0x88D0] =	vst v3;
	v3 =	vadd.s32 v0, v8  }
0xac: {  	p1 =	seq.s32 s7, $0x0;
	[tilespmem:$0x8890] =	vst v3;
	v2 =	vadd.s32 v0, v2  }
0xad: {  	s8 =	simm.s32 @!p1 $0x4;
	[tilespmem:$0x88C0] =	vst v2  }
0xae: {  	_ =	swait.ge @!p1 [sflag:s8], $0x4000  }
0xaf: {  	[sflag:s8] =	ssyncset.done @!p1 $0x0  }
0xb0: {  	s12 =	sadd.s32 s7, s16;
	[sflag:s8] =	ssyncadd.s32 @!p1 $0xFFFFC000  }
0xb1: {  	[spmem:s1] =	stream.indirect.scatter.add.f32 [tilespmem:s3], [sflag:$0x3], $0x80, s20, s21, $0xb8;
	[tilespmem:$0x1CB00] =	vst v63  }
0xb2: {  	s13 =	rddreg [dreg:$0x4];
	s8 =	sadd.s32 $0x10, s12  }
0xb3: {  	[tilespmem:s13], [sflag:$0x6] =	stream.linear.gather [hbm4b:s8+s3], $0x80, $0x38;
	[tilespmem:$0x1CB00] =	vst v63  }
0xb4: {  	_ =	swait.ge [sflag:s18], $0x80  }
0xb5: {  	s2 =	sadd.s32 $0x20, s2;
	[sflag:s18] =	ssyncset.done $0x0  }
0xb6: {  	p0 =	sne.s32 s2, $0x4E0;
	s19 =	rddreg [dreg:$0x5];
	[sflag:s18] =	ssyncadd.s32 $0xFFFFFF80  }
0xb7: {  	[tilespmem:s19], [sflag:$0x2] =	stream.indirect.gather [hbm4b:s4+s21], $0x80, s23, s21, $0xb8;
	[tilespmem:$0x1CB00] =	vst v63  }
.Ltmp1:
0xb8: {  	_ =	swait.ge [sflag:s24], $0x4000;
	(pc) =	sbr.rel @p0 .LBB2_4-.Ltmp1, $4  }
0xb9: {  	p1 =	sgt.u32 s6, $0x25;
	s6 =	sadd.s32 $0x1, s6;
	[sflag:s24] =	ssyncset.done $0x0  }
0xba: {  	s10 =	simm.s32 @p1 $0x3;
	s9 =	simm.s32 @p1 $0x8980;
	[sflag:s24] =	ssyncadd.s32 $0xFFFFC000  }
0xbb: {  	s11 =	simm.s32 @p1 $0x4000;
	s8 =	sadd.s32 @!p1 s7, s17;
	_ =	swait.ge @p1 [sflag:s10], $0x4000  }
0xbc: {  	s19 =	sadd.s32 @!p1 $0x20, s8;
	s8 =	sadd.s32 @!p1 s7, s16;
	[sflag:s10] =	ssyncset.done @p1 $0x0  }
0xbd: {  	[sflag:s10] =	ssyncadd.s32 @p1 $0xFFFFC000;
	s2 =	simm.s32 @p1 $0x80  }
0xbe: {  	[spmem:s1] =	stream.indirect.scatter.add.f32 @p1 [tilespmem:s11], [sflag:$0x4], $0x80, s9, s2, $0xb8;
	[tilespmem:$0x1CB00] =	vst v63  }
0xbf: {  	s6 =	simm.s32 @!p1 $0x8800;
	s7 =	simm.s32 @!p1 $0x6;
	s2 =	simm.s32 @!p1 $0x0  }
0xc0: {  	[tilespmem:s6], [sflag:$0x6] =	stream.linear.gather @!p1 [hbm4b:s19+s2], $0x80, $0x38;
	[tilespmem:$0x1CB00] =	vst v63  }
0xc1: {  	_ =	swait.ge @!p1 [sflag:s7], $0x80  }
0xc2: {  	[sflag:s7] =	ssyncset.done @!p1 $0x0  }
0xc3: {  	[sflag:s7] =	ssyncadd.s32 @!p1 $0xFFFFFF80  }
0xc4: {  	v2 =	vld @!p1 [tilespmem:$0x8850]  }
0xc5: {  	v3 =	vld @!p1 [tilespmem:$0x8800]  }
0xc6: {  	v4 =	vld @!p1 [tilespmem:$0x8810]  }
0xc7: {  	v5 =	vld @!p1 [tilespmem:$0x8820]  }
0xc8: {  	v6 =	vld @!p1 [tilespmem:$0x8830]  }
0xc9: {  	v7 =	vld @!p1 [tilespmem:$0x8840];
	v2 =	vadd.s32 @!p1 v0, v2  }
0xca: {  	v3 =	vadd.s32 @!p1 v0, v3;
	[tilespmem:$0x8850] =	vst @!p1 v2;
	v2 =	vld @!p1 [tilespmem:$0x8870]  }
0xcb: {  	[tilespmem:$0x8800] =	vst @!p1 v3;
	v3 =	vadd.s32 @!p1 v0, v4;
	v4 =	vld @!p1 [tilespmem:$0x8860]  }
0xcc: {  	[tilespmem:$0x8810] =	vst @!p1 v3;
	v3 =	vadd.s32 @!p1 v0, v5  }
0xcd: {  	[tilespmem:$0x8820] =	vst @!p1 v3;
	v3 =	vadd.s32 @!p1 v0, v6  }
0xce: {  	[tilespmem:$0x8830] =	vst @!p1 v3;
	v3 =	vadd.s32 @!p1 v0, v7  }
0xcf: {  	[tilespmem:$0x8840] =	vst @!p1 v3;
	v2 =	vadd.s32 @!p1 v0, v2  }
0xd0: {  	[tilespmem:$0x8870] =	vst @!p1 v2;
	v2 =	vadd.s32 @!p1 v0, v4  }
0xd1: {  	s9 =	simm.s32 @!p1 $0x3;
	[tilespmem:$0x8860] =	vst @!p1 v2  }
0xd2: {  	_ =	swait.ge @!p1 [sflag:s9], $0x4000  }
0xd3: {  	s10 =	simm.s32 @!p1 $0x4000;
	[sflag:s9] =	ssyncset.done @!p1 $0x0  }
0xd4: {  	s11 =	simm.s32 @!p1 $0x8980;
	[sflag:s9] =	ssyncadd.s32 @!p1 $0xFFFFC000;
	s9 =	simm.s32 @!p1 $0x80  }
0xd5: {  	[spmem:s1] =	stream.indirect.scatter.add.f32 @!p1 [tilespmem:s10], [sflag:$0x4], $0x80, s11, s9, $0xb8;
	[tilespmem:$0x1CB00] =	vst v63  }
0xd6: {  	s8 =	sadd.s32 @!p1 $0x20, s8;
	s10 =	simm.s32 @!p1 $0x8900  }
0xd7: {  	[tilespmem:s10], [sflag:$0x6] =	stream.linear.gather @!p1 [hbm4b:s8+s2], $0x80, $0x38;
	[tilespmem:$0x1CB00] =	vst v63  }
0xd8: {  	_ =	swait.ge @!p1 [sflag:s7], $0x80  }
0xd9: {  	[sflag:s7] =	ssyncset.done @!p1 $0x0  }
0xda: {  	[sflag:s7] =	ssyncadd.s32 @!p1 $0xFFFFFF80  }
0xdb: {  	[tilespmem:s2], [sflag:$0x1] =	stream.indirect.gather @!p1 [hbm4b:s4+s9], $0x80, s6, s9, $0xb8;
	[tilespmem:$0x1CB00] =	vst v63  }
0xdc: {  	_ =	swait.ge [sflag:s25], $0x4000  }
0xdd: {  	[sflag:s25] =	ssyncset.done $0x0  }
0xde: {  	s9 =	rddreg [dreg:$0x8];
	[sflag:s25] =	ssyncadd.s32 $0xFFFFC000  }
0xdf: {  	[tilespmem:s26], [sflag:$0x6] =	stream.linear.gather [hbm4b:s9+s3], $0x10, $0x38;
	[tilespmem:$0x1CB00] =	vst v63  }
0xe0: {  	_ =	swait.ge [sflag:s18], $0x10  }
0xe1: {  	[sflag:s18] =	ssyncset.done $0x0  }
0xe2: {  	s10 =	rddreg [dreg:$0x9];
	[sflag:s18] =	ssyncadd.s32 $0xFFFFFFF0  }
0xe3: {  	[tilespmem:s28], [sflag:$0x6] =	stream.linear.gather [hbm4b:s10+s3], $0x10, $0x38;
	[tilespmem:$0x1CB00] =	vst v63  }
0xe4: {  	_ =	swait.ge [sflag:s18], $0x10  }
0xe5: {  	[sflag:s18] =	ssyncset.done $0x0  }
0xe6: {  	[sflag:s18] =	ssyncadd.s32 $0xFFFFFFF0  }
0xe7: {  	v2 =	vld [tilespmem:$0x8A00];
	_ =	sdelay $0x4  }
0xe8: {  	v2 =	vadd.s32 v0, v2  }
0xe9: {  	[tilespmem:$0x8A00] =	vst v2  }
0xea: {  	[tilespmem:s30], [sflag:$0x5] =	stream.indirect.gather [hbm4b:s4+s29], $0x80, s26, s29, $0xb8;
	[tilespmem:$0x1CB00] =	vst v63  }
0xeb: {  	_ =	swait.ge [sflag:s31], $0x800  }
0xec: {  	[sflag:s31] =	ssyncset.done $0x0  }
0xed: {  	[sflag:s31] =	ssyncadd.s32 $0xFFFFF800  }
0xee: {  	[spmem:s1] =	stream.indirect.scatter.add.f32 [tilespmem:s30], [sflag:$0x6], $0x80, s28, s29, $0xb8;
	[tilespmem:$0x1CB00] =	vst v63  }
0xef: {  	_ =	swait.ge [sflag:s18], $0x800  }
0xf0: {  	[sflag:s18] =	ssyncset.done $0x0  }
0xf1: {  	s11 =	stileid.u32;
	[sflag:s18] =	ssyncadd.s32 $0xFFFFF800  }
0xf2: {  	s2 =	sshll.u32 s11, $0x6;
	[bflag:$0x0] =	sbarrier.arrive $0xFFFF  }
0xf3: {  	s12 =	sshrl.u32 s5, $0x3;
	s2 =	sor.u32 $0x1C06, s2;
	s13 =	rddreg [dreg:$0xa]  }
0xf4: {  	[hbm:s13], [sflag:s2] =	dma.local [spmem:s12], $0x2800  }
0xf5: {  	_ =	swait.ge [sflag:s18], $0x2800  }
0xf6: {  	s0 =	sadd.s32 $0x1, s0;
	s19 =	rddreg [dreg:$0xb]  }
0xf7: {  	p0 =	sne.s32 s0, s19  }
.Ltmp2:
0xf8: {  	_ = 	snop;
	(pc) =	sbr.rel @p0 .LBB2_1-.Ltmp2, $3  }
0xf9: {  	_ =	sdelay $0x1  }
0xfa: {  	[sflag:s18] =	ssyncset.done $0x0  }
0xfb: {  	[sflag:s18] =	ssyncadd.s32 $0xFFFFD800  }
0xfc: {  	_ =	sfence.sel $0x180000  }
0xfd: {  	[bflag:$0x0] =	sbarrier.arrive $0xFFFF  }
0xfe: {  	_ =	strace $0x9000004A  }
0xff: {  	s0 =	stileid.u32;
	[bflag:$0x2] =	sbarrier.arrive $0xFFFF  }
0x100: {  	p0 =	sne.s32 s0, $0x0;
	s0 =	rddreg [dreg:$0x3]  }
0x101: {  	s0 =	sadd.s32 @!p0 $0x100000, s0  }
0x102: {  	[sflag:s0] =	ssyncadd.tile.s32 @!p0 $0x1;
	_ =	shalt  }
.Lfunc_end2:
_tile_overlayer_lowered:
.L_overlay_start_2:
0x103: {  	(tag) =	ssettag $0x2  }
0x104: {  	s0 =	rddreg [dreg:$0x0];
	s2 =	stileid.u32  }
0x105: {  	s1 =	rddreg [dreg:$0x1];
	p0 =	sne.s32 s2, $0x0  }
0x106: {  	s3 =	rddreg [dreg:$0x2];
	[bflag:$0x3] =	sbarrier.arrive $0xFFFF;
	s2 =	simm.s32 @!p0 $0x1C06  }
0x107: {  	[timem:s3], [sflag:s2] =	dma.local @!p0 [hbm:s0], s1  }
0x108: {  	s0 =	simm.s32 @!p0 $0x6  }
0x109: {  	_ =	swait.ge @!p0 [sflag:s0], s1  }
0x10a: {  	s1 =	ssub.s32 @!p0 $0x0, s1;
	[sflag:s0] =	ssyncset.done @!p0 $0x0  }
0x10b: {  	[sflag:s0] =	ssyncadd.s32 @!p0 s1  }
0x10c: {  	[bflag:$0x3] =	sbarrier.arrive $0xFFFF  }
0x10d: {  	_ =	shalt  }

// kernel: kernel.14.cloned.1.call-start
scs
__scs_entry_jumppad:
0x0: {  	(pc) =	sbr.rel $0x88, $3  }
0x1: {  	(tag) =	ssettag $0x0;
	lr =	simm.s32 $0x1  }
0x2: {  	[smem:$0x3F95] =	sst lr;
	_ =	strace $0xD0000000  }
0x3: {  	_ = 	snop  }
0x4: {  	_ = 	snop  }
0x5: {  	_ = 	snop  }
0x6: {  	_ = 	snop  }
0x7: {  	_ = 	snop  }
__scs_overlays_trampoline_lowered:
0x8: {  	[smem:$0x3FA4] =	sst s0  }
0x9: {  	[smem:$0x3FA5] =	sst s1  }
0xa: {  	[smem:$0x3FA6] =	sst s2  }
0xb: {  	[smem:$0x3FA7] =	sst s3  }
0xc: {  	[smem:$0x3FA8] =	sst s4  }
0xd: {  	[smem:$0x3FA9] =	sst s5  }
0xe: {  	[smem:$0x3FAA] =	sst s6  }
0xf: {  	[smem:$0x3FAB] =	sst s7  }
0x10: {  	[smem:$0x3FAC] =	sst s8  }
0x11: {  	[smem:$0x3FAD] =	sst s9;
	s0 =	simm.s32 @!p0 $0x0  }
0x12: {  	s1 =	sld [smem:$0x3F93];
	s0 =	simm.s32 @p0 $0x1  }
0x13: {  	[smem:$0x3FAE] =	sst s0;
	s0 =	simm.s32 @!p1 $0x0  }
0x14: {  	s2 =	sld [smem:$0x3F92];
	s0 =	simm.s32 @p1 $0x1  }
0x15: {  	[smem:$0x3FAF] =	sst s0;
	s0 =	simm.s32 @!p2 $0x0  }
0x16: {  	s3 =	sld [smem:$0x3FDB];
	s0 =	simm.s32 @p2 $0x1  }
0x17: {  	s4 =	simm.s32 $0x1BF5;
	[smem:$0x3FB1] =	sst s0  }
0x18: {  	s0 =	sld [smem:$0x3F94];
	_ =	swait.ge [sflag:s4], $0x0  }
0x19: {  	s7 =	sld [smem:$0x3F95]  }
0x1a: {  	s8 =	sadd.s32 $0xFFFFE003, lr  }
0x1b: {  	s9 =	sadd.s32 $0xFFFFFEF7, lr;
	s5 =	simm.s32 $0xFFFFFFFF;
	p2 =	slt.u32 s8, $0xFFFFF086  }
0x1c: {  	p1 =	slt.u32 s9, $0xF7A;
	s5 =	simm.s32 @!p2 $0x0  }
0x1d: {  	s5 =	simm.s32 @p1 $0x1;
	p0 =	seq.s32 s7, s2  }
0x1e: {  	s7 =	smul.u32 @!p0 $0xF7A, s2;
	p2 =	seq.s32 @!p0 s5, $0x0  }
0x1f: {  	s9 =	smul.u32 $0xF7A, s1;
	s8 =	simm.s32 @!p0 $0x1BF5;
	p2 =	por !p2, p0  }
0x20: {  	[sflag:s8] =	ssyncset.s32 @!p0 $0xFFFFF086;
	s6 =	sadd.s32 @!p0 s3, s7;
	s7 =	simm.s32 @!p0 $0x108  }
0x21: {  	s3 =	sadd.s32 s3, s9;
	s6 =	sadd.s32 @!p0 $0x88, s6;
	s7 =	simm.s32 @p2 $0x1082  }
0x22: {  	[simem:s7], [sflag:s8] =	dma.local @!p0 [hbm:s6], $0xF7A  }
0x23: {  	s9 =	sor.u32 $0xD0000000, s2;
	s6 =	simm.s32 $0x108;
	_ =	swait.ge @!p0 [sflag:s8], $0x0  }
0x24: {  	s3 =	sadd.s32 $0x88, s3;
	s6 =	simm.s32 @!p1 $0x1082;
	[sflag:s4] =	ssyncset.s32 $0xFFFFF086  }
0x25: {  	[simem:s6], [sflag:s4] =	dma.local [hbm:s3], $0xF7A  }
0x26: {  	[smem:$0x3F95] =	sst s1;
	(tag) =	ssettag s2;
	_ =	strace s9  }
0x27: {  	s1 =	sld [smem:$0x3FA5]  }
0x28: {  	s2 =	sld [smem:$0x3FA6]  }
0x29: {  	s4 =	sld [smem:$0x3FA8]  }
0x2a: {  	p0 =	seq.s32 s5, $0x0;
	s5 =	sld [smem:$0x3FA9]  }
0x2b: {  	s6 =	sld [smem:$0x3FAA]  }
0x2c: {  	s7 =	sld [smem:$0x3FAB]  }
0x2d: {  	s3 =	simm.s32 $0x108;
	s8 =	sld [smem:$0x3FAC]  }
0x2e: {  	s3 =	simm.s32 @!p0 $0x1082;
	s9 =	sld [smem:$0x3FAD]  }
0x2f: {  	lr =	sadd.s32 s0, s3;
	s0 =	sld [smem:$0x3FA4]  }
0x30: {  	s3 =	sld [smem:$0x3FA7]  }
0x31: {  	[smem:$0x3FB0] =	sst s10  }
0x32: {  	s10 =	sld [smem:$0x3FAE];
	_ =	sdelay $0x3  }
0x33: {  	p0 =	seq.s32 s10, $0x1;
	s10 =	sld [smem:$0x3FB0];
	_ =	sdelay $0x3  }
0x34: {  	[smem:$0x3FB0] =	sst s10  }
0x35: {  	s10 =	sld [smem:$0x3FAF];
	_ =	sdelay $0x3  }
0x36: {  	p1 =	seq.s32 s10, $0x1;
	s10 =	sld [smem:$0x3FB0];
	_ =	sdelay $0x3  }
0x37: {  	[smem:$0x3FB0] =	sst s10  }
0x38: {  	s10 =	sld [smem:$0x3FB1]  }
0x39: {  	_ = 	snop;
	(pc) =	sbr.ind lr, $3  }
0x3a: {  	_ = 	snop  }
0x3b: {  	_ = 	snop  }
0x3c: {  	p2 =	seq.s32 s10, $0x1;
	s10 =	sld [smem:$0x3FB0]  }
0x3d: {  	_ =	shalt  }
0x3e: {  	_ =	shalt  }
0x3f: {  	_ =	shalt  }
0x40: {  	_ =	shalt  }
0x41: {  	_ =	shalt  }
0x42: {  	_ =	shalt  }
0x43: {  	_ =	shalt  }
0x44: {  	_ =	shalt  }
0x45: {  	_ =	shalt  }
0x46: {  	_ =	shalt  }
0x47: {  	_ =	shalt  }
0x48: {  	_ =	shalt  }
0x49: {  	_ =	shalt  }
0x4a: {  	_ =	shalt  }
0x4b: {  	_ =	shalt  }
0x4c: {  	_ =	shalt  }
0x4d: {  	_ =	shalt  }
0x4e: {  	_ =	shalt  }
0x4f: {  	_ =	shalt  }
0x50: {  	_ =	shalt  }
0x51: {  	_ =	shalt  }
0x52: {  	_ =	shalt  }
0x53: {  	_ =	shalt  }
0x54: {  	_ =	shalt  }
0x55: {  	_ =	shalt  }
0x56: {  	_ =	shalt  }
0x57: {  	_ =	shalt  }
0x58: {  	_ =	shalt  }
0x59: {  	_ =	shalt  }
0x5a: {  	_ =	shalt  }
0x5b: {  	_ =	shalt  }
0x5c: {  	_ =	shalt  }
0x5d: {  	_ =	shalt  }
0x5e: {  	_ =	shalt  }
0x5f: {  	_ =	shalt  }
0x60: {  	_ =	shalt  }
0x61: {  	_ =	shalt  }
0x62: {  	_ =	shalt  }
0x63: {  	_ =	shalt  }
0x64: {  	_ =	shalt  }
0x65: {  	_ =	shalt  }
0x66: {  	_ =	shalt  }
0x67: {  	_ =	shalt  }
0x68: {  	_ =	shalt  }
0x69: {  	_ =	shalt  }
0x6a: {  	_ =	shalt  }
0x6b: {  	_ =	shalt  }
0x6c: {  	_ =	shalt  }
0x6d: {  	_ =	shalt  }
0x6e: {  	_ =	shalt  }
0x6f: {  	_ =	shalt  }
0x70: {  	_ =	shalt  }
0x71: {  	_ =	shalt  }
0x72: {  	_ =	shalt  }
0x73: {  	_ =	shalt  }
0x74: {  	_ =	shalt  }
0x75: {  	_ =	shalt  }
0x76: {  	_ =	shalt  }
0x77: {  	_ =	shalt  }
0x78: {  	_ =	shalt  }
0x79: {  	_ =	shalt  }
0x7a: {  	_ =	shalt  }
0x7b: {  	_ =	shalt  }
0x7c: {  	_ =	shalt  }
0x7d: {  	_ =	shalt  }
0x7e: {  	_ =	shalt  }
0x7f: {  	_ =	shalt  }
0x80: {  	_ =	shalt  }
0x81: {  	_ =	shalt  }
0x82: {  	_ =	shalt  }
0x83: {  	_ =	shalt  }
0x84: {  	_ =	shalt  }
0x85: {  	_ =	shalt  }
0x86: {  	_ =	shalt  }
0x87: {  	_ =	shalt  }
.Lfunc_end0:
.L_simem_size_0:
called_computation.2_lowered:
.L_overlay_start_0:
0x88: {  	s2 =	sld [smem:$0x3FD9]  }
0x89: {  	s3 =	sld [smem:$0x3FFE];
	_ =	sdelay $0x1  }
0x8a: {  	s1 =	srdreg.scid  }
0x8b: {  	s0 =	sand.u32 $0x1, s1  }
0x8c: {  	s17 =	sshll.u32 s0, $0xA;
	s2 =	sadd.s32 s3, s2  }
0x8d: {  	s2 =	sadd.s32 s2, s17  }
0x8e: {  	[smem:$0x3FBC] =	sst s2  }
0x8f: {  	_ = 	snop  }
0x90: {  	s2 =	sld [smem:$0x3FD0];
	(tm) =	ssettm $0x1  }
0x91: {  	s18 =	sld [smem:$0x3FFB];
	_ =	sdelay $0x3  }
0x92: {  	_ =	strace s18  }
0x93: {  	s3 =	sld [smem:$0x3FFC];
	_ =	sdelay $0x3  }
0x94: {  	_ =	strace s3  }
0x95: {  	s3 =	sld [smem:$0x3FFD];
	_ =	sdelay $0x3  }
0x96: {  	_ =	strace s3  }
0x97: {  	_ =	strace $0x8FFFFFFF  }
0x98: {  	s19 =	sld [smem:$0x3FDB];
	_ =	sdelay $0x1  }
0x99: {  	s4 =	simm.s32 $_scs_section_size  }
0x9a: {  	s5 =	simm.s32 $_size__tile_overlayer_lowered;
	s6 =	simm.s32 $_tile_overlayer_lowered  }
0x9b: {  	s22 =	simm.s32 $0x1BFF;
	s21 =	sshll.u32 s6, $0x1;
	s3 =	sadd.s32 s4, s19  }
0x9c: {  	s7 =	simm.s32 $0x0;
	s20 =	sshll.u32 s5, $0x1;
	s5 =	sadd.s32 s21, s3  }
0x9d: {  	[timem:s7], [sflag:s22] =	dma.local [hbm:s5], s20  }
0x9e: {  	_ =	swait.ge [sflag:s22], s20  }
0x9f: {  	s4 =	ssub.s32 $0x0, s20;
	[sflag:s22] =	ssyncset.done $0x0  }
0xa0: {  	[sflag:s22] =	ssyncadd.s32 s4;
	_ =	sdelay $0x1  }
0xa1: {  	s23 =	simm.s32 $0x1B8B  }
0xa2: {  	_ =	swait.ge [sflag:s23], $0x1  }
0xa3: {  	[sflag:s23] =	ssyncset.done $0x0  }
0xa4: {  	s25 =	simm.s32 $0x1B8E;
	s24 =	sld [smem:$0x3FFE];
	[sflag:s23] =	ssyncadd.s32 $0xFFFFFFFF  }
0xa5: {  	s26 =	simm.s32 $execute0_lowered;
	[smem:$0x3FD2] =	sst s25  }
0xa6: {  	s5 =	sshll.u32 s26, $0x1;
	_ =	strace $0x8000004C;
	[dreg:$0x1] =	wrdreg $0xFFFFFFFF  }
0xa7: {  	s28 =	simm.s32 $_size_execute0_lowered;
	s3 =	sadd.s32 s3, s5;
	[dreg:$0x0] =	wrdreg $0x0  }
0xa8: {  	s5 =	sshll.u32 s28, $0x1;
	[dreg:$0x2] =	wrdreg s3  }
0xa9: {  	[dreg:$0x3] =	wrdreg s5  }
0xaa: {  	[dreg:$0x4] =	wrdreg $0xC0  }
0xab: {  	_ =	task [dreg:s7], $0x5FFFF  }
0xac: {  	[dreg:$0x1] =	wrdreg $0xFFFFFFFF  }
0xad: {  	[dreg:$0x0] =	wrdreg $0x60  }
0xae: {  	[dreg:$0x2] =	wrdreg s24  }
0xaf: {  	[dreg:$0x3] =	wrdreg s2  }
0xb0: {  	[dreg:$0x4] =	wrdreg $0x8B000  }
0xb1: {  	[dreg:$0x5] =	wrdreg $0x9  }
0xb2: {  	_ =	task.clear_ibuf [dreg:s7], $0x6FFFF;
	_ =	strace $0x9000004C  }
0xb3: {  	s29 =	simm.s32 $0x9;
	_ =	strace $0x8000004E  }
0xb4: {  	_ =	swait.ge [sflag:s29], $0x1  }
0xb5: {  	[sflag:s29] =	ssyncadd.s32 $0xFFFFFFFF  }
0xb6: {  	_ =	strace $0x9000004E  }
0xb7: {  	_ =	sfence  }
0xb8: {  	s30 =	sld [smem:$0x0];
	_ =	sdelay $0x2  }
0xb9: {  	s31 =	sshll.u32 s1, $0xD;
	s1 =	sshrl.u32 s1, $0x2  }
0xba: {  	s3 =	sand.u32 $0x4000, s31;
	s1 =	sadd.s32 s1, s30  }
0xbb: {  	s0 =	sor.u32 s3, s0;
	s1 =	sshll.u32 s1, $0x11  }
0xbc: {  	s0 =	sor.u32 s1, s0  }
0xbd: {  	s0 =	sadd.s32 $0x8F2B, s0  }
0xbe: {  	[sflag:s0] =	ssyncadd.remote.s32 $0x1  }
0xbf: {  	_ =	sfence.sel $0xFFFF  }
0xc0: {  	[dreg:$0x0] =	wrdreg $0xFFFFFFFF;
	(pc) =	sbr.abs _section_cstart, $3  }
0xc1: {  	[dreg:$0x1] =	wrdreg $0xFFFFFFFF  }
0xc2: {  	_ =	task.clear_ibuf [dreg:s7], $0x2FFFF;
	_ =	strace $0x9FFFFFFF  }
0xc3: {  	(tm) =	ssettm $0x7FFFFFFF  }
tec
execute0_lowered:
.L_overlay_start_1:
0x0: {  	(tag) =	ssettag $0x1  }
0x1: {  	s0 =	rddreg [dreg:$0x0]  }
0x2: {  	s2 =	rddreg [dreg:$0x1]  }
0x3: {  	s1 =	rddreg [dreg:$0x2]  }
0x4: {  	s3 =	simm.s32 $0x0;
	s4 =	srdreg.scid;
	s12 =	stileid.u32  }
0x5: {  	s25 =	simm.s32 $0x8980;
	s28 =	simm.s32 $0x8A80;
	s7 =	smul.u32 $0x2800, s12  }
0x6: {  	s29 =	simm.s32 $0x10;
	s30 =	simm.s32 $0x8000;
	s9 =	smul.u32 $0x50000, s12  }
0x7: {  	s31 =	simm.s32 $0x5;
	[smem:$0x7FF] =	sst s3;
	s10 =	smul.u32 $0x2710, s12  }
0x8: {  	s5 =	sand.u32 $0x1, s4;
	s4 =	sadd.s32 $0x55400, s0;
	s22 =	smul.u32 $0x4E2, s12  }
0x9: {  	s11 =	sadd.s32 $0x2200, s0;
	s6 =	smul.u32 $0x28000, s5;
	_ =	strace $0x8000004D  }
0xa: {  	s8 =	ssub.s32 $0x2, s5;
	s13 =	smul.u32 $0x2710, s5;
	[dreg:$0x4] =	wrdreg s25  }
0xb: {  	s25 =	simm.s32 $0x4;
	s26 =	sshrl.u32 s8, $0x1;
	s15 =	sshrl.u32 s9, $0x2  }
0xc: {  	s16 =	sshrl.u32 s10, $0x3;
	s6 =	sadd.s32 s7, s6;
	s7 =	ssub.s32 s8, s26  }
0xd: {  	s5 =	sadd.s32 s15, s1;
	s17 =	sadd.s32 s2, s16;
	s18 =	sadd.s32 $0x4E0, s16  }
0xe: {  	s8 =	sadd.s32 s11, s16;
	s16 =	sadd.s32 s22, s11;
	[dreg:$0x6] =	wrdreg s17  }
0xf: {  	s26 =	simm.s32 $0x4000;
	s0 =	sadd.s32 s6, s0;
	[dreg:$0x7] =	wrdreg s8  }
0x10: {  	s19 =	sadd.s32 s2, s18;
	s20 =	sadd.s32 s11, s18;
	[dreg:$0x5] =	wrdreg s26  }
0x11: {  	s21 =	smax.u32 s7, $0x1;
	s23 =	sadd.s32 $0x4000, s5;
	[dreg:$0x8] =	wrdreg s19  }
0x12: {  	s24 =	sadd.s32 $0x8000, s5;
	s14 =	sadd.s32 $0xC000, s5;
	[dreg:$0x9] =	wrdreg s20  }
0x13: {  	s15 =	sadd.s32 $0x10000, s5;
	s17 =	sadd.s32 s22, s2;
	[dreg:$0xb] =	wrdreg s21  }
0x14: {  	s18 =	simm.s32 $0x6;
	s22 =	simm.s32 $0x1;
	[dreg:$0xc] =	wrdreg s23  }
0x15: {  	s26 =	simm.s32 $0x8A00;
	s0 =	sadd.s32 $0xA3600, s0;
	[dreg:$0xd] =	wrdreg s24  }
0x16: {  	s20 =	simm.s32 $0x8900;
	s21 =	simm.s32 $0x80;
	s23 =	simm.s32 $0x8880  }
0x17: {  	v1 =	vimm.f32 $0.0e+00;
	v0 =	vmov s13;
	s24 =	simm.s32 $0x2;
	[dreg:$0xa] =	wrdreg s0;
	s0 =	simm.s32 $0x0  }
.LBB2_1:
0x18: {  	s2 =	simm.s32 $0x0;
	s6 =	simm.s32 $0x200  }
.LBB2_2:
0x19: {  	p0 =	sne.s32 s6, $0xFE00;
	[tilespmem:s2+$0x70] =	vst v1  }
0x1a: {  	[tilespmem:s2+$0x0] =	vst v1  }
0x1b: {  	[tilespmem:s2+$0x10] =	vst v1  }
.Ltmp0:
0x1c: {  	[tilespmem:s2+$0x20] =	vst v1;
	(pc) =	sbr.rel @p0 .LBB2_2-.Ltmp0, $4  }
0x1d: {  	[tilespmem:s2+$0x30] =	vst v1  }
0x1e: {  	[tilespmem:s2+$0x40] =	vst v1  }
0x1f: {  	[tilespmem:s2+$0x50] =	vst v1  }
0x20: {  	[tilespmem:s2+$0x60] =	vst v1;
	s2 =	sshra.s32 s6, $0x2;
	s6 =	sadd.s32 $0x200, s6  }
0x21: {  	[tilespmem:s2+$0x70] =	vst v1  }
0x22: {  	[tilespmem:s2+$0x0] =	vst v1  }
0x23: {  	[tilespmem:s2+$0x10] =	vst v1  }
0x24: {  	[tilespmem:s2+$0x20] =	vst v1  }
0x25: {  	[tilespmem:s2+$0x30] =	vst v1  }
0x26: {  	[tilespmem:s2+$0x40] =	vst v1  }
0x27: {  	[tilespmem:s2+$0x50] =	vst v1  }
0x28: {  	[tilespmem:s2+$0x60] =	vst v1;
	s19 =	simm.s32 $0x0  }
0x29: {  	[spmem:s5] =	stream.linear.scatter [tilespmem:s19], [sflag:$0x6], $0x4000, $0x38;
	[tilespmem:$0x1CB00] =	vst v63  }
0x2a: {  	_ =	swait.ge [sflag:s18], $0x4000  }
0x2b: {  	[sflag:s18] =	ssyncset.done $0x0  }
0x2c: {  	s6 =	rddreg [dreg:$0xc];
	[sflag:s18] =	ssyncadd.s32 $0xFFFFC000  }
0x2d: {  	[spmem:s6] =	stream.linear.scatter [tilespmem:s19], [sflag:$0x6], $0x4000, $0x38;
	[tilespmem:$0x1CB00] =	vst v63  }
0x2e: {  	_ =	swait.ge [sflag:s18], $0x4000  }
0x2f: {  	[sflag:s18] =	ssyncset.done $0x0  }
0x30: {  	s8 =	rddreg [dreg:$0xd];
	[sflag:s18] =	ssyncadd.s32 $0xFFFFC000  }
0x31: {  	[spmem:s8] =	stream.linear.scatter [tilespmem:s19], [sflag:$0x6], $0x4000, $0x38;
	[tilespmem:$0x1CB00] =	vst v63  }
0x32: {  	_ =	swait.ge [sflag:s18], $0x4000  }
0x33: {  	[sflag:s18] =	ssyncset.done $0x0  }
0x34: {  	[sflag:s18] =	ssyncadd.s32 $0xFFFFC000  }
0x35: {  	[spmem:s14] =	stream.linear.scatter [tilespmem:s19], [sflag:$0x6], $0x4000, $0x38;
	[tilespmem:$0x1CB00] =	vst v63  }
0x36: {  	_ =	swait.ge [sflag:s18], $0x4000  }
0x37: {  	[sflag:s18] =	ssyncset.done $0x0  }
0x38: {  	[sflag:s18] =	ssyncadd.s32 $0xFFFFC000  }
0x39: {  	[spmem:s15] =	stream.linear.scatter [tilespmem:s19], [sflag:$0x6], $0x4000, $0x38;
	[tilespmem:$0x1CB00] =	vst v63  }
0x3a: {  	_ =	swait.ge [sflag:s18], $0x4000  }
0x3b: {  	[sflag:s18] =	ssyncset.done $0x0  }
0x3c: {  	[sflag:s18] =	ssyncadd.s32 $0xFFFFC000  }
0x3d: {  	[bflag:$0x0] =	sbarrier.arrive $0xFFFF  }
0x3e: {  	s7 =	simm.s32 $0x8800;
	s9 =	rddreg [dreg:$0x6]  }
0x3f: {  	[tilespmem:s7], [sflag:$0x6] =	stream.linear.gather [hbm4b:s9+s19], $0x80, $0x38;
	[tilespmem:$0x1CB00] =	vst v63  }
0x40: {  	_ =	swait.ge [sflag:s18], $0x80  }
0x41: {  	[sflag:s18] =	ssyncset.done $0x0  }
0x42: {  	[sflag:s18] =	ssyncadd.s32 $0xFFFFFF80  }
0x43: {  	v2 =	vld [tilespmem:$0x8800]  }
0x44: {  	v3 =	vld [tilespmem:$0x8810]  }
0x45: {  	v4 =	vld [tilespmem:$0x8820]  }
0x46: {  	v5 =	vld [tilespmem:$0x8830]  }
0x47: {  	v6 =	vld [tilespmem:$0x8840]  }
0x48: {  	v7 =	vld [tilespmem:$0x8850];
	v2 =	vadd.s32 v0, v2  }
0x49: {  	[tilespmem:$0x8800] =	vst v2;
	v2 =	vadd.s32 v0, v3;
	v3 =	vld [tilespmem:$0x8860]  }
0x4a: {  	v57 =	vld [tilespmem:$0x8870];
	[tilespmem:$0x8810] =	vst v2;
	v2 =	vadd.s32 v0, v4  }
0x4b: {  	[tilespmem:$0x8820] =	vst v2;
	v2 =	vadd.s32 v0, v5  }
0x4c: {  	[tilespmem:$0x8830] =	vst v2;
	v2 =	vadd.s32 v0, v6  }
0x4d: {  	[tilespmem:$0x8840] =	vst v2;
	v2 =	vadd.s32 v0, v7  }
0x4e: {  	[tilespmem:$0x8850] =	vst v2;
	v2 =	vadd.s32 v0, v3  }
0x4f: {  	[tilespmem:$0x8860] =	vst v2;
	v2 =	vadd.s32 v0, v57  }
0x50: {  	s10 =	rddreg [dreg:$0x7];
	[tilespmem:$0x8870] =	vst v2  }
0x51: {  	[tilespmem:s20], [sflag:$0x6] =	stream.linear.gather [hbm4b:s10+s19], $0x80, $0x38;
	[tilespmem:$0x1CB00] =	vst v63  }
0x52: {  	_ =	swait.ge [sflag:s18], $0x80  }
0x53: {  	[sflag:s18] =	ssyncset.done $0x0  }
0x54: {  	[sflag:s18] =	ssyncadd.s32 $0xFFFFFF80  }
0x55: {  	[tilespmem:s19], [sflag:$0x1] =	stream.indirect.gather [hbm4b:s4+s21], $0x80, s7, s21, $0xb8;
	[tilespmem:$0x1CB00] =	vst v63  }
0x56: {  	_ =	swait.ge [sflag:s22], $0x4000  }
0x57: {  	s11 =	sadd.s32 $0x0, s17;
	[sflag:s22] =	ssyncset.done $0x0  }
0x58: {  	s2 =	sadd.s32 $0x10, s11;
	[sflag:s22] =	ssyncadd.s32 $0xFFFFC000  }
0x59: {  	[tilespmem:s23], [sflag:$0x6] =	stream.linear.gather [hbm4b:s2+s3], $0x80, $0x38;
	[tilespmem:$0x1CB00] =	vst v63  }
0x5a: {  	_ =	swait.ge [sflag:s18], $0x80  }
0x5b: {  	[sflag:s18] =	ssyncset.done $0x0  }
0x5c: {  	[sflag:s18] =	ssyncadd.s32 $0xFFFFFF80  }
0x5d: {  	v2 =	vld [tilespmem:$0x88B0]  }
0x5e: {  	v3 =	vld [tilespmem:$0x88A0]  }
0x5f: {  	v59 =	vld [tilespmem:$0x88E0]  }
0x60: {  	v61 =	vld [tilespmem:$0x8880]  }
0x61: {  	v58 =	vld [tilespmem:$0x88F0]  }
0x62: {  	v60 =	vld [tilespmem:$0x88D0];
	v2 =	vadd.s32 v0, v2  }
0x63: {  	v8 =	vld [tilespmem:$0x8890];
	v3 =	vadd.s32 v0, v3;
	[tilespmem:$0x88B0] =	vst v2  }
0x64: {  	v62 =	vadd.s32 v0, v59;
	[tilespmem:$0x88A0] =	vst v3;
	v2 =	vld [tilespmem:$0x88C0]  }
0x65: {  	v63 =	vadd.s32 v0, v61;
	[tilespmem:$0x88E0] =	vst v62  }
0x66: {  	v3 =	vadd.s32 v0, v58;
	[tilespmem:$0x8880] =	vst v63  }
0x67: {  	[tilespmem:$0x88F0] =	vst v3;
	v3 =	vadd.s32 v0, v60  }
0x68: {  	[tilespmem:$0x88D0] =	vst v3;
	v3 =	vadd.s32 v0, v8  }
0x69: {  	p0 =	por $0x1, $0x1;
	[tilespmem:$0x8890] =	vst v3;
	v2 =	vadd.s32 v0, v2  }
0x6a: {  	s2 =	simm.s32 @!p0 $0x4;
	[tilespmem:$0x88C0] =	vst v2  }
0x6b: {  	_ =	swait.ge @!p0 [sflag:s2], $0x4000  }
0x6c: {  	[sflag:s2] =	ssyncset.done @!p0 $0x0  }
0x6d: {  	s12 =	sadd.s32 $0x0, s16;
	[sflag:s2] =	ssyncadd.s32 @!p0 $0xFFFFC000  }
0x6e: {  	[spmem:s1] =	stream.indirect.scatter.add.f32 [tilespmem:s3], [sflag:$0x3], $0x80, s20, s21, $0xb8;
	[tilespmem:$0x1CB00] =	vst v63  }
0x6f: {  	s13 =	rddreg [dreg:$0x4];
	s2 =	sadd.s32 $0x10, s12  }
0x70: {  	[tilespmem:s13], [sflag:$0x6] =	stream.linear.gather [hbm4b:s2+s3], $0x80, $0x38;
	[tilespmem:$0x1CB00] =	vst v63  }
0x71: {  	_ =	swait.ge [sflag:s18], $0x80  }
0x72: {  	[sflag:s18] =	ssyncset.done $0x0  }
0x73: {  	s19 =	rddreg [dreg:$0x5];
	[sflag:s18] =	ssyncadd.s32 $0xFFFFFF80  }
0x74: {  	[tilespmem:s19], [sflag:$0x2] =	stream.indirect.gather [hbm4b:s4+s21], $0x80, s23, s21, $0xb8;
	[tilespmem:$0x1CB00] =	vst v63  }
0x75: {  	p1 =	por $0x0, $0x0;
	_ =	swait.ge [sflag:s24], $0x4000  }
0x76: {  	s11 =	simm.s32 @p1 $0x4000;
	s6 =	simm.s32 $0x1;
	[sflag:s24] =	ssyncset.done $0x0  }
0x77: {  	s8 =	sadd.s32 @!p1 $0x0, s16;
	s10 =	simm.s32 @p1 $0x3;
	[sflag:s24] =	ssyncadd.s32 $0xFFFFC000  }
0x78: {  	s9 =	simm.s32 @p1 $0x8980;
	s7 =	sadd.s32 @!p1 $0x0, s17;
	_ =	swait.ge @p1 [sflag:s10], $0x4000  }
0x79: {  	s2 =	simm.s32 $0x20;
	s19 =	sadd.s32 @!p1 $0x20, s7;
	[sflag:s10] =	ssyncset.done @p1 $0x0  }
.LBB2_4:
0x7a: {  	[sflag:s10] =	ssyncadd.s32 @p1 $0xFFFFC000;
	s10 =	simm.s32 @p1 $0x80  }
0x7b: {  	[spmem:s1] =	stream.indirect.scatter.add.f32 @p1 [tilespmem:s11], [sflag:$0x4], $0x80, s9, s10, $0xb8;
	[tilespmem:$0x1CB00] =	vst v63  }
0x7c: {  	s9 =	simm.s32 @!p1 $0x0;
	s10 =	simm.s32 @!p1 $0x8800;
	s11 =	simm.s32 @!p1 $0x6  }
0x7d: {  	[tilespmem:s10], [sflag:$0x6] =	stream.linear.gather @!p1 [hbm4b:s19+s9], $0x80, $0x38;
	[tilespmem:$0x1CB00] =	vst v63  }
0x7e: {  	_ =	swait.ge @!p1 [sflag:s11], $0x80  }
0x7f: {  	[sflag:s11] =	ssyncset.done @!p1 $0x0  }
0x80: {  	[sflag:s11] =	ssyncadd.s32 @!p1 $0xFFFFFF80  }
0x81: {  	v2 =	vld @!p1 [tilespmem:$0x8850]  }
0x82: {  	v3 =	vld @!p1 [tilespmem:$0x8800]  }
0x83: {  	v4 =	vld @!p1 [tilespmem:$0x8810]  }
0x84: {  	v5 =	vld @!p1 [tilespmem:$0x8820]  }
0x85: {  	v6 =	vld @!p1 [tilespmem:$0x8830]  }
0x86: {  	v7 =	vld @!p1 [tilespmem:$0x8840];
	v2 =	vadd.s32 @!p1 v0, v2  }
0x87: {  	v3 =	vadd.s32 @!p1 v0, v3;
	[tilespmem:$0x8850] =	vst @!p1 v2;
	v2 =	vld @!p1 [tilespmem:$0x8870]  }
0x88: {  	[tilespmem:$0x8800] =	vst @!p1 v3;
	v3 =	vadd.s32 @!p1 v0, v4;
	v4 =	vld @!p1 [tilespmem:$0x8860]  }
0x89: {  	[tilespmem:$0x8810] =	vst @!p1 v3;
	v3 =	vadd.s32 @!p1 v0, v5  }
0x8a: {  	[tilespmem:$0x8820] =	vst @!p1 v3;
	v3 =	vadd.s32 @!p1 v0, v6  }
0x8b: {  	[tilespmem:$0x8830] =	vst @!p1 v3;
	v3 =	vadd.s32 @!p1 v0, v7  }
0x8c: {  	[tilespmem:$0x8840] =	vst @!p1 v3;
	v2 =	vadd.s32 @!p1 v0, v2  }
0x8d: {  	[tilespmem:$0x8870] =	vst @!p1 v2;
	v2 =	vadd.s32 @!p1 v0, v4  }
0x8e: {  	s19 =	simm.s32 @!p1 $0x3;
	[tilespmem:$0x8860] =	vst @!p1 v2  }
0x8f: {  	_ =	swait.ge @!p1 [sflag:s19], $0x4000  }
0x90: {  	s12 =	simm.s32 @!p1 $0x4000;
	[sflag:s19] =	ssyncset.done @!p1 $0x0  }
0x91: {  	s13 =	simm.s32 @!p1 $0x8980;
	[sflag:s19] =	ssyncadd.s32 @!p1 $0xFFFFC000;
	s19 =	simm.s32 @!p1 $0x80  }
0x92: {  	[spmem:s1] =	stream.indirect.scatter.add.f32 @!p1 [tilespmem:s12], [sflag:$0x4], $0x80, s13, s19, $0xb8;
	[tilespmem:$0x1CB00] =	vst v63  }
0x93: {  	s8 =	sadd.s32 @!p1 $0x20, s8;
	s12 =	simm.s32 @!p1 $0x8900  }
0x94: {  	[tilespmem:s12], [sflag:$0x6] =	stream.linear.gather @!p1 [hbm4b:s8+s9], $0x80, $0x38;
	[tilespmem:$0x1CB00] =	vst v63  }
0x95: {  	_ =	swait.ge @!p1 [sflag:s11], $0x80  }
0x96: {  	[sflag:s11] =	ssyncset.done @!p1 $0x0  }
0x97: {  	[sflag:s11] =	ssyncadd.s32 @!p1 $0xFFFFFF80  }
0x98: {  	[tilespmem:s9], [sflag:$0x1] =	stream.indirect.gather @!p1 [hbm4b:s4+s19], $0x80, s10, s19, $0xb8;
	[tilespmem:$0x1CB00] =	vst v63  }
0x99: {  	s7 =	smov.u32 s2;
	_ =	swait.ge [sflag:s22], $0x4000  }
0x9a: {  	s11 =	sadd.s32 s7, s17;
	[sflag:s22] =	ssyncset.done $0x0  }
0x9b: {  	s8 =	sadd.s32 $0x10, s11;
	[sflag:s22] =	ssyncadd.s32 $0xFFFFC000  }
0x9c: {  	[tilespmem:s23], [sflag:$0x6] =	stream.linear.gather [hbm4b:s8+s3], $0x80, $0x38;
	[tilespmem:$0x1CB00] =	vst v63  }
0x9d: {  	_ =	swait.ge [sflag:s18], $0x80  }
0x9e: {  	[sflag:s18] =	ssyncset.done $0x0  }
0x9f: {  	[sflag:s18] =	ssyncadd.s32 $0xFFFFFF80  }
0xa0: {  	v2 =	vld [tilespmem:$0x88B0]  }
0xa1: {  	v3 =	vld [tilespmem:$0x88A0]  }
0xa2: {  	v59 =	vld [tilespmem:$0x88E0]  }
0xa3: {  	v61 =	vld [tilespmem:$0x8880]  }
0xa4: {  	v58 =	vld [tilespmem:$0x88F0]  }
0xa5: {  	v60 =	vld [tilespmem:$0x88D0];
	v2 =	vadd.s32 v0, v2  }
0xa6: {  	v8 =	vld [tilespmem:$0x8890];
	v3 =	vadd.s32 v0, v3;
	[tilespmem:$0x88B0] =	vst v2  }
0xa7: {  	v62 =	vadd.s32 v0, v59;
	[tilespmem:$0x88A0] =	vst v3;
	v2 =	vld [tilespmem:$0x88C0]  }
0xa8: {  	v63 =	vadd.s32 v0, v61;
	[tilespmem:$0x88E0] =	vst v62  }
0xa9: {  	v3 =	vadd.s32 v0, v58;
	[tilespmem:$0x8880] =	vst v63  }
0xaa: {  	[tilespmem:$0x88F0] =	vst v3;
	v3 =	vadd.s32 v0, v60  }
0xab: {  	[tilespmem:$0x88D0] =	vst v3;
	v3 =	vadd.s32 v0, v8  }
0xac: {  	p1 =	seq.s32 s7, $0x0;
	[tilespmem:$0x8890] =	vst v3;
	v2 =	vadd.s32 v0, v2  }
0xad: {  	s8 =	simm.s32 @!p1 $0x4;
	[tilespmem:$0x88C0] =	vst v2  }
0xae: {  	_ =	swait.ge @!p1 [sflag:s8], $0x4000  }
0xaf: {  	[sflag:s8] =	ssyncset.done @!p1 $0x0  }
0xb0: {  	s12 =	sadd.s32 s7, s16;
	[sflag:s8] =	ssyncadd.s32 @!p1 $0xFFFFC000  }
0xb1: {  	[spmem:s1] =	stream.indirect.scatter.add.f32 [tilespmem:s3], [sflag:$0x3], $0x80, s20, s21, $0xb8;
	[tilespmem:$0x1CB00] =	vst v63  }
0xb2: {  	s13 =	rddreg [dreg:$0x4];
	s8 =	sadd.s32 $0x10, s12  }
0xb3: {  	[tilespmem:s13], [sflag:$0x6] =	stream.linear.gather [hbm4b:s8+s3], $0x80, $0x38;
	[tilespmem:$0x1CB00] =	vst v63  }
0xb4: {  	_ =	swait.ge [sflag:s18], $0x80  }
0xb5: {  	s2 =	sadd.s32 $0x20, s2;
	[sflag:s18] =	ssyncset.done $0x0  }
0xb6: {  	p0 =	sne.s32 s2, $0x4E0;
	s19 =	rddreg [dreg:$0x5];
	[sflag:s18] =	ssyncadd.s32 $0xFFFFFF80  }
0xb7: {  	[tilespmem:s19], [sflag:$0x2] =	stream.indirect.gather [hbm4b:s4+s21], $0x80, s23, s21, $0xb8;
	[tilespmem:$0x1CB00] =	vst v63  }
.Ltmp1:
0xb8: {  	_ =	swait.ge [sflag:s24], $0x4000;
	(pc) =	sbr.rel @p0 .LBB2_4-.Ltmp1, $4  }
0xb9: {  	p1 =	sgt.u32 s6, $0x25;
	s6 =	sadd.s32 $0x1, s6;
	[sflag:s24] =	ssyncset.done $0x0  }
0xba: {  	s10 =	simm.s32 @p1 $0x3;
	s9 =	simm.s32 @p1 $0x8980;
	[sflag:s24] =	ssyncadd.s32 $0xFFFFC000  }
0xbb: {  	s11 =	simm.s32 @p1 $0x4000;
	s8 =	sadd.s32 @!p1 s7, s17;
	_ =	swait.ge @p1 [sflag:s10], $0x4000  }
0xbc: {  	s19 =	sadd.s32 @!p1 $0x20, s8;
	s8 =	sadd.s32 @!p1 s7, s16;
	[sflag:s10] =	ssyncset.done @p1 $0x0  }
0xbd: {  	[sflag:s10] =	ssyncadd.s32 @p1 $0xFFFFC000;
	s2 =	simm.s32 @p1 $0x80  }
0xbe: {  	[spmem:s1] =	stream.indirect.scatter.add.f32 @p1 [tilespmem:s11], [sflag:$0x4], $0x80, s9, s2, $0xb8;
	[tilespmem:$0x1CB00] =	vst v63  }
0xbf: {  	s6 =	simm.s32 @!p1 $0x8800;
	s7 =	simm.s32 @!p1 $0x6;
	s2 =	simm.s32 @!p1 $0x0  }
0xc0: {  	[tilespmem:s6], [sflag:$0x6] =	stream.linear.gather @!p1 [hbm4b:s19+s2], $0x80, $0x38;
	[tilespmem:$0x1CB00] =	vst v63  }
0xc1: {  	_ =	swait.ge @!p1 [sflag:s7], $0x80  }
0xc2: {  	[sflag:s7] =	ssyncset.done @!p1 $0x0  }
0xc3: {  	[sflag:s7] =	ssyncadd.s32 @!p1 $0xFFFFFF80  }
0xc4: {  	v2 =	vld @!p1 [tilespmem:$0x8850]  }
0xc5: {  	v3 =	vld @!p1 [tilespmem:$0x8800]  }
0xc6: {  	v4 =	vld @!p1 [tilespmem:$0x8810]  }
0xc7: {  	v5 =	vld @!p1 [tilespmem:$0x8820]  }
0xc8: {  	v6 =	vld @!p1 [tilespmem:$0x8830]  }
0xc9: {  	v7 =	vld @!p1 [tilespmem:$0x8840];
	v2 =	vadd.s32 @!p1 v0, v2  }
0xca: {  	v3 =	vadd.s32 @!p1 v0, v3;
	[tilespmem:$0x8850] =	vst @!p1 v2;
	v2 =	vld @!p1 [tilespmem:$0x8870]  }
0xcb: {  	[tilespmem:$0x8800] =	vst @!p1 v3;
	v3 =	vadd.s32 @!p1 v0, v4;
	v4 =	vld @!p1 [tilespmem:$0x8860]  }
0xcc: {  	[tilespmem:$0x8810] =	vst @!p1 v3;
	v3 =	vadd.s32 @!p1 v0, v5  }
0xcd: {  	[tilespmem:$0x8820] =	vst @!p1 v3;
	v3 =	vadd.s32 @!p1 v0, v6  }
0xce: {  	[tilespmem:$0x8830] =	vst @!p1 v3;
	v3 =	vadd.s32 @!p1 v0, v7  }
0xcf: {  	[tilespmem:$0x8840] =	vst @!p1 v3;
	v2 =	vadd.s32 @!p1 v0, v2  }
0xd0: {  	[tilespmem:$0x8870] =	vst @!p1 v2;
	v2 =	vadd.s32 @!p1 v0, v4  }
0xd1: {  	s9 =	simm.s32 @!p1 $0x3;
	[tilespmem:$0x8860] =	vst @!p1 v2  }
0xd2: {  	_ =	swait.ge @!p1 [sflag:s9], $0x4000  }
0xd3: {  	s10 =	simm.s32 @!p1 $0x4000;
	[sflag:s9] =	ssyncset.done @!p1 $0x0  }
0xd4: {  	s11 =	simm.s32 @!p1 $0x8980;
	[sflag:s9] =	ssyncadd.s32 @!p1 $0xFFFFC000;
	s9 =	simm.s32 @!p1 $0x80  }
0xd5: {  	[spmem:s1] =	stream.indirect.scatter.add.f32 @!p1 [tilespmem:s10], [sflag:$0x4], $0x80, s11, s9, $0xb8;
	[tilespmem:$0x1CB00] =	vst v63  }
0xd6: {  	s8 =	sadd.s32 @!p1 $0x20, s8;
	s10 =	simm.s32 @!p1 $0x8900  }
0xd7: {  	[tilespmem:s10], [sflag:$0x6] =	stream.linear.gather @!p1 [hbm4b:s8+s2], $0x80, $0x38;
	[tilespmem:$0x1CB00] =	vst v63  }
0xd8: {  	_ =	swait.ge @!p1 [sflag:s7], $0x80  }
0xd9: {  	[sflag:s7] =	ssyncset.done @!p1 $0x0  }
0xda: {  	[sflag:s7] =	ssyncadd.s32 @!p1 $0xFFFFFF80  }
0xdb: {  	[tilespmem:s2], [sflag:$0x1] =	stream.indirect.gather @!p1 [hbm4b:s4+s9], $0x80, s6, s9, $0xb8;
	[tilespmem:$0x1CB00] =	vst v63  }
0xdc: {  	_ =	swait.ge [sflag:s25], $0x4000  }
0xdd: {  	[sflag:s25] =	ssyncset.done $0x0  }
0xde: {  	s9 =	rddreg [dreg:$0x8];
	[sflag:s25] =	ssyncadd.s32 $0xFFFFC000  }
0xdf: {  	[tilespmem:s26], [sflag:$0x6] =	stream.linear.gather [hbm4b:s9+s3], $0x10, $0x38;
	[tilespmem:$0x1CB00] =	vst v63  }
0xe0: {  	_ =	swait.ge [sflag:s18], $0x10  }
0xe1: {  	[sflag:s18] =	ssyncset.done $0x0  }
0xe2: {  	s10 =	rddreg [dreg:$0x9];
	[sflag:s18] =	ssyncadd.s32 $0xFFFFFFF0  }
0xe3: {  	[tilespmem:s28], [sflag:$0x6] =	stream.linear.gather [hbm4b:s10+s3], $0x10, $0x38;
	[tilespmem:$0x1CB00] =	vst v63  }
0xe4: {  	_ =	swait.ge [sflag:s18], $0x10  }
0xe5: {  	[sflag:s18] =	ssyncset.done $0x0  }
0xe6: {  	[sflag:s18] =	ssyncadd.s32 $0xFFFFFFF0  }
0xe7: {  	v2 =	vld [tilespmem:$0x8A00];
	_ =	sdelay $0x4  }
0xe8: {  	v2 =	vadd.s32 v0, v2  }
0xe9: {  	[tilespmem:$0x8A00] =	vst v2  }
0xea: {  	[tilespmem:s30], [sflag:$0x5] =	stream.indirect.gather [hbm4b:s4+s29], $0x80, s26, s29, $0xb8;
	[tilespmem:$0x1CB00] =	vst v63  }
0xeb: {  	_ =	swait.ge [sflag:s31], $0x800  }
0xec: {  	[sflag:s31] =	ssyncset.done $0x0  }
0xed: {  	[sflag:s31] =	ssyncadd.s32 $0xFFFFF800  }
0xee: {  	[spmem:s1] =	stream.indirect.scatter.add.f32 [tilespmem:s30], [sflag:$0x6], $0x80, s28, s29, $0xb8;
	[tilespmem:$0x1CB00] =	vst v63  }
0xef: {  	_ =	swait.ge [sflag:s18], $0x800  }
0xf0: {  	[sflag:s18] =	ssyncset.done $0x0  }
0xf1: {  	s11 =	stileid.u32;
	[sflag:s18] =	ssyncadd.s32 $0xFFFFF800  }
0xf2: {  	s2 =	sshll.u32 s11, $0x6;
	[bflag:$0x0] =	sbarrier.arrive $0xFFFF  }
0xf3: {  	s12 =	sshrl.u32 s5, $0x3;
	s2 =	sor.u32 $0x1C06, s2;
	s13 =	rddreg [dreg:$0xa]  }
0xf4: {  	[hbm:s13], [sflag:s2] =	dma.local [spmem:s12], $0x2800  }
0xf5: {  	_ =	swait.ge [sflag:s18], $0x2800  }
0xf6: {  	s0 =	sadd.s32 $0x1, s0;
	s19 =	rddreg [dreg:$0xb]  }
0xf7: {  	p0 =	sne.s32 s0, s19  }
.Ltmp2:
0xf8: {  	_ = 	snop;
	(pc) =	sbr.rel @p0 .LBB2_1-.Ltmp2, $3  }
0xf9: {  	_ =	sdelay $0x1  }
0xfa: {  	[sflag:s18] =	ssyncset.done $0x0  }
0xfb: {  	[sflag:s18] =	ssyncadd.s32 $0xFFFFD800  }
0xfc: {  	_ =	sfence.sel $0x180000  }
0xfd: {  	[bflag:$0x0] =	sbarrier.arrive $0xFFFF  }
0xfe: {  	_ =	strace $0x9000004D  }
0xff: {  	s0 =	stileid.u32;
	[bflag:$0x2] =	sbarrier.arrive $0xFFFF  }
0x100: {  	p0 =	sne.s32 s0, $0x0;
	s0 =	rddreg [dreg:$0x3]  }
0x101: {  	s0 =	sadd.s32 @!p0 $0x100000, s0  }
0x102: {  	[sflag:s0] =	ssyncadd.tile.s32 @!p0 $0x1;
	_ =	shalt  }
.Lfunc_end2:
_tile_overlayer_lowered:
.L_overlay_start_2:
0x103: {  	(tag) =	ssettag $0x2  }
0x104: {  	s0 =	rddreg [dreg:$0x0];
	s2 =	stileid.u32  }
0x105: {  	s1 =	rddreg [dreg:$0x1];
	p0 =	sne.s32 s2, $0x0  }
0x106: {  	s3 =	rddreg [dreg:$0x2];
	[bflag:$0x3] =	sbarrier.arrive $0xFFFF;
	s2 =	simm.s32 @!p0 $0x1C06  }
0x107: {  	[timem:s3], [sflag:s2] =	dma.local @!p0 [hbm:s0], s1  }
0x108: {  	s0 =	simm.s32 @!p0 $0x6  }
0x109: {  	_ =	swait.ge @!p0 [sflag:s0], s1  }
0x10a: {  	s1 =	ssub.s32 @!p0 $0x0, s1;
	[sflag:s0] =	ssyncset.done @!p0 $0x0  }
0x10b: {  	[sflag:s0] =	ssyncadd.s32 @!p0 s1  }
0x10c: {  	[bflag:$0x3] =	sbarrier.arrive $0xFFFF  }
0x10d: {  	_ =	shalt  }

// kernel: kernel.8.cloned.1.call-start
scs
__scs_entry_jumppad:
0x0: {  	(pc) =	sbr.rel $0x88, $3  }
0x1: {  	(tag) =	ssettag $0x0;
	lr =	simm.s32 $0x1  }
0x2: {  	[smem:$0x3F95] =	sst lr;
	_ =	strace $0xD0000000  }
0x3: {  	_ = 	snop  }
0x4: {  	_ = 	snop  }
0x5: {  	_ = 	snop  }
0x6: {  	_ = 	snop  }
0x7: {  	_ = 	snop  }
__scs_overlays_trampoline_lowered:
0x8: {  	[smem:$0x3FA4] =	sst s0  }
0x9: {  	[smem:$0x3FA5] =	sst s1  }
0xa: {  	[smem:$0x3FA6] =	sst s2  }
0xb: {  	[smem:$0x3FA7] =	sst s3  }
0xc: {  	[smem:$0x3FA8] =	sst s4  }
0xd: {  	[smem:$0x3FA9] =	sst s5  }
0xe: {  	[smem:$0x3FAA] =	sst s6  }
0xf: {  	[smem:$0x3FAB] =	sst s7  }
0x10: {  	[smem:$0x3FAC] =	sst s8  }
0x11: {  	[smem:$0x3FAD] =	sst s9;
	s0 =	simm.s32 @!p0 $0x0  }
0x12: {  	s1 =	sld [smem:$0x3F93];
	s0 =	simm.s32 @p0 $0x1  }
0x13: {  	[smem:$0x3FAE] =	sst s0;
	s0 =	simm.s32 @!p1 $0x0  }
0x14: {  	s2 =	sld [smem:$0x3F92];
	s0 =	simm.s32 @p1 $0x1  }
0x15: {  	[smem:$0x3FAF] =	sst s0;
	s0 =	simm.s32 @!p2 $0x0  }
0x16: {  	s3 =	sld [smem:$0x3FDB];
	s0 =	simm.s32 @p2 $0x1  }
0x17: {  	s4 =	simm.s32 $0x1BF5;
	[smem:$0x3FB1] =	sst s0  }
0x18: {  	s0 =	sld [smem:$0x3F94];
	_ =	swait.ge [sflag:s4], $0x0  }
0x19: {  	s7 =	sld [smem:$0x3F95]  }
0x1a: {  	s8 =	sadd.s32 $0xFFFFE003, lr  }
0x1b: {  	s9 =	sadd.s32 $0xFFFFFEF7, lr;
	s5 =	simm.s32 $0xFFFFFFFF;
	p2 =	slt.u32 s8, $0xFFFFF086  }
0x1c: {  	p1 =	slt.u32 s9, $0xF7A;
	s5 =	simm.s32 @!p2 $0x0  }
0x1d: {  	s5 =	simm.s32 @p1 $0x1;
	p0 =	seq.s32 s7, s2  }
0x1e: {  	s7 =	smul.u32 @!p0 $0xF7A, s2;
	p2 =	seq.s32 @!p0 s5, $0x0  }
0x1f: {  	s9 =	smul.u32 $0xF7A, s1;
	s8 =	simm.s32 @!p0 $0x1BF5;
	p2 =	por !p2, p0  }
0x20: {  	[sflag:s8] =	ssyncset.s32 @!p0 $0xFFFFF086;
	s6 =	sadd.s32 @!p0 s3, s7;
	s7 =	simm.s32 @!p0 $0x108  }
0x21: {  	s3 =	sadd.s32 s3, s9;
	s6 =	sadd.s32 @!p0 $0x88, s6;
	s7 =	simm.s32 @p2 $0x1082  }
0x22: {  	[simem:s7], [sflag:s8] =	dma.local @!p0 [hbm:s6], $0xF7A  }
0x23: {  	s9 =	sor.u32 $0xD0000000, s2;
	s6 =	simm.s32 $0x108;
	_ =	swait.ge @!p0 [sflag:s8], $0x0  }
0x24: {  	s3 =	sadd.s32 $0x88, s3;
	s6 =	simm.s32 @!p1 $0x1082;
	[sflag:s4] =	ssyncset.s32 $0xFFFFF086  }
0x25: {  	[simem:s6], [sflag:s4] =	dma.local [hbm:s3], $0xF7A  }
0x26: {  	[smem:$0x3F95] =	sst s1;
	(tag) =	ssettag s2;
	_ =	strace s9  }
0x27: {  	s1 =	sld [smem:$0x3FA5]  }
0x28: {  	s2 =	sld [smem:$0x3FA6]  }
0x29: {  	s4 =	sld [smem:$0x3FA8]  }
0x2a: {  	p0 =	seq.s32 s5, $0x0;
	s5 =	sld [smem:$0x3FA9]  }
0x2b: {  	s6 =	sld [smem:$0x3FAA]  }
0x2c: {  	s7 =	sld [smem:$0x3FAB]  }
0x2d: {  	s3 =	simm.s32 $0x108;
	s8 =	sld [smem:$0x3FAC]  }
0x2e: {  	s3 =	simm.s32 @!p0 $0x1082;
	s9 =	sld [smem:$0x3FAD]  }
0x2f: {  	lr =	sadd.s32 s0, s3;
	s0 =	sld [smem:$0x3FA4]  }
0x30: {  	s3 =	sld [smem:$0x3FA7]  }
0x31: {  	[smem:$0x3FB0] =	sst s10  }
0x32: {  	s10 =	sld [smem:$0x3FAE];
	_ =	sdelay $0x3  }
0x33: {  	p0 =	seq.s32 s10, $0x1;
	s10 =	sld [smem:$0x3FB0];
	_ =	sdelay $0x3  }
0x34: {  	[smem:$0x3FB0] =	sst s10  }
0x35: {  	s10 =	sld [smem:$0x3FAF];
	_ =	sdelay $0x3  }
0x36: {  	p1 =	seq.s32 s10, $0x1;
	s10 =	sld [smem:$0x3FB0];
	_ =	sdelay $0x3  }
0x37: {  	[smem:$0x3FB0] =	sst s10  }
0x38: {  	s10 =	sld [smem:$0x3FB1]  }
0x39: {  	_ = 	snop;
	(pc) =	sbr.ind lr, $3  }
0x3a: {  	_ = 	snop  }
0x3b: {  	_ = 	snop  }
0x3c: {  	p2 =	seq.s32 s10, $0x1;
	s10 =	sld [smem:$0x3FB0]  }
0x3d: {  	_ =	shalt  }
0x3e: {  	_ =	shalt  }
0x3f: {  	_ =	shalt  }
0x40: {  	_ =	shalt  }
0x41: {  	_ =	shalt  }
0x42: {  	_ =	shalt  }
0x43: {  	_ =	shalt  }
0x44: {  	_ =	shalt  }
0x45: {  	_ =	shalt  }
0x46: {  	_ =	shalt  }
0x47: {  	_ =	shalt  }
0x48: {  	_ =	shalt  }
0x49: {  	_ =	shalt  }
0x4a: {  	_ =	shalt  }
0x4b: {  	_ =	shalt  }
0x4c: {  	_ =	shalt  }
0x4d: {  	_ =	shalt  }
0x4e: {  	_ =	shalt  }
0x4f: {  	_ =	shalt  }
0x50: {  	_ =	shalt  }
0x51: {  	_ =	shalt  }
0x52: {  	_ =	shalt  }
0x53: {  	_ =	shalt  }
0x54: {  	_ =	shalt  }
0x55: {  	_ =	shalt  }
0x56: {  	_ =	shalt  }
0x57: {  	_ =	shalt  }
0x58: {  	_ =	shalt  }
0x59: {  	_ =	shalt  }
0x5a: {  	_ =	shalt  }
0x5b: {  	_ =	shalt  }
0x5c: {  	_ =	shalt  }
0x5d: {  	_ =	shalt  }
0x5e: {  	_ =	shalt  }
0x5f: {  	_ =	shalt  }
0x60: {  	_ =	shalt  }
0x61: {  	_ =	shalt  }
0x62: {  	_ =	shalt  }
0x63: {  	_ =	shalt  }
0x64: {  	_ =	shalt  }
0x65: {  	_ =	shalt  }
0x66: {  	_ =	shalt  }
0x67: {  	_ =	shalt  }
0x68: {  	_ =	shalt  }
0x69: {  	_ =	shalt  }
0x6a: {  	_ =	shalt  }
0x6b: {  	_ =	shalt  }
0x6c: {  	_ =	shalt  }
0x6d: {  	_ =	shalt  }
0x6e: {  	_ =	shalt  }
0x6f: {  	_ =	shalt  }
0x70: {  	_ =	shalt  }
0x71: {  	_ =	shalt  }
0x72: {  	_ =	shalt  }
0x73: {  	_ =	shalt  }
0x74: {  	_ =	shalt  }
0x75: {  	_ =	shalt  }
0x76: {  	_ =	shalt  }
0x77: {  	_ =	shalt  }
0x78: {  	_ =	shalt  }
0x79: {  	_ =	shalt  }
0x7a: {  	_ =	shalt  }
0x7b: {  	_ =	shalt  }
0x7c: {  	_ =	shalt  }
0x7d: {  	_ =	shalt  }
0x7e: {  	_ =	shalt  }
0x7f: {  	_ =	shalt  }
0x80: {  	_ =	shalt  }
0x81: {  	_ =	shalt  }
0x82: {  	_ =	shalt  }
0x83: {  	_ =	shalt  }
0x84: {  	_ =	shalt  }
0x85: {  	_ =	shalt  }
0x86: {  	_ =	shalt  }
0x87: {  	_ =	shalt  }
.Lfunc_end0:
.L_simem_size_0:
called_computation_lowered:
.L_overlay_start_0:
0x88: {  	s2 =	sld [smem:$0x3FD9]  }
0x89: {  	s3 =	sld [smem:$0x3FFE];
	_ =	sdelay $0x1  }
0x8a: {  	s1 =	srdreg.scid  }
0x8b: {  	s0 =	sand.u32 $0x1, s1  }
0x8c: {  	s16 =	sshll.u32 s0, $0xA;
	s2 =	sadd.s32 s3, s2  }
0x8d: {  	s2 =	sadd.s32 s2, s16  }
0x8e: {  	[smem:$0x3FBC] =	sst s2  }
0x8f: {  	_ = 	snop  }
0x90: {  	(tm) =	ssettm $0x1  }
0x91: {  	s17 =	sld [smem:$0x3FFB];
	_ =	sdelay $0x3  }
0x92: {  	_ =	strace s17  }
0x93: {  	s2 =	sld [smem:$0x3FFC];
	_ =	sdelay $0x3  }
0x94: {  	_ =	strace s2  }
0x95: {  	s2 =	sld [smem:$0x3FFD];
	_ =	sdelay $0x3  }
0x96: {  	_ =	strace s2  }
0x97: {  	_ =	strace $0x8FFFFFFF  }
0x98: {  	s18 =	sld [smem:$0x3FDB];
	_ =	sdelay $0x1  }
0x99: {  	s19 =	simm.s32 $_scs_section_size  }
0x9a: {  	s4 =	simm.s32 $_size__tile_overlayer_lowered;
	s5 =	simm.s32 $_tile_overlayer_lowered  }
0x9b: {  	s22 =	simm.s32 $0x1BFF;
	s21 =	sshll.u32 s5, $0x1;
	s2 =	sadd.s32 s19, s18  }
0x9c: {  	s6 =	simm.s32 $0x0;
	s20 =	sshll.u32 s4, $0x1;
	s4 =	sadd.s32 s21, s2  }
0x9d: {  	[timem:s6], [sflag:s22] =	dma.local [hbm:s4], s20  }
0x9e: {  	_ =	swait.ge [sflag:s22], s20  }
0x9f: {  	s3 =	ssub.s32 $0x0, s20;
	[sflag:s22] =	ssyncset.done $0x0  }
0xa0: {  	[sflag:s22] =	ssyncadd.s32 s3;
	_ =	sdelay $0x1  }
0xa1: {  	s23 =	simm.s32 $0x1B8B  }
0xa2: {  	_ =	swait.ge [sflag:s23], $0x1  }
0xa3: {  	[sflag:s23] =	ssyncset.done $0x0  }
0xa4: {  	s25 =	simm.s32 $0x1B8E;
	s24 =	sld [smem:$0x3FFE];
	[sflag:s23] =	ssyncadd.s32 $0xFFFFFFFF  }
0xa5: {  	s26 =	simm.s32 $execute0_lowered;
	[smem:$0x3FD2] =	sst s25  }
0xa6: {  	s4 =	sshll.u32 s26, $0x1;
	_ =	strace $0x80000046;
	[dreg:$0x1] =	wrdreg $0xFFFFFFFF  }
0xa7: {  	s28 =	simm.s32 $_size_execute0_lowered;
	s2 =	sadd.s32 s2, s4;
	[dreg:$0x0] =	wrdreg $0x0  }
0xa8: {  	s4 =	sshll.u32 s28, $0x1;
	[dreg:$0x2] =	wrdreg s2  }
0xa9: {  	[dreg:$0x3] =	wrdreg s4  }
0xaa: {  	[dreg:$0x4] =	wrdreg $0xC0  }
0xab: {  	_ =	task [dreg:s6], $0x5FFFF  }
0xac: {  	[dreg:$0x1] =	wrdreg $0xFFFFFFFF  }
0xad: {  	[dreg:$0x0] =	wrdreg $0x60  }
0xae: {  	[dreg:$0x2] =	wrdreg s24  }
0xaf: {  	[dreg:$0x3] =	wrdreg $0x35000  }
0xb0: {  	[dreg:$0x4] =	wrdreg $0x9  }
0xb1: {  	_ =	task.clear_ibuf [dreg:s6], $0x5FFFF;
	_ =	strace $0x90000046  }
0xb2: {  	s29 =	simm.s32 $0x9;
	_ =	strace $0x80000048  }
0xb3: {  	_ =	swait.ge [sflag:s29], $0x1  }
0xb4: {  	[sflag:s29] =	ssyncadd.s32 $0xFFFFFFFF  }
0xb5: {  	_ =	strace $0x90000048  }
0xb6: {  	_ =	sfence  }
0xb7: {  	s30 =	sld [smem:$0x0];
	_ =	sdelay $0x2  }
0xb8: {  	s31 =	sshll.u32 s1, $0xD;
	s1 =	sshrl.u32 s1, $0x2  }
0xb9: {  	s3 =	sand.u32 $0x4000, s31;
	s1 =	sadd.s32 s1, s30  }
0xba: {  	s0 =	sor.u32 s3, s0;
	s1 =	sshll.u32 s1, $0x11  }
0xbb: {  	s0 =	sor.u32 s1, s0  }
0xbc: {  	s0 =	sadd.s32 $0x8F2B, s0  }
0xbd: {  	[sflag:s0] =	ssyncadd.remote.s32 $0x1  }
0xbe: {  	_ =	sfence.sel $0xFFFF  }
0xbf: {  	[dreg:$0x0] =	wrdreg $0xFFFFFFFF;
	(pc) =	sbr.abs _section_cstart, $3  }
0xc0: {  	[dreg:$0x1] =	wrdreg $0xFFFFFFFF  }
0xc1: {  	_ =	task.clear_ibuf [dreg:s6], $0x2FFFF;
	_ =	strace $0x9FFFFFFF  }
0xc2: {  	(tm) =	ssettm $0x7FFFFFFF  }
0xc3: {  	_ =	shalt  }
tec
execute0_lowered:
.L_overlay_start_1:
0x0: {  	(tag) =	ssettag $0x1  }
0x1: {  	s3 =	rddreg [dreg:$0x0]  }
0x2: {  	s4 =	rddreg [dreg:$0x1]  }
0x3: {  	s0 =	rddreg [dreg:$0x2];
	s1 =	stileid.u32  }
0x4: {  	s2 =	simm.s32 $0x0;
	s7 =	srdreg.scid;
	s5 =	smul.u32 $0x2710, s1  }
0x5: {  	s12 =	simm.s32 $0x1;
	s13 =	simm.s32 $0x800;
	s6 =	smul.u32 $0x50, s1  }
0x6: {  	s15 =	simm.s32 $0x3280;
	s16 =	simm.s32 $0x0;
	s25 =	smul.u32 $0xA000, s1  }
0x7: {  	[smem:$0x7FF] =	sst s2;
	s14 =	sand.u32 $0x1, s7;
	s9 =	smul.u32 $0xA00, s1  }
0x8: {  	_ =	strace $0x80000047;
	s8 =	ssub.s32 $0x2, s14;
	p0 =	sne.s32 s14, $0x0  }
0x9: {  	s14 =	simm.s32 $0x3000;
	s5 =	sshrl.u32 s5, $0x3;
	s26 =	sadd.s32 s6, s3  }
.Ltmp0:
0xa: {  	s28 =	sshrl.u32 s8, $0x1;
	s30 =	sshrl.u32 s25, $0x2;
	(pc) =	sbr.rel .LBB2_1-.Ltmp0, $4  }
0xb: {  	s31 =	sshrl.u32 s9, $0x2;
	s11 =	sadd.s32 s5, s3;
	s29 =	ssub.s32 s8, s28  }
0xc: {  	s3 =	sadd.s32 s30, s4;
	s4 =	sadd.s32 s31, s4;
	s5 =	sadd.s32 $0x7200, s26  }
0xd: {  	s6 =	smax.u32 s29, $0x1;
	s7 =	sadd.s32 $0x2200, s11;
	s8 =	sadd.s32 $0x22FA, s11  }
0xe: {  	v0 =	vimm.f32 $0.0e+00;
	v1 =	vimm.f32 $1.000000000e+00;
	s9 =	sadd.s32 $0x23F4, s11;
	s10 =	sadd.s32 $0x24EE, s11;
	s11 =	sadd.s32 $0x25E8, s11  }
.LBB2_19:
0xf: {  	s16 =	sadd.s32 $0x1, s16  }
0x10: {  	p1 =	sne.s32 s16, s6  }
.Ltmp1:
0x11: {  	_ = 	snop;
	(pc) =	sbr.rel @!p1 .LBB2_20-.Ltmp1, $1  }
0x12: {  	_ =	sdelay $0x3  }
.LBB2_1:
0x13: {  	s17 =	simm.s32 $0x40;
	s18 =	simm.s32 $0x0  }
.LBB2_2:
0x14: {  	p1 =	sne.s32 s17, $0x9FC0;
	[tilespmem:s18+$0x800] =	vst v0;
	s18 =	smov.u32 s17;
	s17 =	sadd.s32 $0x40, s17  }
.Ltmp2:
0x15: {  	(pc) =	sbr.rel @p1 .LBB2_2-.Ltmp2, $2  }
0x16: {  	_ =	sdelay $0x2  }
0x17: {  	s18 =	sshra.s32 s18, $0x2  }
0x18: {  	[tilespmem:s18+$0x800] =	vst v0;
	s17 =	simm.s32 $0x0  }
0x19: {  	[tilespmem:s17], [sflag:$0x1] =	stream.linear.gather [hbm4b:s7+s17], $0x7D0, $0x38;
	[tilespmem:$0x5D00] =	vst v63  }
0x1a: {  	_ =	swait.ge [sflag:s12], $0x7D0  }
0x1b: {  	[sflag:s12] =	ssyncset.done $0x0  }
0x1c: {  	s18 =	simm.s32 $0x0;
	s17 =	simm.s32 $0x40;
	[sflag:s12] =	ssyncadd.s32 $0xFFFFF830  }
.LBB2_4:
0x1d: {  	p1 =	sne.s32 s17, $0x1F00;
	v2 =	vld [tilespmem:s18+$0x0];
	_ =	sdelay $0x3  }
.Ltmp3:
0x1e: {  	(pc) =	sbr.rel @p1 .LBB2_4-.Ltmp3, $2  }
0x1f: {  	_ =	sdelay $0x2  }
0x20: {  	s18 =	sshra.s32 s17, $0x2;
	s17 =	sadd.s32 $0x40, s17;
	[tilespmem:v2+s13+$0x0] =	vst.idx.add.f32.msk $0xffff, v1  }
0x21: {  	v2 =	vld [tilespmem:s18+$0x0];
	_ =	sdelay $0x7  }
0x22: {  	s17 =	simm.s32 $0x0;
	[tilespmem:v2+s13+$0x0] =	vst.idx.add.f32.msk $0xffff, v1  }
0x23: {  	[tilespmem:s17], [sflag:$0x1] =	stream.linear.gather [hbm4b:s8+s17], $0x7D0, $0x38;
	[tilespmem:$0x5D00] =	vst v63  }
0x24: {  	_ =	swait.ge [sflag:s12], $0x7D0  }
0x25: {  	[sflag:s12] =	ssyncset.done $0x0  }
0x26: {  	s18 =	simm.s32 $0x0;
	s17 =	simm.s32 $0x40;
	[sflag:s12] =	ssyncadd.s32 $0xFFFFF830  }
.LBB2_6:
0x27: {  	p1 =	sne.s32 s17, $0x1F00;
	v2 =	vld [tilespmem:s18+$0x0];
	_ =	sdelay $0x3  }
.Ltmp4:
0x28: {  	(pc) =	sbr.rel @p1 .LBB2_6-.Ltmp4, $2  }
0x29: {  	_ =	sdelay $0x2  }
0x2a: {  	s18 =	sshra.s32 s17, $0x2;
	s17 =	sadd.s32 $0x40, s17;
	[tilespmem:v2+s13+$0x0] =	vst.idx.add.f32.msk $0xffff, v1  }
0x2b: {  	v2 =	vld [tilespmem:s18+$0x0];
	_ =	sdelay $0x7  }
0x2c: {  	s17 =	simm.s32 $0x0;
	[tilespmem:v2+s13+$0x0] =	vst.idx.add.f32.msk $0xffff, v1  }
0x2d: {  	[tilespmem:s17], [sflag:$0x1] =	stream.linear.gather [hbm4b:s9+s17], $0x7D0, $0x38;
	[tilespmem:$0x5D00] =	vst v63  }
0x2e: {  	_ =	swait.ge [sflag:s12], $0x7D0  }
0x2f: {  	[sflag:s12] =	ssyncset.done $0x0  }
0x30: {  	s18 =	simm.s32 $0x0;
	s17 =	simm.s32 $0x40;
	[sflag:s12] =	ssyncadd.s32 $0xFFFFF830  }
.LBB2_8:
0x31: {  	p1 =	sne.s32 s17, $0x1F00;
	v2 =	vld [tilespmem:s18+$0x0];
	_ =	sdelay $0x3  }
.Ltmp5:
0x32: {  	(pc) =	sbr.rel @p1 .LBB2_8-.Ltmp5, $2  }
0x33: {  	_ =	sdelay $0x2  }
0x34: {  	s18 =	sshra.s32 s17, $0x2;
	s17 =	sadd.s32 $0x40, s17;
	[tilespmem:v2+s13+$0x0] =	vst.idx.add.f32.msk $0xffff, v1  }
0x35: {  	v2 =	vld [tilespmem:s18+$0x0];
	_ =	sdelay $0x7  }
0x36: {  	s17 =	simm.s32 $0x0;
	[tilespmem:v2+s13+$0x0] =	vst.idx.add.f32.msk $0xffff, v1  }
0x37: {  	[tilespmem:s17], [sflag:$0x1] =	stream.linear.gather [hbm4b:s10+s17], $0x7D0, $0x38;
	[tilespmem:$0x5D00] =	vst v63  }
0x38: {  	_ =	swait.ge [sflag:s12], $0x7D0  }
0x39: {  	[sflag:s12] =	ssyncset.done $0x0  }
0x3a: {  	s18 =	simm.s32 $0x0;
	s17 =	simm.s32 $0x40;
	[sflag:s12] =	ssyncadd.s32 $0xFFFFF830  }
.LBB2_10:
0x3b: {  	p1 =	sne.s32 s17, $0x1F00;
	v2 =	vld [tilespmem:s18+$0x0];
	_ =	sdelay $0x3  }
.Ltmp6:
0x3c: {  	(pc) =	sbr.rel @p1 .LBB2_10-.Ltmp6, $2  }
0x3d: {  	_ =	sdelay $0x2  }
0x3e: {  	s18 =	sshra.s32 s17, $0x2;
	s17 =	sadd.s32 $0x40, s17;
	[tilespmem:v2+s13+$0x0] =	vst.idx.add.f32.msk $0xffff, v1  }
0x3f: {  	v2 =	vld [tilespmem:s18+$0x0];
	_ =	sdelay $0x7  }
0x40: {  	s17 =	simm.s32 $0x0;
	[tilespmem:v2+s13+$0x0] =	vst.idx.add.f32.msk $0xffff, v1  }
0x41: {  	[tilespmem:s17], [sflag:$0x1] =	stream.linear.gather [hbm4b:s11+s17], $0x7D0, $0x38;
	[tilespmem:$0x5D00] =	vst v63  }
0x42: {  	_ =	swait.ge [sflag:s12], $0x7D0  }
0x43: {  	[sflag:s12] =	ssyncset.done $0x0  }
0x44: {  	s18 =	simm.s32 $0x0;
	s17 =	simm.s32 $0x40;
	[sflag:s12] =	ssyncadd.s32 $0xFFFFF830  }
.LBB2_12:
0x45: {  	p1 =	sne.s32 s17, $0x1F00;
	v2 =	vld [tilespmem:s18+$0x0];
	_ =	sdelay $0x3  }
.Ltmp7:
0x46: {  	(pc) =	sbr.rel @p1 .LBB2_12-.Ltmp7, $2  }
0x47: {  	_ =	sdelay $0x2  }
0x48: {  	s18 =	sshra.s32 s17, $0x2;
	s17 =	sadd.s32 $0x40, s17;
	[tilespmem:v2+s13+$0x0] =	vst.idx.add.f32.msk $0xffff, v1  }
0x49: {  	v2 =	vld [tilespmem:s18+$0x0];
	_ =	sdelay $0x7  }
0x4a: {  	[tilespmem:v2+s13+$0x0] =	vst.idx.add.f32.msk $0xffff, v1  }
0x4b: {  	[spmem:s3] =	stream.linear.scatter [tilespmem:s13], [sflag:$0x1], $0x2800, $0x38;
	[tilespmem:$0x5D00] =	vst v63  }
.Ltmp8:
0x4c: {  	_ =	swait.ge [sflag:s12], $0x2800;
	(pc) =	sbr.rel @p0 .LBB2_19-.Ltmp8, $3  }
0x4d: {  	[sflag:s12] =	ssyncset.done $0x0  }
0x4e: {  	[sflag:s12] =	ssyncadd.s32 $0xFFFFD800  }
0x4f: {  	[bflag:$0x0] =	sbarrier.arrive $0xFFFF;
	_ =	sdelay $0x1  }
0x50: {  	[tilespmem:$0x3280] =	vst v0  }
0x51: {  	[tilespmem:$0x3290] =	vst v0  }
0x52: {  	[tilespmem:$0x32A0] =	vst v0  }
0x53: {  	[tilespmem:$0x32B0] =	vst v0  }
0x54: {  	[tilespmem:$0x32C0] =	vst v0  }
0x55: {  	[tilespmem:$0x32D0] =	vst v0  }
0x56: {  	[tilespmem:$0x32E0] =	vst v0  }
0x57: {  	[tilespmem:$0x32F0] =	vst v0  }
0x58: {  	[tilespmem:$0x3300] =	vst v0  }
0x59: {  	[tilespmem:$0x3310] =	vst v0  }
0x5a: {  	[tilespmem:$0x3320] =	vst v0  }
0x5b: {  	[tilespmem:$0x3330] =	vst v0  }
0x5c: {  	[tilespmem:$0x3340] =	vst v0  }
0x5d: {  	[tilespmem:$0x3350] =	vst v0  }
0x5e: {  	[tilespmem:$0x3360] =	vst v0  }
0x5f: {  	[tilespmem:$0x3370] =	vst v0  }
0x60: {  	[tilespmem:$0x3380] =	vst v0  }
0x61: {  	[tilespmem:$0x3390] =	vst v0  }
0x62: {  	[tilespmem:$0x33A0] =	vst v0  }
0x63: {  	[tilespmem:$0x33B0] =	vst v0  }
0x64: {  	[tilespmem:$0x33C0] =	vst v0  }
0x65: {  	[tilespmem:$0x33D0] =	vst v0  }
0x66: {  	[tilespmem:$0x33E0] =	vst v0  }
0x67: {  	[tilespmem:$0x33F0] =	vst v0  }
0x68: {  	[tilespmem:$0x3400] =	vst v0  }
0x69: {  	[tilespmem:$0x3410] =	vst v0  }
0x6a: {  	[tilespmem:$0x3420] =	vst v0  }
0x6b: {  	[tilespmem:$0x3430] =	vst v0  }
0x6c: {  	[tilespmem:$0x3440] =	vst v0  }
0x6d: {  	[tilespmem:$0x3450] =	vst v0  }
0x6e: {  	[tilespmem:$0x3460] =	vst v0  }
0x6f: {  	[tilespmem:$0x3470] =	vst v0  }
0x70: {  	[tilespmem:$0x3480] =	vst v0  }
0x71: {  	[tilespmem:$0x3490] =	vst v0  }
0x72: {  	[tilespmem:$0x34A0] =	vst v0  }
0x73: {  	[tilespmem:$0x34B0] =	vst v0  }
0x74: {  	[tilespmem:$0x34C0] =	vst v0  }
0x75: {  	[tilespmem:$0x34D0] =	vst v0  }
0x76: {  	[tilespmem:$0x34E0] =	vst v0  }
0x77: {  	[tilespmem:$0x34F0] =	vst v0;
	s17 =	simm.s32 $0x0  }
.LBB2_15:
0x78: {  	s18 =	smul.u32 $0xA000, s17;
	_ =	sdelay $0x1  }
0x79: {  	s18 =	sshra.s32 s18, $0x2  }
0x7a: {  	s18 =	sadd.s32 s18, s4  }
0x7b: {  	[tilespmem:s14], [sflag:$0x1] =	stream.linear.gather [spmem:s18], $0x280, $0x38;
	[tilespmem:$0x5D00] =	vst v63  }
0x7c: {  	_ =	swait.ge [sflag:s12], $0x280  }
0x7d: {  	[sflag:s12] =	ssyncset.done $0x0  }
0x7e: {  	s18 =	simm.s32 $0x0;
	[sflag:s12] =	ssyncadd.s32 $0xFFFFFD80  }
0x7f: {  	s19 =	simm.s32 $0x40;
	v2 =	vld [tilespmem:s18+$0x3000]  }
.LBB2_16:
0x80: {  	p1 =	sne.s32 s19, $0x9C0;
	v3 =	vld [tilespmem:s18+$0x3280];
	_ =	sdelay $0x2  }
.Ltmp9:
0x81: {  	(pc) =	sbr.rel @p1 .LBB2_16-.Ltmp9, $4  }
0x82: {  	_ = 	snop  }
0x83: {  	v3 =	vadd.f32 v2, v3  }
0x84: {  	s20 =	sshra.s32 s19, $0x2  }
0x85: {  	s19 =	sadd.s32 $0x40, s19;
	v2 =	vld [tilespmem:s20+$0x3000];
	[tilespmem:s18+$0x3280] =	vst v3;
	s18 =	smov.u32 s20  }
0x86: {  	v3 =	vld [tilespmem:s18+$0x3280]  }
0x87: {  	s17 =	sadd.s32 $0x1, s17  }
0x88: {  	p1 =	sne.s32 s17, $0x10  }
.Ltmp10:
0x89: {  	_ = 	snop;
	(pc) =	sbr.rel @p1 .LBB2_15-.Ltmp10, $3  }
0x8a: {  	_ = 	snop  }
0x8b: {  	v2 =	vadd.f32 v2, v3;
	_ =	sdelay $0x1  }
0x8c: {  	[tilespmem:s18+$0x3280] =	vst v2  }
.Ltmp11:
0x8d: {  	(pc) =	sbr.rel .LBB2_19-.Ltmp11, $4  }
0x8e: {  	[hbm4b:s5+s2] =	stream.linear.scatter [tilespmem:s15], [sflag:$0x1], $0x280, $0x38;
	[tilespmem:$0x5D00] =	vst v63  }
0x8f: {  	_ =	swait.ge [sflag:s12], $0x280  }
0x90: {  	[sflag:s12] =	ssyncset.done $0x0  }
0x91: {  	[sflag:s12] =	ssyncadd.s32 $0xFFFFFD80  }
.LBB2_20:
0x92: {  	_ =	sfence.sel $0x180000  }
0x93: {  	[bflag:$0x0] =	sbarrier.arrive $0xFFFF  }
0x94: {  	p0 =	sne.s32 s1, $0x0;
	_ =	strace $0x90000047  }
0x95: {  	s0 =	sadd.s32 @!p0 $0x100000, s0;
	[bflag:$0x2] =	sbarrier.arrive $0xFFFF  }
0x96: {  	[sflag:s0] =	ssyncadd.tile.s32 @!p0 $0x1;
	_ =	shalt  }
.Lfunc_end2:
_tile_overlayer_lowered:
.L_overlay_start_2:
0x97: {  	(tag) =	ssettag $0x2  }
0x98: {  	s0 =	rddreg [dreg:$0x0];
	s2 =	stileid.u32  }
0x99: {  	s1 =	rddreg [dreg:$0x1];
	p0 =	sne.s32 s2, $0x0  }
0x9a: {  	s3 =	rddreg [dreg:$0x2];
	[bflag:$0x3] =	sbarrier.arrive $0xFFFF;
	s2 =	simm.s32 @!p0 $0x1C01  }
0x9b: {  	[timem:s3], [sflag:s2] =	dma.local @!p0 [hbm:s0], s1  }
0x9c: {  	s0 =	simm.s32 @!p0 $0x1  }
0x9d: {  	_ =	swait.ge @!p0 [sflag:s0], s1  }
0x9e: {  	s1 =	ssub.s32 @!p0 $0x0, s1;
	[sflag:s0] =	ssyncset.done @!p0 $0x0  }
0x9f: {  	[sflag:s0] =	ssyncadd.s32 @!p0 s1  }
0xa0: {  	[bflag:$0x3] =	sbarrier.arrive $0xFFFF  }
0xa1: {  	_ =	shalt  }

</sc_bundles>
